<compile_context>
chip_gen: v7x
topology: tpu7x:2x2x1
jax: 0.10.2.dev20260603
libtpu: 0.0.44.dev20260713+nightly
codegen_flags: <defaults>
</compile_context>

<pallas_src>
import functools

import jax
import jax.numpy as jnp
from jax import lax
from jax.experimental import pallas as pl
from jax.experimental.pallas import tpu as pltpu
from jax.experimental.pallas import tpu_sc as plsc

NUM_NUM = 13
NUM_CAT = 26
BATCH = 4096
VOCAB = 100000
D = 64

L = 16
NSUB = 16
VW = 6272
VLAST = 5888
VSTRIP = 15 * VW + VLAST
BSLICE = BATCH // NSUB
MAILBOX = 8 * BATCH
GROUPS = BATCH // L


def _make_kernel():
    mesh = plsc.VectorSubcoreMesh(core_axis_name="c", subcore_axis_name="s")

    @functools.partial(
        pl.kernel,
        mesh=mesh,
        out_type=jax.ShapeDtypeStruct((NUM_CAT + NUM_NUM, D, BATCH),
                                      jnp.float32),
        compiler_params=pltpu.CompilerParams(
            use_tc_tiling_on_sc=True, needs_layout_passes=False),
        scratch_types=[
            pltpu.VMEM((2, 8, VW), jnp.float32),
            pltpu.VMEM((8, 128), jnp.float32),
            pltpu.VMEM((BATCH,), jnp.int32),
            pltpu.VMEM((BATCH + L,), jnp.int32),
            pltpu.VMEM((BATCH + L,), jnp.int32),
            pltpu.VMEM((2, 8 * L), jnp.float32),
            pltpu.VMEM((2, 8 * L), jnp.int32),
            pltpu.VMEM((8, BSLICE), jnp.float32),
            pltpu.VMEM((8 * BSLICE,), jnp.float32),
            pltpu.VMEM((NUM_NUM, BSLICE), jnp.float32),
            pltpu.VMEM((NUM_NUM, D), jnp.float32),
            pltpu.VMEM_SHARED((2 * MAILBOX + 2 * L,), jnp.float32),
            pltpu.VMEM_SHARED((8, BATCH), jnp.int32),
            pltpu.SemaphoreType.DMA,
            pltpu.SemaphoreType.DMA,
        ],
    )
    def k(tab, idx, xs, ws, strip, out, vband, vstrip, vrow, vlist, blist,
          cvals, coffs, vbuf, vtmp, xv, wv, mbox, sidx, gsem, ssem):
        ci = lax.axis_index("c")
        sid = lax.axis_index("s")
        iota = lax.iota(jnp.int32, L)
        vbase = sid * VW
        last = sid == NSUB - 1

        pltpu.sync_copy(xs.at[:, pl.ds(sid * BSLICE, BSLICE)], xv)
        pltpu.sync_copy(ws, wv)

        def mul8(x):
            return pl.multiple_of(x * 8, 8)

        def stage_start(s, buf):
            t = s // 8
            j = 2 * t + ci
            cb8 = mul8(s % 8)

            @pl.when(~last)
            def _full():
                pltpu.async_copy(
                    tab.at[j, pl.ds(cb8, 8), pl.ds(vbase, VW)],
                    vband.at[buf], gsem)

            @pl.when(last)
            def _lastw():
                pltpu.async_copy(
                    tab.at[j, pl.ds(cb8, 8), pl.ds(15 * VW, VLAST)],
                    vband.at[buf, :, pl.ds(0, VLAST)], gsem)

        def stage_wait(s, buf):
            t = s // 8
            j = 2 * t + ci
            cb8 = mul8(s % 8)

            @pl.when(~last)
            def _full():
                pltpu.make_async_copy(
                    tab.at[j, pl.ds(cb8, 8), pl.ds(vbase, VW)],
                    vband.at[buf], gsem).wait()

            @pl.when(last)
            def _lastw():
                pltpu.make_async_copy(
                    tab.at[j, pl.ds(cb8, 8), pl.ds(15 * VW, VLAST)],
                    vband.at[buf, :, pl.ds(0, VLAST)], gsem).wait()

        stage_start(0, 0)

        def s_body(s, n):
            t = s // 8
            cb = s % 8
            j = 2 * t + ci
            jb = t // 4
            buf = s % 2

            @pl.when((cb == 0) & (t % 4 == 0) & (t < 12))
            def _idx_band():
                pltpu.sync_copy(idx.at[pl.ds(mul8(jb), 8)], sidx)

            @pl.when((cb == 0) & (t == 12))
            def _idx_band_tail():
                pltpu.sync_copy(idx.at[pl.ds(24, 2)], sidx.at[pl.ds(0, 2)])

            def build(_):
                pltpu.sync_copy(sidx.at[j - jb * 8], vrow)

                def build_g(g, nacc):
                    vv = vrow[pl.ds(g * L, L)]
                    inb = (vv >= vbase) & (vv < vbase + VW)
                    cnt = plsc.all_reduce_population_count(inb)[0]
                    plsc.store_compressed(
                        vlist.at[pl.ds(nacc, L)], vv - vbase, mask=inb)
                    plsc.store_compressed(
                        blist.at[pl.ds(nacc, L)], g * L + iota, mask=inb)
                    return nacc + cnt

                return lax.fori_loop(0, GROUPS, build_g, 0)

            n = lax.cond(cb == 0, build, lambda _: n, 0)
            ngrp = (n + L - 1) // L

            stage_wait(s, buf)

            @pl.when(s < 103)
            def _prefetch():
                stage_start(s + 1, 1 - buf)

            @pl.when(last)
            def _strip():
                pltpu.sync_copy(
                    strip.at[pl.ds(mul8(j * 8 + cb), 8)], vstrip)

            def chunk_body(g, use_strip):
                cbuf = g % 2

                @pl.when(g >= 2)
                def _free_buf():
                    pltpu.make_async_copy(
                        cvals.at[0], mbox.at[coffs.at[0]], ssem).wait()

                vloc = vlist[pl.ds(g * L, L)]
                vb = blist[pl.ds(g * L, L)]
                inb = (g * L + iota) < n
                vloc = jnp.where(inb, vloc, 0)
                if use_strip:
                    vabs = vloc + vbase
                    instrip = vabs >= VSTRIP
                    vband_i = jnp.where(instrip, 0, vloc)
                    vstrip_i = jnp.where(instrip, vabs - VSTRIP, 0)
                bvec = jnp.full((L,), buf, jnp.int32)
                for c in range(8):
                    cvec = jnp.full((L,), c, jnp.int32)
                    if use_strip:
                        val = jnp.where(
                            instrip,
                            plsc.load_gather(vstrip, [cvec, vstrip_i]),
                            plsc.load_gather(
                                vband, [bvec, cvec, vband_i]))
                    else:
                        val = plsc.load_gather(
                            vband, [bvec, cvec, vloc])
                    off = jnp.where(inb, buf * MAILBOX + vb * 8 + c,
                                    2 * MAILBOX + iota)
                    cvals[cbuf, pl.ds(c * L, L)] = val
                    coffs[cbuf, pl.ds(c * L, L)] = off
                pltpu.async_copy(
                    cvals.at[cbuf], mbox.at[coffs.at[cbuf]], ssem)
                return 0

            @pl.when(~last)
            def _gather_plain():
                lax.fori_loop(0, ngrp,
                              lambda g, _: chunk_body(g, False), 0)

            @pl.when(last)
            def _gather_strip():
                lax.fori_loop(0, ngrp,
                              lambda g, _: chunk_body(g, True), 0)

            def drain(g, _):
                pltpu.make_async_copy(
                    cvals.at[0], mbox.at[coffs.at[0]], ssem).wait()
                return 0

            lax.fori_loop(0, jnp.minimum(ngrp, 2), drain, 0)
            plsc.subcore_barrier()

            pltpu.sync_copy(
                mbox.at[pl.ds(buf * MAILBOX + sid * BSLICE * 8,
                              BSLICE * 8)],
                vtmp)

            def tr_body(g, _):
                rows = (g * L + iota) * 8
                for c in range(8):
                    vbuf[c, pl.ds(g * L, L)] = plsc.load_gather(
                        vtmp, [rows + c])
                return 0

            lax.fori_loop(0, BSLICE // L, tr_body, 0)
            pltpu.sync_copy(
                vbuf,
                out.at[j, pl.ds(mul8(cb), 8),
                       pl.ds(sid * BSLICE, BSLICE)])
            return n

        lax.fori_loop(0, 104, s_body, 0)

        def num_body(t, _):
            f = t // 8
            cb = t % 8
            fmine = (f % 2) == ci

            @pl.when(fmine)
            def _num_f():
                for c in range(8):
                    col = mul8(cb) + c
                    wsplat = plsc.load_gather(
                        wv, [jnp.full((L,), f, jnp.int32),
                             jnp.full((L,), col, jnp.int32)])

                    def g_body(g, _):
                        vbuf[c, pl.ds(g * L, L)] = (
                            wsplat * xv[f, pl.ds(g * L, L)])
                        return 0

                    lax.fori_loop(0, BSLICE // L, g_body, 0)
                pltpu.sync_copy(
                    vbuf,
                    out.at[NUM_CAT + f, pl.ds(mul8(cb), 8),
                           pl.ds(sid * BSLICE, BSLICE)])
            return 0

        lax.fori_loop(0, NUM_NUM * 8, num_body, 0)

    return k


def kernel(num_features, cat_features, W_num, E_cat):
    tab = jnp.transpose(E_cat, (0, 2, 1))
    idx = cat_features.astype(jnp.int32)
    xs = num_features.reshape(NUM_NUM, BATCH)
    ws = W_num.reshape(NUM_NUM, D)
    strip = jnp.pad(tab[:, :, VSTRIP:],
                    ((0, 0), (0, 0), (0, 128 - (VOCAB + 1 - VSTRIP)))
                    ).reshape(NUM_CAT * D, 128)
    out = _make_kernel()(tab, idx, xs, ws, strip)
    return jnp.transpose(out, (2, 0, 1))

# --- scband reference (transcript-rebuilt; emitter-appended) ---
"""Pipeline reference for scband-embedding-layer-47304769798330 (READ-ONLY COPY).

The authoritative reference and input builder live on the scoring server;
editing this copy changes nothing except your own understanding.
"""

import jax, jax.numpy as jnp
import numpy as np

NUM_NUM = 13
NUM_CAT = 26
BATCH = 4096
VOCAB = 100000
D_MODEL = 64


def setup_inputs(seed: int = 0) -> dict:
    key = jax.random.key(seed)
    k1, k2, k3, k4 = jax.random.split(key, 4)
    # forward args (indexable along dim 0, mimicking a list of per-feature tensors)
    num_features = jax.random.normal(k1, (NUM_NUM, BATCH, 1), dtype=jnp.float32)
    cat_features = jax.random.randint(k2, (NUM_CAT, BATCH), 0, VOCAB)
    # learned parameters
    # one Linear(1, d_model, bias=False) per numerical feature -> stacked [13, 1, 64]
    W_num = jax.random.normal(k3, (NUM_NUM, 1, D_MODEL), dtype=jnp.float32) * 0.02
    # one nn.Embedding(num_categories + 1, d_model) per categorical feature -> stacked [26, 100001, 64]
    E_cat = jax.random.normal(k4, (NUM_CAT, VOCAB + 1, D_MODEL), dtype=jnp.float32) * 0.02
    return {"num_features": num_features, "cat_features": cat_features, "W_num": W_num, "E_cat": E_cat}


def reference(num_features, cat_features, W_num, E_cat):
    # categorical embeddings: per-feature table lookup (embedding_activation = Identity)
    cat_emb = jax.vmap(lambda tab, idx: jnp.take(tab, idx, axis=0))(E_cat, cat_features)  # [26, B, d]
    cat_emb = jnp.transpose(cat_emb, (1, 0, 2))  # stack(dim=1) -> [B, 26, d]; squeeze(dim=2) is a no-op
    # numerical embeddings: per-feature Linear(1, d_model, bias=False)
    num_emb = jnp.einsum('fbi,fid->fbd', num_features, W_num)  # [13, B, d]
    num_emb = jnp.transpose(num_emb, (1, 0, 2))  # [B, 13, d]
    # cat first, then num (matches torch.cat([cat_embeddings, num_embeddings], dim=1))
    x = jnp.concatenate([cat_emb, num_emb], axis=1)  # [B, 39, d]
    # no layer_norm_after_embedding, no cls token, embedding_dropout is None -> skipped
    return x

if __name__ == "__main__":
    import jax
    _d = setup_inputs()
    print(jax.jit(kernel)(*tuple(_d.values())))

</pallas_src>

<mosaic_0001>
#map = affine_map<(d0, d1) -> (0, 0, 0)>
#map1 = affine_map<(d0, d1) -> (0, 0)>
module attributes {stable_mosaic.version = 14 : i64} {
  func.func @k(%arg0: i32, %arg1: i32, %arg2: memref<26x64x100001xf32, #tpu.memory_space<hbm>>, %arg3: memref<26x4096xi32, #tpu.memory_space<hbm>>, %arg4: memref<13x4096xf32, #tpu.memory_space<hbm>>, %arg5: memref<13x64xf32, #tpu.memory_space<hbm>>, %arg6: memref<1664x128xf32, #tpu.memory_space<hbm>>, %arg7: memref<39x64x4096xf32, #tpu.memory_space<hbm>>, %arg8: memref<2x8x6272xf32, #tpu.memory_space<vmem>>, %arg9: memref<8x128xf32, #tpu.memory_space<vmem>>, %arg10: memref<4096xi32, #tpu.memory_space<vmem>>, %arg11: memref<4112xi32, #tpu.memory_space<vmem>>, %arg12: memref<4112xi32, #tpu.memory_space<vmem>>, %arg13: memref<2x128xf32, #tpu.memory_space<vmem>>, %arg14: memref<2x128xi32, #tpu.memory_space<vmem>>, %arg15: memref<8x256xf32, #tpu.memory_space<vmem>>, %arg16: memref<2048xf32, #tpu.memory_space<vmem>>, %arg17: memref<13x256xf32, #tpu.memory_space<vmem>>, %arg18: memref<13x64xf32, #tpu.memory_space<vmem>>, %arg19: memref<65568xf32, #tpu.memory_space<vmem_shared>>, %arg20: memref<8x4096xi32, #tpu.memory_space<vmem_shared>>, %arg21: memref<!tpu.dma_semaphore, #tpu.memory_space<semaphore_mem>>, %arg22: memref<!tpu.dma_semaphore, #tpu.memory_space<semaphore_mem>>) attributes {dimension_semantics = [#tpu.dimension_semantics<core_parallel>, #tpu.dimension_semantics<subcore_parallel>], iteration_bounds = array<i64: 2, 16>, scalar_prefetch = 0 : i64, scratch_operands = 15 : i64, tpu.core_type = #tpu.core_type<sc_vector_subcore>, window_params = [{transform_indices = #map}, {transform_indices = #map1}, {transform_indices = #map1}, {transform_indices = #map1}, {transform_indices = #map1}, {transform_indices = #map}]} {
    %iota3A = tpu.iota {dimensions = array<i32: 0>} : vector<16xi32>
    %mul3A = arith.constant 6272 : i32
    %mul3A_0 = arith.muli %arg1, %mul3A : i32
    %eq3A = arith.constant 15 : i32
    %eq3A_1 = arith.cmpi eq, %arg1, %eq3A : i32
    %mul3A_2 = arith.constant 256 : i32
    %mul3A_3 = arith.muli %arg1, %mul3A_2 : i32
    "tpu.region"() ({
      %run_scoped3A = tpu.sem_alloc : memref<!tpu.dma_semaphore, #tpu.memory_space<semaphore_mem>>
      %dma_start3A = arith.constant 0 : i32
      %dma_start3A_24 = tpu.memref_slice %arg4[%dma_start3A, %mul3A_3] : memref<13x4096xf32, #tpu.memory_space<hbm>> -> memref<13x256xf32, #tpu.memory_space<hbm>>
      %dma_start3A_25 = arith.constant 0 : i32
      %dma_start3A_26 = tpu.memref_slice %arg4[%dma_start3A_25, %mul3A_3] : memref<13x4096xf32, #tpu.memory_space<hbm>> -> memref<13x256xf32, #tpu.memory_space<hbm>>
      tpu.enqueue_dma source(%dma_start3A_26 : memref<13x256xf32, #tpu.memory_space<hbm>>) target(%arg17 : memref<13x256xf32, #tpu.memory_space<vmem>>) target_semaphore(%run_scoped3A : memref<!tpu.dma_semaphore, #tpu.memory_space<semaphore_mem>>)
      %dma_wait3A = arith.constant 0 : i32
      %dma_wait3A_27 = tpu.memref_slice %arg4[%dma_wait3A, %mul3A_3] : memref<13x4096xf32, #tpu.memory_space<hbm>> -> memref<13x256xf32, #tpu.memory_space<hbm>>
      %dma_wait3A_28 = arith.constant 0 : i32
      %dma_wait3A_29 = tpu.memref_slice %arg4[%dma_wait3A_28, %mul3A_3] : memref<13x4096xf32, #tpu.memory_space<hbm>> -> memref<13x256xf32, #tpu.memory_space<hbm>>
      tpu.wait_dma2 semaphore(%run_scoped3A : memref<!tpu.dma_semaphore, #tpu.memory_space<semaphore_mem>>) src(%dma_wait3A_29 : memref<13x256xf32, #tpu.memory_space<hbm>>) dst(%arg17 : memref<13x256xf32, #tpu.memory_space<vmem>>)
      tpu.yield
    }) : () -> ()
    "tpu.region"() ({
      %run_scoped3A = tpu.sem_alloc : memref<!tpu.dma_semaphore, #tpu.memory_space<semaphore_mem>>
      tpu.enqueue_dma source(%arg5 : memref<13x64xf32, #tpu.memory_space<hbm>>) target(%arg18 : memref<13x64xf32, #tpu.memory_space<vmem>>) target_semaphore(%run_scoped3A : memref<!tpu.dma_semaphore, #tpu.memory_space<semaphore_mem>>)
      tpu.wait_dma2 semaphore(%run_scoped3A : memref<!tpu.dma_semaphore, #tpu.memory_space<semaphore_mem>>) src(%arg5 : memref<13x64xf32, #tpu.memory_space<hbm>>) dst(%arg18 : memref<13x64xf32, #tpu.memory_space<vmem>>)
      tpu.yield
    }) : () -> ()
    %add3A = arith.constant 0 : i32
    %add3A_4 = arith.addi %add3A, %arg0 : i32
    %multiple_of3A = arith.constant 0 : i32
    %multiple_of3A_5 = tpu.assume_multiple %multiple_of3A, 8 : i32
    %not3A = arith.constant true
    %not3A_6 = arith.xori %eq3A_1, %not3A : i1
    %convert_element_type3A = arith.extui %not3A_6 : i1 to i32
    %cond3A = arith.constant 0 : i32
    %cond3A_7 = arith.cmpi ne, %convert_element_type3A, %cond3A : i32
    scf.if %cond3A_7 {
      %dma_start3A = arith.constant 0 : i32
      %dma_start3A_24 = arith.constant 0 : i32
      %dma_start3A_25 = arith.constant 0 : i32
      %dma_start3A_26 = tpu.memref_slice %arg8[%dma_start3A, %dma_start3A_24, %dma_start3A_25] : memref<2x8x6272xf32, #tpu.memory_space<vmem>> -> memref<1x8x6272xf32, #tpu.memory_space<vmem>>
      %dma_start3A_27 = tpu.memref_squeeze %dma_start3A_26 : memref<1x8x6272xf32, #tpu.memory_space<vmem>> -> memref<8x6272xf32, #tpu.memory_space<vmem>>
      %dma_start3A_28 = tpu.memref_slice %arg2[%add3A_4, %multiple_of3A_5, %mul3A_0] : memref<26x64x100001xf32, #tpu.memory_space<hbm>> -> memref<1x8x6272xf32, #tpu.memory_space<hbm>>
      %dma_start3A_29 = tpu.memref_squeeze %dma_start3A_28 : memref<1x8x6272xf32, #tpu.memory_space<hbm>> -> memref<8x6272xf32, #tpu.memory_space<hbm>>
      %dma_start3A_30 = arith.constant 0 : i32
      %dma_start3A_31 = arith.constant 0 : i32
      %dma_start3A_32 = tpu.memref_slice %arg8[%dma_start3A, %dma_start3A_30, %dma_start3A_31] : memref<2x8x6272xf32, #tpu.memory_space<vmem>> -> memref<1x8x6272xf32, #tpu.memory_space<vmem>>
      %dma_start3A_33 = tpu.memref_squeeze %dma_start3A_32 : memref<1x8x6272xf32, #tpu.memory_space<vmem>> -> memref<8x6272xf32, #tpu.memory_space<vmem>>
      %dma_start3A_34 = tpu.memref_slice %arg2[%add3A_4, %multiple_of3A_5, %mul3A_0] : memref<26x64x100001xf32, #tpu.memory_space<hbm>> -> memref<1x8x6272xf32, #tpu.memory_space<hbm>>
      %dma_start3A_35 = tpu.memref_squeeze %dma_start3A_34 : memref<1x8x6272xf32, #tpu.memory_space<hbm>> -> memref<8x6272xf32, #tpu.memory_space<hbm>>
      tpu.enqueue_dma source(%dma_start3A_35 : memref<8x6272xf32, #tpu.memory_space<hbm>>) target(%dma_start3A_33 : memref<8x6272xf32, #tpu.memory_space<vmem>>) target_semaphore(%arg21 : memref<!tpu.dma_semaphore, #tpu.memory_space<semaphore_mem>>)
    } else {
    }
    %convert_element_type3A_8 = arith.extui %eq3A_1 : i1 to i32
    %cond3A_9 = arith.constant 0 : i32
    %cond3A_10 = arith.cmpi ne, %convert_element_type3A_8, %cond3A_9 : i32
    scf.if %cond3A_10 {
      %dma_start3A = arith.constant 0 : i32
      %dma_start3A_24 = arith.constant 0 : i32
      %dma_start3A_25 = arith.constant 0 : i32
      %dma_start3A_26 = tpu.memref_slice %arg8[%dma_start3A, %dma_start3A_24, %dma_start3A_25] : memref<2x8x6272xf32, #tpu.memory_space<vmem>> -> memref<1x8x5888xf32, #tpu.memory_space<vmem>>
      %dma_start3A_27 = tpu.memref_squeeze %dma_start3A_26 : memref<1x8x5888xf32, #tpu.memory_space<vmem>> -> memref<8x5888xf32, #tpu.memory_space<vmem>>
      %dma_start3A_28 = arith.constant 94080 : i32
      %dma_start3A_29 = tpu.memref_slice %arg2[%add3A_4, %multiple_of3A_5, %dma_start3A_28] : memref<26x64x100001xf32, #tpu.memory_space<hbm>> -> memref<1x8x5888xf32, #tpu.memory_space<hbm>>
      %dma_start3A_30 = tpu.memref_squeeze %dma_start3A_29 : memref<1x8x5888xf32, #tpu.memory_space<hbm>> -> memref<8x5888xf32, #tpu.memory_space<hbm>>
      %dma_start3A_31 = arith.constant 0 : i32
      %dma_start3A_32 = arith.constant 0 : i32
      %dma_start3A_33 = tpu.memref_slice %arg8[%dma_start3A, %dma_start3A_31, %dma_start3A_32] : memref<2x8x6272xf32, #tpu.memory_space<vmem>> -> memref<1x8x5888xf32, #tpu.memory_space<vmem>>
      %dma_start3A_34 = tpu.memref_squeeze %dma_start3A_33 : memref<1x8x5888xf32, #tpu.memory_space<vmem>> -> memref<8x5888xf32, #tpu.memory_space<vmem>>
      %dma_start3A_35 = arith.constant 94080 : i32
      %dma_start3A_36 = tpu.memref_slice %arg2[%add3A_4, %multiple_of3A_5, %dma_start3A_35] : memref<26x64x100001xf32, #tpu.memory_space<hbm>> -> memref<1x8x5888xf32, #tpu.memory_space<hbm>>
      %dma_start3A_37 = tpu.memref_squeeze %dma_start3A_36 : memref<1x8x5888xf32, #tpu.memory_space<hbm>> -> memref<8x5888xf32, #tpu.memory_space<hbm>>
      tpu.enqueue_dma source(%dma_start3A_37 : memref<8x5888xf32, #tpu.memory_space<hbm>>) target(%dma_start3A_34 : memref<8x5888xf32, #tpu.memory_space<vmem>>) target_semaphore(%arg21 : memref<!tpu.dma_semaphore, #tpu.memory_space<semaphore_mem>>)
    } else {
    }
    %scan3A = arith.constant 0 : i32
    %scan3A_11 = arith.constant 0 : i32
    %scan3A_12 = arith.constant 104 : i32
    %scan3A_13 = arith.addi %scan3A_11, %scan3A_12 : i32
    %scan3A_14 = arith.constant 1 : i32
    %scan3A_15 = scf.for %scan3A_24 = %scan3A_11 to %scan3A_13 step %scan3A_14 iter_args(%scan3A_25 = %scan3A) -> (i32)  : i32 {
      %jit3A = arith.constant 8 : i32
      %div3A = arith.divsi %scan3A_24, %jit3A : i32
      %sign3A = arith.constant 0 : i32
      %sign3A_26 = arith.cmpi sgt, %scan3A_24, %sign3A : i32
      %sign3A_27 = arith.extui %sign3A_26 : i1 to i32
      %sign3A_28 = arith.constant 0 : i32
      %sign3A_29 = arith.cmpi slt, %scan3A_24, %sign3A_28 : i32
      %sign3A_30 = arith.extui %sign3A_29 : i1 to i32
      %sign3A_31 = arith.subi %sign3A_27, %sign3A_30 : i32
      %sign3A_32 = arith.constant 0 : i32
      %sign3A_33 = arith.cmpi sgt, %jit3A, %sign3A_32 : i32
      %sign3A_34 = arith.extui %sign3A_33 : i1 to i32
      %sign3A_35 = arith.constant 0 : i32
      %sign3A_36 = arith.cmpi slt, %jit3A, %sign3A_35 : i32
      %sign3A_37 = arith.extui %sign3A_36 : i1 to i32
      %sign3A_38 = arith.subi %sign3A_34, %sign3A_37 : i32
      %ne3A = arith.cmpi ne, %sign3A_31, %sign3A_38 : i32
      %rem3A = arith.remsi %scan3A_24, %jit3A : i32
      %ne3A_39 = arith.constant 0 : i32
      %ne3A_40 = arith.cmpi ne, %rem3A, %ne3A_39 : i32
      %and3A = arith.andi %ne3A, %ne3A_40 : i1
      %sub3A = arith.constant 1 : i32
      %sub3A_41 = arith.subi %div3A, %sub3A : i32
      %select_n3A = arith.select %and3A, %sub3A_41, %div3A : i32
      %jit3A_42 = arith.constant 8 : i32
      %eq3A_43 = arith.constant 0 : i32
      %eq3A_44 = arith.cmpi eq, %jit3A_42, %eq3A_43 : i32
      %jit3A_45 = arith.constant 1 : i32
      %select_n3A_46 = arith.select %eq3A_44, %jit3A_45, %jit3A_42 : i32
      %rem3A_47 = arith.remsi %scan3A_24, %select_n3A_46 : i32
      %ne3A_48 = arith.constant 0 : i32
      %ne3A_49 = arith.cmpi ne, %rem3A_47, %ne3A_48 : i32
      %lt3A = arith.constant 0 : i32
      %lt3A_50 = arith.cmpi slt, %rem3A_47, %lt3A : i32
      %lt3A_51 = arith.constant 0 : i32
      %lt3A_52 = arith.cmpi slt, %select_n3A_46, %lt3A_51 : i32
      %ne3A_53 = arith.xori %lt3A_50, %lt3A_52 : i1
      %and3A_54 = arith.andi %ne3A_53, %ne3A_49 : i1
      %add3A_55 = arith.addi %rem3A_47, %select_n3A_46 : i32
      %select_n3A_56 = arith.select %and3A_54, %add3A_55, %rem3A_47 : i32
      %mul3A_57 = arith.constant 2 : i32
      %mul3A_58 = arith.muli %mul3A_57, %select_n3A : i32
      %add3A_59 = arith.addi %mul3A_58, %arg0 : i32
      %jit3A_60 = arith.constant 4 : i32
      %div3A_61 = arith.divsi %select_n3A, %jit3A_60 : i32
      %sign3A_62 = arith.constant 0 : i32
      %sign3A_63 = arith.cmpi sgt, %select_n3A, %sign3A_62 : i32
      %sign3A_64 = arith.extui %sign3A_63 : i1 to i32
      %sign3A_65 = arith.constant 0 : i32
      %sign3A_66 = arith.cmpi slt, %select_n3A, %sign3A_65 : i32
      %sign3A_67 = arith.extui %sign3A_66 : i1 to i32
      %sign3A_68 = arith.subi %sign3A_64, %sign3A_67 : i32
      %sign3A_69 = arith.constant 0 : i32
      %sign3A_70 = arith.cmpi sgt, %jit3A_60, %sign3A_69 : i32
      %sign3A_71 = arith.extui %sign3A_70 : i1 to i32
      %sign3A_72 = arith.constant 0 : i32
      %sign3A_73 = arith.cmpi slt, %jit3A_60, %sign3A_72 : i32
      %sign3A_74 = arith.extui %sign3A_73 : i1 to i32
      %sign3A_75 = arith.subi %sign3A_71, %sign3A_74 : i32
      %ne3A_76 = arith.cmpi ne, %sign3A_68, %sign3A_75 : i32
      %rem3A_77 = arith.remsi %select_n3A, %jit3A_60 : i32
      %ne3A_78 = arith.constant 0 : i32
      %ne3A_79 = arith.cmpi ne, %rem3A_77, %ne3A_78 : i32
      %and3A_80 = arith.andi %ne3A_76, %ne3A_79 : i1
      %sub3A_81 = arith.constant 1 : i32
      %sub3A_82 = arith.subi %div3A_61, %sub3A_81 : i32
      %select_n3A_83 = arith.select %and3A_80, %sub3A_82, %div3A_61 : i32
      %jit3A_84 = arith.constant 2 : i32
      %eq3A_85 = arith.constant 0 : i32
      %eq3A_86 = arith.cmpi eq, %jit3A_84, %eq3A_85 : i32
      %jit3A_87 = arith.constant 1 : i32
      %select_n3A_88 = arith.select %eq3A_86, %jit3A_87, %jit3A_84 : i32
      %rem3A_89 = arith.remsi %scan3A_24, %select_n3A_88 : i32
      %ne3A_90 = arith.constant 0 : i32
      %ne3A_91 = arith.cmpi ne, %rem3A_89, %ne3A_90 : i32
      %lt3A_92 = arith.constant 0 : i32
      %lt3A_93 = arith.cmpi slt, %rem3A_89, %lt3A_92 : i32
      %lt3A_94 = arith.constant 0 : i32
      %lt3A_95 = arith.cmpi slt, %select_n3A_88, %lt3A_94 : i32
      %ne3A_96 = arith.xori %lt3A_93, %lt3A_95 : i1
      %and3A_97 = arith.andi %ne3A_96, %ne3A_91 : i1
      %add3A_98 = arith.addi %rem3A_89, %select_n3A_88 : i32
      %select_n3A_99 = arith.select %and3A_97, %add3A_98, %rem3A_89 : i32
      %eq3A_100 = arith.constant 0 : i32
      %eq3A_101 = arith.cmpi eq, %select_n3A_56, %eq3A_100 : i32
      %jit3A_102 = arith.constant 4 : i32
      %eq3A_103 = arith.constant 0 : i32
      %eq3A_104 = arith.cmpi eq, %jit3A_102, %eq3A_103 : i32
      %jit3A_105 = arith.constant 1 : i32
      %select_n3A_106 = arith.select %eq3A_104, %jit3A_105, %jit3A_102 : i32
      %rem3A_107 = arith.remsi %select_n3A, %select_n3A_106 : i32
      %ne3A_108 = arith.constant 0 : i32
      %ne3A_109 = arith.cmpi ne, %rem3A_107, %ne3A_108 : i32
      %lt3A_110 = arith.constant 0 : i32
      %lt3A_111 = arith.cmpi slt, %rem3A_107, %lt3A_110 : i32
      %lt3A_112 = arith.constant 0 : i32
      %lt3A_113 = arith.cmpi slt, %select_n3A_106, %lt3A_112 : i32
      %ne3A_114 = arith.xori %lt3A_111, %lt3A_113 : i1
      %and3A_115 = arith.andi %ne3A_114, %ne3A_109 : i1
      %add3A_116 = arith.addi %rem3A_107, %select_n3A_106 : i32
      %select_n3A_117 = arith.select %and3A_115, %add3A_116, %rem3A_107 : i32
      %eq3A_118 = arith.constant 0 : i32
      %eq3A_119 = arith.cmpi eq, %select_n3A_117, %eq3A_118 : i32
      %and3A_120 = arith.andi %eq3A_101, %eq3A_119 : i1
      %lt3A_121 = arith.constant 12 : i32
      %lt3A_122 = arith.cmpi slt, %select_n3A, %lt3A_121 : i32
      %and3A_123 = arith.andi %and3A_120, %lt3A_122 : i1
      %convert_element_type3A_124 = arith.extui %and3A_123 : i1 to i32
      %cond3A_125 = arith.constant 0 : i32
      %cond3A_126 = arith.cmpi ne, %convert_element_type3A_124, %cond3A_125 : i32
      scf.if %cond3A_126 {
        %mul3A_271 = arith.constant 8 : i32
        %mul3A_272 = arith.muli %select_n3A_83, %mul3A_271 : i32
        %multiple_of3A_273 = tpu.assume_multiple %mul3A_272, 8 : i32
        "tpu.region"() ({
          %run_scoped3A = tpu.sem_alloc : memref<!tpu.dma_semaphore, #tpu.memory_space<semaphore_mem>>
          %dma_start3A = arith.constant 0 : i32
          %dma_start3A_274 = tpu.memref_slice %arg3[%multiple_of3A_273, %dma_start3A] : memref<26x4096xi32, #tpu.memory_space<hbm>> -> memref<8x4096xi32, #tpu.memory_space<hbm>>
          tpu.enqueue_dma source(%dma_start3A_274 : memref<8x4096xi32, #tpu.memory_space<hbm>>) target(%arg20 : memref<8x4096xi32, #tpu.memory_space<vmem_shared>>) target_semaphore(%run_scoped3A : memref<!tpu.dma_semaphore, #tpu.memory_space<semaphore_mem>>)
          %dma_wait3A = arith.constant 0 : i32
          %dma_wait3A_275 = tpu.memref_slice %arg3[%multiple_of3A_273, %dma_wait3A] : memref<26x4096xi32, #tpu.memory_space<hbm>> -> memref<8x4096xi32, #tpu.memory_space<hbm>>
          tpu.wait_dma2 semaphore(%run_scoped3A : memref<!tpu.dma_semaphore, #tpu.memory_space<semaphore_mem>>) src(%dma_wait3A_275 : memref<8x4096xi32, #tpu.memory_space<hbm>>) dst(%arg20 : memref<8x4096xi32, #tpu.memory_space<vmem_shared>>)
          tpu.yield
        }) : () -> ()
      } else {
      }
      %eq3A_127 = arith.constant 0 : i32
      %eq3A_128 = arith.cmpi eq, %select_n3A_56, %eq3A_127 : i32
      %eq3A_129 = arith.constant 12 : i32
      %eq3A_130 = arith.cmpi eq, %select_n3A, %eq3A_129 : i32
      %and3A_131 = arith.andi %eq3A_128, %eq3A_130 : i1
      %convert_element_type3A_132 = arith.extui %and3A_131 : i1 to i32
      %cond3A_133 = arith.constant 0 : i32
      %cond3A_134 = arith.cmpi ne, %convert_element_type3A_132, %cond3A_133 : i32
      scf.if %cond3A_134 {
        "tpu.region"() ({
          %run_scoped3A = tpu.sem_alloc : memref<!tpu.dma_semaphore, #tpu.memory_space<semaphore_mem>>
          %dma_start3A = arith.constant 0 : i32
          %dma_start3A_271 = arith.constant 0 : i32
          %dma_start3A_272 = tpu.memref_slice %arg20[%dma_start3A, %dma_start3A_271] : memref<8x4096xi32, #tpu.memory_space<vmem_shared>> -> memref<2x4096xi32, #tpu.memory_space<vmem_shared>>
          %dma_start3A_273 = arith.constant 24 : i32
          %dma_start3A_274 = arith.constant 0 : i32
          %dma_start3A_275 = tpu.memref_slice %arg3[%dma_start3A_273, %dma_start3A_274] : memref<26x4096xi32, #tpu.memory_space<hbm>> -> memref<2x4096xi32, #tpu.memory_space<hbm>>
          tpu.enqueue_dma source(%dma_start3A_275 : memref<2x4096xi32, #tpu.memory_space<hbm>>) target(%dma_start3A_272 : memref<2x4096xi32, #tpu.memory_space<vmem_shared>>) target_semaphore(%run_scoped3A : memref<!tpu.dma_semaphore, #tpu.memory_space<semaphore_mem>>)
          %dma_wait3A = arith.constant 0 : i32
          %dma_wait3A_276 = arith.constant 0 : i32
          %dma_wait3A_277 = tpu.memref_slice %arg20[%dma_wait3A, %dma_wait3A_276] : memref<8x4096xi32, #tpu.memory_space<vmem_shared>> -> memref<2x4096xi32, #tpu.memory_space<vmem_shared>>
          %dma_wait3A_278 = arith.constant 24 : i32
          %dma_wait3A_279 = arith.constant 0 : i32
          %dma_wait3A_280 = tpu.memref_slice %arg3[%dma_wait3A_278, %dma_wait3A_279] : memref<26x4096xi32, #tpu.memory_space<hbm>> -> memref<2x4096xi32, #tpu.memory_space<hbm>>
          tpu.wait_dma2 semaphore(%run_scoped3A : memref<!tpu.dma_semaphore, #tpu.memory_space<semaphore_mem>>) src(%dma_wait3A_280 : memref<2x4096xi32, #tpu.memory_space<hbm>>) dst(%dma_wait3A_277 : memref<2x4096xi32, #tpu.memory_space<vmem_shared>>)
          tpu.yield
        }) : () -> ()
      } else {
      }
      %eq3A_135 = arith.constant 0 : i32
      %eq3A_136 = arith.cmpi eq, %select_n3A_56, %eq3A_135 : i32
      %convert_element_type3A_137 = arith.extui %eq3A_136 : i1 to i32
      %cond3A_138 = arith.constant 0 : i32
      %cond3A_139 = arith.constant 0 : i32
      %cond3A_140 = arith.cmpi ne, %convert_element_type3A_137, %cond3A_139 : i32
      %cond3A_141 = scf.if %cond3A_140 -> (i32) {
        %mul3A_271 = arith.constant 8 : i32
        %mul3A_272 = arith.muli %select_n3A_83, %mul3A_271 : i32
        %sub3A_273 = arith.subi %add3A_59, %mul3A_272 : i32
        "tpu.region"() ({
          %run_scoped3A = tpu.sem_alloc : memref<!tpu.dma_semaphore, #tpu.memory_space<semaphore_mem>>
          %dma_start3A = arith.constant 0 : i32
          %dma_start3A_281 = tpu.memref_slice %arg20[%sub3A_273, %dma_start3A] : memref<8x4096xi32, #tpu.memory_space<vmem_shared>> -> memref<1x4096xi32, #tpu.memory_space<vmem_shared>>
          %dma_start3A_282 = tpu.memref_squeeze %dma_start3A_281 : memref<1x4096xi32, #tpu.memory_space<vmem_shared>> -> memref<4096xi32, #tpu.memory_space<vmem_shared>>
          %dma_start3A_283 = arith.constant 0 : i32
          %dma_start3A_284 = tpu.memref_slice %arg20[%sub3A_273, %dma_start3A_283] : memref<8x4096xi32, #tpu.memory_space<vmem_shared>> -> memref<1x4096xi32, #tpu.memory_space<vmem_shared>>
          %dma_start3A_285 = tpu.memref_squeeze %dma_start3A_284 : memref<1x4096xi32, #tpu.memory_space<vmem_shared>> -> memref<4096xi32, #tpu.memory_space<vmem_shared>>
          tpu.enqueue_dma source(%dma_start3A_285 : memref<4096xi32, #tpu.memory_space<vmem_shared>>) target(%arg10 : memref<4096xi32, #tpu.memory_space<vmem>>) target_semaphore(%run_scoped3A : memref<!tpu.dma_semaphore, #tpu.memory_space<semaphore_mem>>)
          %dma_wait3A = arith.constant 0 : i32
          %dma_wait3A_286 = tpu.memref_slice %arg20[%sub3A_273, %dma_wait3A] : memref<8x4096xi32, #tpu.memory_space<vmem_shared>> -> memref<1x4096xi32, #tpu.memory_space<vmem_shared>>
          %dma_wait3A_287 = tpu.memref_squeeze %dma_wait3A_286 : memref<1x4096xi32, #tpu.memory_space<vmem_shared>> -> memref<4096xi32, #tpu.memory_space<vmem_shared>>
          %dma_wait3A_288 = arith.constant 0 : i32
          %dma_wait3A_289 = tpu.memref_slice %arg20[%sub3A_273, %dma_wait3A_288] : memref<8x4096xi32, #tpu.memory_space<vmem_shared>> -> memref<1x4096xi32, #tpu.memory_space<vmem_shared>>
          %dma_wait3A_290 = tpu.memref_squeeze %dma_wait3A_289 : memref<1x4096xi32, #tpu.memory_space<vmem_shared>> -> memref<4096xi32, #tpu.memory_space<vmem_shared>>
          tpu.wait_dma2 semaphore(%run_scoped3A : memref<!tpu.dma_semaphore, #tpu.memory_space<semaphore_mem>>) src(%dma_wait3A_290 : memref<4096xi32, #tpu.memory_space<vmem_shared>>) dst(%arg10 : memref<4096xi32, #tpu.memory_space<vmem>>)
          tpu.yield
        }) : () -> ()
        %scan3A_274 = arith.constant 0 : i32
        %scan3A_275 = arith.constant 0 : i32
        %scan3A_276 = arith.constant 256 : i32
        %scan3A_277 = arith.addi %scan3A_275, %scan3A_276 : i32
        %scan3A_278 = arith.constant 1 : i32
        %scan3A_279 = scf.for %scan3A_281 = %scan3A_275 to %scan3A_277 step %scan3A_278 iter_args(%scan3A_282 = %scan3A_274) -> (i32)  : i32 {
          %mul3A_283 = arith.constant 16 : i32
          %mul3A_284 = arith.muli %scan3A_281, %mul3A_283 : i32
          %get3A = arith.index_cast %mul3A_284 : i32 to index
          %get3A_285 = tpu.vector_load %arg10[%get3A] {strides = array<i32>} : memref<4096xi32, #tpu.memory_space<vmem>>, vector<16xi32>,
          %ge3A = vector.broadcast %mul3A_0 : i32 to vector<16xi32>
          %ge3A_286 = arith.cmpi sge, %get3A_285, %ge3A : vector<16xi32>
          %add3A_287 = arith.constant 6272 : i32
          %add3A_288 = arith.addi %mul3A_0, %add3A_287 : i32
          %lt3A_289 = vector.broadcast %add3A_288 : i32 to vector<16xi32>
          %lt3A_290 = arith.cmpi slt, %get3A_285, %lt3A_289 : vector<16xi32>
          %and3A_291 = arith.andi %ge3A_286, %lt3A_290 : vector<16xi1>
          %all_reduce_population_count3A = tpu.all_reduce %and3A_291 {dim = 0 : i64, kind = #tpu.reduction_kind<sum>} : vector<16xi1> -> vector<16xi32>
          %slice3A = vector.extract_strided_slice %all_reduce_population_count3A {offsets = [0], sizes = [1], strides = [1]} : vector<16xi32> to vector<1xi32>
          %squeeze3A = vector.extract %slice3A[0] : i32 from vector<1xi32>
          %sub3A_292 = vector.broadcast %mul3A_0 : i32 to vector<16xi32>
          %sub3A_293 = arith.subi %get3A_285, %sub3A_292 : vector<16xi32>
          %swap3A = arith.index_cast %scan3A_282 : i32 to index
          %swap3A_294 = tpu.vector_load %arg11[%swap3A] masked %and3A_291 {strides = array<i32>} : memref<4112xi32, #tpu.memory_space<vmem>>, vector<16xi32>, vector<16xi1>
          tpu.vector_store %arg11[%swap3A], %sub3A_293 masked %and3A_291 {strides = array<i32>} : memref<4112xi32, #tpu.memory_space<vmem>>, vector<16xi32>, vector<16xi1>
          %mul3A_295 = arith.constant 16 : i32
          %mul3A_296 = arith.muli %scan3A_281, %mul3A_295 : i32
          %add3A_297 = vector.broadcast %mul3A_296 : i32 to vector<16xi32>
          %add3A_298 = arith.addi %add3A_297, %iota3A : vector<16xi32>
          %swap3A_299 = arith.index_cast %scan3A_282 : i32 to index
          %swap3A_300 = tpu.vector_load %arg12[%swap3A_299] masked %and3A_291 {strides = array<i32>} : memref<4112xi32, #tpu.memory_space<vmem>>, vector<16xi32>, vector<16xi1>
          tpu.vector_store %arg12[%swap3A_299], %add3A_298 masked %and3A_291 {strides = array<i32>} : memref<4112xi32, #tpu.memory_space<vmem>>, vector<16xi32>, vector<16xi1>
          %add3A_301 = arith.addi %scan3A_282, %squeeze3A : i32
          scf.yield %add3A_301 : i32
        }
        %scan3A_280 = arith.constant 256 : i32
        scf.yield %scan3A_279 : i32
      } else {
        scf.yield %scan3A_25 : i32
      }
      %add3A_142 = arith.constant 16 : i32
      %add3A_143 = arith.addi %cond3A_141, %add3A_142 : i32
      %sub3A_144 = arith.constant 1 : i32
      %sub3A_145 = arith.subi %add3A_143, %sub3A_144 : i32
      %jit3A_146 = arith.constant 16 : i32
      %div3A_147 = arith.divsi %sub3A_145, %jit3A_146 : i32
      %sign3A_148 = arith.constant 0 : i32
      %sign3A_149 = arith.cmpi sgt, %sub3A_145, %sign3A_148 : i32
      %sign3A_150 = arith.extui %sign3A_149 : i1 to i32
      %sign3A_151 = arith.constant 0 : i32
      %sign3A_152 = arith.cmpi slt, %sub3A_145, %sign3A_151 : i32
      %sign3A_153 = arith.extui %sign3A_152 : i1 to i32
      %sign3A_154 = arith.subi %sign3A_150, %sign3A_153 : i32
      %sign3A_155 = arith.constant 0 : i32
      %sign3A_156 = arith.cmpi sgt, %jit3A_146, %sign3A_155 : i32
      %sign3A_157 = arith.extui %sign3A_156 : i1 to i32
      %sign3A_158 = arith.constant 0 : i32
      %sign3A_159 = arith.cmpi slt, %jit3A_146, %sign3A_158 : i32
      %sign3A_160 = arith.extui %sign3A_159 : i1 to i32
      %sign3A_161 = arith.subi %sign3A_157, %sign3A_160 : i32
      %ne3A_162 = arith.cmpi ne, %sign3A_154, %sign3A_161 : i32
      %rem3A_163 = arith.remsi %sub3A_145, %jit3A_146 : i32
      %ne3A_164 = arith.constant 0 : i32
      %ne3A_165 = arith.cmpi ne, %rem3A_163, %ne3A_164 : i32
      %and3A_166 = arith.andi %ne3A_162, %ne3A_165 : i1
      %sub3A_167 = arith.constant 1 : i32
      %sub3A_168 = arith.subi %div3A_147, %sub3A_167 : i32
      %select_n3A_169 = arith.select %and3A_166, %sub3A_168, %div3A_147 : i32
      %jit3A_170 = arith.constant 8 : i32
      %div3A_171 = arith.divsi %scan3A_24, %jit3A_170 : i32
      %sign3A_172 = arith.constant 0 : i32
      %sign3A_173 = arith.cmpi sgt, %scan3A_24, %sign3A_172 : i32
      %sign3A_174 = arith.extui %sign3A_173 : i1 to i32
      %sign3A_175 = arith.constant 0 : i32
      %sign3A_176 = arith.cmpi slt, %scan3A_24, %sign3A_175 : i32
      %sign3A_177 = arith.extui %sign3A_176 : i1 to i32
      %sign3A_178 = arith.subi %sign3A_174, %sign3A_177 : i32
      %sign3A_179 = arith.constant 0 : i32
      %sign3A_180 = arith.cmpi sgt, %jit3A_170, %sign3A_179 : i32
      %sign3A_181 = arith.extui %sign3A_180 : i1 to i32
      %sign3A_182 = arith.constant 0 : i32
      %sign3A_183 = arith.cmpi slt, %jit3A_170, %sign3A_182 : i32
      %sign3A_184 = arith.extui %sign3A_183 : i1 to i32
      %sign3A_185 = arith.subi %sign3A_181, %sign3A_184 : i32
      %ne3A_186 = arith.cmpi ne, %sign3A_178, %sign3A_185 : i32
      %rem3A_187 = arith.remsi %scan3A_24, %jit3A_170 : i32
      %ne3A_188 = arith.constant 0 : i32
      %ne3A_189 = arith.cmpi ne, %rem3A_187, %ne3A_188 : i32
      %and3A_190 = arith.andi %ne3A_186, %ne3A_189 : i1
      %sub3A_191 = arith.constant 1 : i32
      %sub3A_192 = arith.subi %div3A_171, %sub3A_191 : i32
      %select_n3A_193 = arith.select %and3A_190, %sub3A_192, %div3A_171 : i32
      %mul3A_194 = arith.constant 2 : i32
      %mul3A_195 = arith.muli %mul3A_194, %select_n3A_193 : i32
      %add3A_196 = arith.addi %mul3A_195, %arg0 : i32
      %jit3A_197 = arith.constant 8 : i32
      %eq3A_198 = arith.constant 0 : i32
      %eq3A_199 = arith.cmpi eq, %jit3A_197, %eq3A_198 : i32
      %jit3A_200 = arith.constant 1 : i32
      %select_n3A_201 = arith.select %eq3A_199, %jit3A_200, %jit3A_197 : i32
      %rem3A_202 = arith.remsi %scan3A_24, %select_n3A_201 : i32
      %ne3A_203 = arith.constant 0 : i32
      %ne3A_204 = arith.cmpi ne, %rem3A_202, %ne3A_203 : i32
      %lt3A_205 = arith.constant 0 : i32
      %lt3A_206 = arith.cmpi slt, %rem3A_202, %lt3A_205 : i32
      %lt3A_207 = arith.constant 0 : i32
      %lt3A_208 = arith.cmpi slt, %select_n3A_201, %lt3A_207 : i32
      %ne3A_209 = arith.xori %lt3A_206, %lt3A_208 : i1
      %and3A_210 = arith.andi %ne3A_209, %ne3A_204 : i1
      %add3A_211 = arith.addi %rem3A_202, %select_n3A_201 : i32
      %select_n3A_212 = arith.select %and3A_210, %add3A_211, %rem3A_202 : i32
      %mul3A_213 = arith.constant 8 : i32
      %mul3A_214 = arith.muli %select_n3A_212, %mul3A_213 : i32
      %multiple_of3A_215 = tpu.assume_multiple %mul3A_214, 8 : i32
      %not3A_216 = arith.constant true
      %not3A_217 = arith.xori %eq3A_1, %not3A_216 : i1
      %convert_element_type3A_218 = arith.extui %not3A_217 : i1 to i32
      %cond3A_219 = arith.constant 0 : i32
      %cond3A_220 = arith.cmpi ne, %convert_element_type3A_218, %cond3A_219 : i32
      scf.if %cond3A_220 {
        %dma_wait3A = arith.constant 0 : i32
        %dma_wait3A_271 = arith.constant 0 : i32
        %dma_wait3A_272 = tpu.memref_slice %arg8[%select_n3A_99, %dma_wait3A, %dma_wait3A_271] : memref<2x8x6272xf32, #tpu.memory_space<vmem>> -> memref<1x8x6272xf32, #tpu.memory_space<vmem>>
        %dma_wait3A_273 = tpu.memref_squeeze %dma_wait3A_272 : memref<1x8x6272xf32, #tpu.memory_space<vmem>> -> memref<8x6272xf32, #tpu.memory_space<vmem>>
        %dma_wait3A_274 = tpu.memref_slice %arg2[%add3A_196, %multiple_of3A_215, %mul3A_0] : memref<26x64x100001xf32, #tpu.memory_space<hbm>> -> memref<1x8x6272xf32, #tpu.memory_space<hbm>>
        %dma_wait3A_275 = tpu.memref_squeeze %dma_wait3A_274 : memref<1x8x6272xf32, #tpu.memory_space<hbm>> -> memref<8x6272xf32, #tpu.memory_space<hbm>>
        %dma_wait3A_276 = arith.constant 0 : i32
        %dma_wait3A_277 = arith.constant 0 : i32
        %dma_wait3A_278 = tpu.memref_slice %arg8[%select_n3A_99, %dma_wait3A_276, %dma_wait3A_277] : memref<2x8x6272xf32, #tpu.memory_space<vmem>> -> memref<1x8x6272xf32, #tpu.memory_space<vmem>>
        %dma_wait3A_279 = tpu.memref_squeeze %dma_wait3A_278 : memref<1x8x6272xf32, #tpu.memory_space<vmem>> -> memref<8x6272xf32, #tpu.memory_space<vmem>>
        %dma_wait3A_280 = tpu.memref_slice %arg2[%add3A_196, %multiple_of3A_215, %mul3A_0] : memref<26x64x100001xf32, #tpu.memory_space<hbm>> -> memref<1x8x6272xf32, #tpu.memory_space<hbm>>
        %dma_wait3A_281 = tpu.memref_squeeze %dma_wait3A_280 : memref<1x8x6272xf32, #tpu.memory_space<hbm>> -> memref<8x6272xf32, #tpu.memory_space<hbm>>
        tpu.wait_dma2 semaphore(%arg21 : memref<!tpu.dma_semaphore, #tpu.memory_space<semaphore_mem>>) src(%dma_wait3A_281 : memref<8x6272xf32, #tpu.memory_space<hbm>>) dst(%dma_wait3A_279 : memref<8x6272xf32, #tpu.memory_space<vmem>>)
      } else {
      }
      %convert_element_type3A_221 = arith.extui %eq3A_1 : i1 to i32
      %cond3A_222 = arith.constant 0 : i32
      %cond3A_223 = arith.cmpi ne, %convert_element_type3A_221, %cond3A_222 : i32
      scf.if %cond3A_223 {
        %dma_wait3A = arith.constant 0 : i32
        %dma_wait3A_271 = arith.constant 0 : i32
        %dma_wait3A_272 = tpu.memref_slice %arg8[%select_n3A_99, %dma_wait3A, %dma_wait3A_271] : memref<2x8x6272xf32, #tpu.memory_space<vmem>> -> memref<1x8x5888xf32, #tpu.memory_space<vmem>>
        %dma_wait3A_273 = tpu.memref_squeeze %dma_wait3A_272 : memref<1x8x5888xf32, #tpu.memory_space<vmem>> -> memref<8x5888xf32, #tpu.memory_space<vmem>>
        %dma_wait3A_274 = arith.constant 94080 : i32
        %dma_wait3A_275 = tpu.memref_slice %arg2[%add3A_196, %multiple_of3A_215, %dma_wait3A_274] : memref<26x64x100001xf32, #tpu.memory_space<hbm>> -> memref<1x8x5888xf32, #tpu.memory_space<hbm>>
        %dma_wait3A_276 = tpu.memref_squeeze %dma_wait3A_275 : memref<1x8x5888xf32, #tpu.memory_space<hbm>> -> memref<8x5888xf32, #tpu.memory_space<hbm>>
        %dma_wait3A_277 = arith.constant 0 : i32
        %dma_wait3A_278 = arith.constant 0 : i32
        %dma_wait3A_279 = tpu.memref_slice %arg8[%select_n3A_99, %dma_wait3A_277, %dma_wait3A_278] : memref<2x8x6272xf32, #tpu.memory_space<vmem>> -> memref<1x8x5888xf32, #tpu.memory_space<vmem>>
        %dma_wait3A_280 = tpu.memref_squeeze %dma_wait3A_279 : memref<1x8x5888xf32, #tpu.memory_space<vmem>> -> memref<8x5888xf32, #tpu.memory_space<vmem>>
        %dma_wait3A_281 = arith.constant 94080 : i32
        %dma_wait3A_282 = tpu.memref_slice %arg2[%add3A_196, %multiple_of3A_215, %dma_wait3A_281] : memref<26x64x100001xf32, #tpu.memory_space<hbm>> -> memref<1x8x5888xf32, #tpu.memory_space<hbm>>
        %dma_wait3A_283 = tpu.memref_squeeze %dma_wait3A_282 : memref<1x8x5888xf32, #tpu.memory_space<hbm>> -> memref<8x5888xf32, #tpu.memory_space<hbm>>
        tpu.wait_dma2 semaphore(%arg21 : memref<!tpu.dma_semaphore, #tpu.memory_space<semaphore_mem>>) src(%dma_wait3A_283 : memref<8x5888xf32, #tpu.memory_space<hbm>>) dst(%dma_wait3A_280 : memref<8x5888xf32, #tpu.memory_space<vmem>>)
      } else {
      }
      %lt3A_224 = arith.constant 103 : i32
      %lt3A_225 = arith.cmpi slt, %scan3A_24, %lt3A_224 : i32
      %convert_element_type3A_226 = arith.extui %lt3A_225 : i1 to i32
      %cond3A_227 = arith.constant 0 : i32
      %cond3A_228 = arith.cmpi ne, %convert_element_type3A_226, %cond3A_227 : i32
      scf.if %cond3A_228 {
        %add3A_271 = arith.constant 1 : i32
        %add3A_272 = arith.addi %scan3A_24, %add3A_271 : i32
        %sub3A_273 = arith.constant 1 : i32
        %sub3A_274 = arith.subi %sub3A_273, %select_n3A_99 : i32
        %jit3A_275 = arith.constant 8 : i32
        %div3A_276 = arith.divsi %add3A_272, %jit3A_275 : i32
        %sign3A_277 = arith.constant 0 : i32
        %sign3A_278 = arith.cmpi sgt, %add3A_272, %sign3A_277 : i32
        %sign3A_279 = arith.extui %sign3A_278 : i1 to i32
        %sign3A_280 = arith.constant 0 : i32
        %sign3A_281 = arith.cmpi slt, %add3A_272, %sign3A_280 : i32
        %sign3A_282 = arith.extui %sign3A_281 : i1 to i32
        %sign3A_283 = arith.subi %sign3A_279, %sign3A_282 : i32
        %sign3A_284 = arith.constant 0 : i32
        %sign3A_285 = arith.cmpi sgt, %jit3A_275, %sign3A_284 : i32
        %sign3A_286 = arith.extui %sign3A_285 : i1 to i32
        %sign3A_287 = arith.constant 0 : i32
        %sign3A_288 = arith.cmpi slt, %jit3A_275, %sign3A_287 : i32
        %sign3A_289 = arith.extui %sign3A_288 : i1 to i32
        %sign3A_290 = arith.subi %sign3A_286, %sign3A_289 : i32
        %ne3A_291 = arith.cmpi ne, %sign3A_283, %sign3A_290 : i32
        %rem3A_292 = arith.remsi %add3A_272, %jit3A_275 : i32
        %ne3A_293 = arith.constant 0 : i32
        %ne3A_294 = arith.cmpi ne, %rem3A_292, %ne3A_293 : i32
        %and3A_295 = arith.andi %ne3A_291, %ne3A_294 : i1
        %sub3A_296 = arith.constant 1 : i32
        %sub3A_297 = arith.subi %div3A_276, %sub3A_296 : i32
        %select_n3A_298 = arith.select %and3A_295, %sub3A_297, %div3A_276 : i32
        %mul3A_299 = arith.constant 2 : i32
        %mul3A_300 = arith.muli %mul3A_299, %select_n3A_298 : i32
        %add3A_301 = arith.addi %mul3A_300, %arg0 : i32
        %jit3A_302 = arith.constant 8 : i32
        %eq3A_303 = arith.constant 0 : i32
        %eq3A_304 = arith.cmpi eq, %jit3A_302, %eq3A_303 : i32
        %jit3A_305 = arith.constant 1 : i32
        %select_n3A_306 = arith.select %eq3A_304, %jit3A_305, %jit3A_302 : i32
        %rem3A_307 = arith.remsi %add3A_272, %select_n3A_306 : i32
        %ne3A_308 = arith.constant 0 : i32
        %ne3A_309 = arith.cmpi ne, %rem3A_307, %ne3A_308 : i32
        %lt3A_310 = arith.constant 0 : i32
        %lt3A_311 = arith.cmpi slt, %rem3A_307, %lt3A_310 : i32
        %lt3A_312 = arith.constant 0 : i32
        %lt3A_313 = arith.cmpi slt, %select_n3A_306, %lt3A_312 : i32
        %ne3A_314 = arith.xori %lt3A_311, %lt3A_313 : i1
        %and3A_315 = arith.andi %ne3A_314, %ne3A_309 : i1
        %add3A_316 = arith.addi %rem3A_307, %select_n3A_306 : i32
        %select_n3A_317 = arith.select %and3A_315, %add3A_316, %rem3A_307 : i32
        %mul3A_318 = arith.constant 8 : i32
        %mul3A_319 = arith.muli %select_n3A_317, %mul3A_318 : i32
        %multiple_of3A_320 = tpu.assume_multiple %mul3A_319, 8 : i32
        %not3A_321 = arith.constant true
        %not3A_322 = arith.xori %eq3A_1, %not3A_321 : i1
        %convert_element_type3A_323 = arith.extui %not3A_322 : i1 to i32
        %cond3A_324 = arith.constant 0 : i32
        %cond3A_325 = arith.cmpi ne, %convert_element_type3A_323, %cond3A_324 : i32
        scf.if %cond3A_325 {
          %dma_start3A = arith.constant 0 : i32
          %dma_start3A_329 = arith.constant 0 : i32
          %dma_start3A_330 = tpu.memref_slice %arg8[%sub3A_274, %dma_start3A, %dma_start3A_329] : memref<2x8x6272xf32, #tpu.memory_space<vmem>> -> memref<1x8x6272xf32, #tpu.memory_space<vmem>>
          %dma_start3A_331 = tpu.memref_squeeze %dma_start3A_330 : memref<1x8x6272xf32, #tpu.memory_space<vmem>> -> memref<8x6272xf32, #tpu.memory_space<vmem>>
          %dma_start3A_332 = tpu.memref_slice %arg2[%add3A_301, %multiple_of3A_320, %mul3A_0] : memref<26x64x100001xf32, #tpu.memory_space<hbm>> -> memref<1x8x6272xf32, #tpu.memory_space<hbm>>
          %dma_start3A_333 = tpu.memref_squeeze %dma_start3A_332 : memref<1x8x6272xf32, #tpu.memory_space<hbm>> -> memref<8x6272xf32, #tpu.memory_space<hbm>>
          %dma_start3A_334 = arith.constant 0 : i32
          %dma_start3A_335 = arith.constant 0 : i32
          %dma_start3A_336 = tpu.memref_slice %arg8[%sub3A_274, %dma_start3A_334, %dma_start3A_335] : memref<2x8x6272xf32, #tpu.memory_space<vmem>> -> memref<1x8x6272xf32, #tpu.memory_space<vmem>>
          %dma_start3A_337 = tpu.memref_squeeze %dma_start3A_336 : memref<1x8x6272xf32, #tpu.memory_space<vmem>> -> memref<8x6272xf32, #tpu.memory_space<vmem>>
          %dma_start3A_338 = tpu.memref_slice %arg2[%add3A_301, %multiple_of3A_320, %mul3A_0] : memref<26x64x100001xf32, #tpu.memory_space<hbm>> -> memref<1x8x6272xf32, #tpu.memory_space<hbm>>
          %dma_start3A_339 = tpu.memref_squeeze %dma_start3A_338 : memref<1x8x6272xf32, #tpu.memory_space<hbm>> -> memref<8x6272xf32, #tpu.memory_space<hbm>>
          tpu.enqueue_dma source(%dma_start3A_339 : memref<8x6272xf32, #tpu.memory_space<hbm>>) target(%dma_start3A_337 : memref<8x6272xf32, #tpu.memory_space<vmem>>) target_semaphore(%arg21 : memref<!tpu.dma_semaphore, #tpu.memory_space<semaphore_mem>>)
        } else {
        }
        %convert_element_type3A_326 = arith.extui %eq3A_1 : i1 to i32
        %cond3A_327 = arith.constant 0 : i32
        %cond3A_328 = arith.cmpi ne, %convert_element_type3A_326, %cond3A_327 : i32
        scf.if %cond3A_328 {
          %dma_start3A = arith.constant 0 : i32
          %dma_start3A_329 = arith.constant 0 : i32
          %dma_start3A_330 = tpu.memref_slice %arg8[%sub3A_274, %dma_start3A, %dma_start3A_329] : memref<2x8x6272xf32, #tpu.memory_space<vmem>> -> memref<1x8x5888xf32, #tpu.memory_space<vmem>>
          %dma_start3A_331 = tpu.memref_squeeze %dma_start3A_330 : memref<1x8x5888xf32, #tpu.memory_space<vmem>> -> memref<8x5888xf32, #tpu.memory_space<vmem>>
          %dma_start3A_332 = arith.constant 94080 : i32
          %dma_start3A_333 = tpu.memref_slice %arg2[%add3A_301, %multiple_of3A_320, %dma_start3A_332] : memref<26x64x100001xf32, #tpu.memory_space<hbm>> -> memref<1x8x5888xf32, #tpu.memory_space<hbm>>
          %dma_start3A_334 = tpu.memref_squeeze %dma_start3A_333 : memref<1x8x5888xf32, #tpu.memory_space<hbm>> -> memref<8x5888xf32, #tpu.memory_space<hbm>>
          %dma_start3A_335 = arith.constant 0 : i32
          %dma_start3A_336 = arith.constant 0 : i32
          %dma_start3A_337 = tpu.memref_slice %arg8[%sub3A_274, %dma_start3A_335, %dma_start3A_336] : memref<2x8x6272xf32, #tpu.memory_space<vmem>> -> memref<1x8x5888xf32, #tpu.memory_space<vmem>>
          %dma_start3A_338 = tpu.memref_squeeze %dma_start3A_337 : memref<1x8x5888xf32, #tpu.memory_space<vmem>> -> memref<8x5888xf32, #tpu.memory_space<vmem>>
          %dma_start3A_339 = arith.constant 94080 : i32
          %dma_start3A_340 = tpu.memref_slice %arg2[%add3A_301, %multiple_of3A_320, %dma_start3A_339] : memref<26x64x100001xf32, #tpu.memory_space<hbm>> -> memref<1x8x5888xf32, #tpu.memory_space<hbm>>
          %dma_start3A_341 = tpu.memref_squeeze %dma_start3A_340 : memref<1x8x5888xf32, #tpu.memory_space<hbm>> -> memref<8x5888xf32, #tpu.memory_space<hbm>>
          tpu.enqueue_dma source(%dma_start3A_341 : memref<8x5888xf32, #tpu.memory_space<hbm>>) target(%dma_start3A_338 : memref<8x5888xf32, #tpu.memory_space<vmem>>) target_semaphore(%arg21 : memref<!tpu.dma_semaphore, #tpu.memory_space<semaphore_mem>>)
        } else {
        }
      } else {
      }
      %convert_element_type3A_229 = arith.extui %eq3A_1 : i1 to i32
      %cond3A_230 = arith.constant 0 : i32
      %cond3A_231 = arith.cmpi ne, %convert_element_type3A_229, %cond3A_230 : i32
      scf.if %cond3A_231 {
        %mul3A_271 = arith.constant 8 : i32
        %mul3A_272 = arith.muli %add3A_59, %mul3A_271 : i32
        %add3A_273 = arith.addi %mul3A_272, %select_n3A_56 : i32
        %mul3A_274 = arith.constant 8 : i32
        %mul3A_275 = arith.muli %add3A_273, %mul3A_274 : i32
        %multiple_of3A_276 = tpu.assume_multiple %mul3A_275, 8 : i32
        "tpu.region"() ({
          %run_scoped3A = tpu.sem_alloc : memref<!tpu.dma_semaphore, #tpu.memory_space<semaphore_mem>>
          %dma_start3A = arith.constant 0 : i32
          %dma_start3A_277 = tpu.memref_slice %arg6[%multiple_of3A_276, %dma_start3A] : memref<1664x128xf32, #tpu.memory_space<hbm>> -> memref<8x128xf32, #tpu.memory_space<hbm>>
          %dma_start3A_278 = arith.constant 0 : i32
          %dma_start3A_279 = tpu.memref_slice %arg6[%multiple_of3A_276, %dma_start3A_278] : memref<1664x128xf32, #tpu.memory_space<hbm>> -> memref<8x128xf32, #tpu.memory_space<hbm>>
          tpu.enqueue_dma source(%dma_start3A_279 : memref<8x128xf32, #tpu.memory_space<hbm>>) target(%arg9 : memref<8x128xf32, #tpu.memory_space<vmem>>) target_semaphore(%run_scoped3A : memref<!tpu.dma_semaphore, #tpu.memory_space<semaphore_mem>>)
          %dma_wait3A = arith.constant 0 : i32
          %dma_wait3A_280 = tpu.memref_slice %arg6[%multiple_of3A_276, %dma_wait3A] : memref<1664x128xf32, #tpu.memory_space<hbm>> -> memref<8x128xf32, #tpu.memory_space<hbm>>
          %dma_wait3A_281 = arith.constant 0 : i32
          %dma_wait3A_282 = tpu.memref_slice %arg6[%multiple_of3A_276, %dma_wait3A_281] : memref<1664x128xf32, #tpu.memory_space<hbm>> -> memref<8x128xf32, #tpu.memory_space<hbm>>
          tpu.wait_dma2 semaphore(%run_scoped3A : memref<!tpu.dma_semaphore, #tpu.memory_space<semaphore_mem>>) src(%dma_wait3A_282 : memref<8x128xf32, #tpu.memory_space<hbm>>) dst(%arg9 : memref<8x128xf32, #tpu.memory_space<vmem>>)
          tpu.yield
        }) : () -> ()
      } else {
      }
      %not3A_232 = arith.constant true
      %not3A_233 = arith.xori %eq3A_1, %not3A_232 : i1
      %convert_element_type3A_234 = arith.extui %not3A_233 : i1 to i32
      %cond3A_235 = arith.constant 0 : i32
      %cond3A_236 = arith.cmpi ne, %convert_element_type3A_234, %cond3A_235 : i32
      scf.if %cond3A_236 {
        %while3A_271 = arith.constant 0 : i32
        %while3A_272 = arith.constant 0 : i32
        %while3A_273 = arith.subi %select_n3A_169, %while3A_271 : i32
        %while3A_274 = arith.addi %while3A_271, %while3A_273 : i32
        %while3A_275 = arith.constant 1 : i32
        %while3A_276 = arith.divsi %while3A_273, %while3A_275 : i32
        %while3A_277 = arith.muli %while3A_276, %while3A_275 : i32
        %while3A_278 = arith.addi %while3A_271, %while3A_277 : i32
        %while3A_279 = arith.constant 1 : i32
        %while3A_280 = scf.for %while3A_283 = %while3A_271 to %while3A_278 step %while3A_279 iter_args(%while3A_284 = %while3A_272) -> (i32)  : i32 {
          %jit3A_285 = arith.constant 2 : i32
          %eq3A_286 = arith.constant 0 : i32
          %eq3A_287 = arith.cmpi eq, %jit3A_285, %eq3A_286 : i32
          %jit3A_288 = arith.constant 1 : i32
          %select_n3A_289 = arith.select %eq3A_287, %jit3A_288, %jit3A_285 : i32
          %rem3A_290 = arith.remsi %while3A_283, %select_n3A_289 : i32
          %ne3A_291 = arith.constant 0 : i32
          %ne3A_292 = arith.cmpi ne, %rem3A_290, %ne3A_291 : i32
          %lt3A_293 = arith.constant 0 : i32
          %lt3A_294 = arith.cmpi slt, %rem3A_290, %lt3A_293 : i32
          %lt3A_295 = arith.constant 0 : i32
          %lt3A_296 = arith.cmpi slt, %select_n3A_289, %lt3A_295 : i32
          %ne3A_297 = arith.xori %lt3A_294, %lt3A_296 : i1
          %and3A_298 = arith.andi %ne3A_297, %ne3A_292 : i1
          %add3A_299 = arith.addi %rem3A_290, %select_n3A_289 : i32
          %select_n3A_300 = arith.select %and3A_298, %add3A_299, %rem3A_290 : i32
          %ge3A = arith.constant 2 : i32
          %ge3A_301 = arith.cmpi sge, %while3A_283, %ge3A : i32
          %convert_element_type3A_302 = arith.extui %ge3A_301 : i1 to i32
          %cond3A_303 = arith.constant 0 : i32
          %cond3A_304 = arith.cmpi ne, %convert_element_type3A_302, %cond3A_303 : i32
          scf.if %cond3A_304 {
            %dma_wait3A = arith.constant 0 : i32
            %dma_wait3A_511 = arith.constant 0 : i32
            %dma_wait3A_512 = arith.constant 0 : i32
            %dma_wait3A_513 = tpu.memref_slice %arg13[%dma_wait3A, %dma_wait3A_512] : memref<2x128xf32, #tpu.memory_space<vmem>> -> memref<1x128xf32, #tpu.memory_space<vmem>>
            %dma_wait3A_514 = tpu.memref_squeeze %dma_wait3A_513 : memref<1x128xf32, #tpu.memory_space<vmem>> -> memref<128xf32, #tpu.memory_space<vmem>>
            %dma_wait3A_515 = arith.constant 0 : i32
            %dma_wait3A_516 = tpu.memref_slice %arg14[%dma_wait3A_511, %dma_wait3A_515] : memref<2x128xi32, #tpu.memory_space<vmem>> -> memref<1x128xi32, #tpu.memory_space<vmem>>
            %dma_wait3A_517 = tpu.memref_squeeze %dma_wait3A_516 : memref<1x128xi32, #tpu.memory_space<vmem>> -> memref<128xi32, #tpu.memory_space<vmem>>
            %dma_wait3A_518 = arith.constant 0 : i32
            %dma_wait3A_519 = tpu.memref_slice %arg19[%dma_wait3A_518] : memref<65568xf32, #tpu.memory_space<vmem_shared>> -> memref<65568xf32, #tpu.memory_space<vmem_shared>>
            tpu.wait_indirect_dma semaphore(%arg22 : memref<!tpu.dma_semaphore, #tpu.memory_space<semaphore_mem>>) src(%dma_wait3A_514 : memref<128xf32, #tpu.memory_space<vmem>>) dst(%dma_wait3A_519 : memref<65568xf32, #tpu.memory_space<vmem_shared>>)
          } else {
          }
          %mul3A_305 = arith.constant 16 : i32
          %mul3A_306 = arith.muli %while3A_283, %mul3A_305 : i32
          %get3A = arith.index_cast %mul3A_306 : i32 to index
          %get3A_307 = tpu.vector_load %arg11[%get3A] {strides = array<i32>} : memref<4112xi32, #tpu.memory_space<vmem>>, vector<16xi32>,
          %mul3A_308 = arith.constant 16 : i32
          %mul3A_309 = arith.muli %while3A_283, %mul3A_308 : i32
          %get3A_310 = arith.index_cast %mul3A_309 : i32 to index
          %get3A_311 = tpu.vector_load %arg12[%get3A_310] {strides = array<i32>} : memref<4112xi32, #tpu.memory_space<vmem>>, vector<16xi32>,
          %mul3A_312 = arith.constant 16 : i32
          %mul3A_313 = arith.muli %while3A_283, %mul3A_312 : i32
          %add3A_314 = vector.broadcast %mul3A_313 : i32 to vector<16xi32>
          %add3A_315 = arith.addi %add3A_314, %iota3A : vector<16xi32>
          %lt3A_316 = vector.broadcast %cond3A_141 : i32 to vector<16xi32>
          %lt3A_317 = arith.cmpi slt, %add3A_315, %lt3A_316 : vector<16xi32>
          %jit3A_318 = arith.constant 0 : i32
          %broadcast_in_dim3A = vector.broadcast %jit3A_318 : i32 to vector<16xi32>
          %select_n3A_319 = arith.select %lt3A_317, %get3A_307, %broadcast_in_dim3A : vector<16xi1>, vector<16xi32>
          %broadcast_in_dim3A_320 = vector.broadcast %select_n3A_99 : i32 to vector<16xi32>
          %broadcast_in_dim3A_321 = arith.constant 0 : i32
          %broadcast_in_dim3A_322 = vector.broadcast %broadcast_in_dim3A_321 : i32 to vector<16xi32>
          %gather3A = tpu.vector_load_idx %arg8[%broadcast_in_dim3A_320, %broadcast_in_dim3A_322, %select_n3A_319] : memref<2x8x6272xf32, #tpu.memory_space<vmem>>[vector<16xi32>, vector<16xi32>, vector<16xi32>], vector<16xf32>,
          %mul3A_323 = arith.constant 32768 : i32
          %mul3A_324 = arith.muli %select_n3A_99, %mul3A_323 : i32
          %mul3A_325 = arith.constant 8 : i32
          %mul3A_326 = vector.broadcast %mul3A_325 : i32 to vector<16xi32>
          %mul3A_327 = arith.muli %get3A_311, %mul3A_326 : vector<16xi32>
          %add3A_328 = vector.broadcast %mul3A_324 : i32 to vector<16xi32>
          %add3A_329 = arith.addi %add3A_328, %mul3A_327 : vector<16xi32>
          %add3A_330 = arith.constant 0 : i32
          %add3A_331 = vector.broadcast %add3A_330 : i32 to vector<16xi32>
          %add3A_332 = arith.addi %add3A_329, %add3A_331 : vector<16xi32>
          %add3A_333 = arith.constant 65536 : i32
          %add3A_334 = vector.broadcast %add3A_333 : i32 to vector<16xi32>
          %add3A_335 = arith.addi %add3A_334, %iota3A : vector<16xi32>
          %select_n3A_336 = arith.select %lt3A_317, %add3A_332, %add3A_335 : vector<16xi1>, vector<16xi32>
          %swap3A = arith.index_cast %select_n3A_300 : i32 to index
          %swap3A_337 = arith.constant 0 : index
          %swap3A_338 = tpu.vector_load %arg13[%swap3A, %swap3A_337] {strides = array<i32>} : memref<2x128xf32, #tpu.memory_space<vmem>>, vector<16xf32>,
          tpu.vector_store %arg13[%swap3A, %swap3A_337], %gather3A {strides = array<i32>} : memref<2x128xf32, #tpu.memory_space<vmem>>, vector<16xf32>,
          %swap3A_339 = arith.index_cast %select_n3A_300 : i32 to index
          %swap3A_340 = arith.constant 0 : index
          %swap3A_341 = tpu.vector_load %arg14[%swap3A_339, %swap3A_340] {strides = array<i32>} : memref<2x128xi32, #tpu.memory_space<vmem>>, vector<16xi32>,
          tpu.vector_store %arg14[%swap3A_339, %swap3A_340], %select_n3A_336 {strides = array<i32>} : memref<2x128xi32, #tpu.memory_space<vmem>>, vector<16xi32>,
          %broadcast_in_dim3A_342 = arith.constant 1 : i32
          %broadcast_in_dim3A_343 = vector.broadcast %broadcast_in_dim3A_342 : i32 to vector<16xi32>
          %gather3A_344 = tpu.vector_load_idx %arg8[%broadcast_in_dim3A_320, %broadcast_in_dim3A_343, %select_n3A_319] : memref<2x8x6272xf32, #tpu.memory_space<vmem>>[vector<16xi32>, vector<16xi32>, vector<16xi32>], vector<16xf32>,
          %mul3A_345 = arith.constant 32768 : i32
          %mul3A_346 = arith.muli %select_n3A_99, %mul3A_345 : i32
          %mul3A_347 = arith.constant 8 : i32
          %mul3A_348 = vector.broadcast %mul3A_347 : i32 to vector<16xi32>
          %mul3A_349 = arith.muli %get3A_311, %mul3A_348 : vector<16xi32>
          %add3A_350 = vector.broadcast %mul3A_346 : i32 to vector<16xi32>
          %add3A_351 = arith.addi %add3A_350, %mul3A_349 : vector<16xi32>
          %add3A_352 = arith.constant 1 : i32
          %add3A_353 = vector.broadcast %add3A_352 : i32 to vector<16xi32>
          %add3A_354 = arith.addi %add3A_351, %add3A_353 : vector<16xi32>
          %add3A_355 = arith.constant 65536 : i32
          %add3A_356 = vector.broadcast %add3A_355 : i32 to vector<16xi32>
          %add3A_357 = arith.addi %add3A_356, %iota3A : vector<16xi32>
          %select_n3A_358 = arith.select %lt3A_317, %add3A_354, %add3A_357 : vector<16xi1>, vector<16xi32>
          %swap3A_359 = arith.index_cast %select_n3A_300 : i32 to index
          %swap3A_360 = arith.constant 16 : index
          %swap3A_361 = tpu.vector_load %arg13[%swap3A_359, %swap3A_360] {strides = array<i32>} : memref<2x128xf32, #tpu.memory_space<vmem>>, vector<16xf32>,
          tpu.vector_store %arg13[%swap3A_359, %swap3A_360], %gather3A_344 {strides = array<i32>} : memref<2x128xf32, #tpu.memory_space<vmem>>, vector<16xf32>,
          %swap3A_362 = arith.index_cast %select_n3A_300 : i32 to index
          %swap3A_363 = arith.constant 16 : index
          %swap3A_364 = tpu.vector_load %arg14[%swap3A_362, %swap3A_363] {strides = array<i32>} : memref<2x128xi32, #tpu.memory_space<vmem>>, vector<16xi32>,
          tpu.vector_store %arg14[%swap3A_362, %swap3A_363], %select_n3A_358 {strides = array<i32>} : memref<2x128xi32, #tpu.memory_space<vmem>>, vector<16xi32>,
          %broadcast_in_dim3A_365 = arith.constant 2 : i32
          %broadcast_in_dim3A_366 = vector.broadcast %broadcast_in_dim3A_365 : i32 to vector<16xi32>
          %gather3A_367 = tpu.vector_load_idx %arg8[%broadcast_in_dim3A_320, %broadcast_in_dim3A_366, %select_n3A_319] : memref<2x8x6272xf32, #tpu.memory_space<vmem>>[vector<16xi32>, vector<16xi32>, vector<16xi32>], vector<16xf32>,
          %mul3A_368 = arith.constant 32768 : i32
          %mul3A_369 = arith.muli %select_n3A_99, %mul3A_368 : i32
          %mul3A_370 = arith.constant 8 : i32
          %mul3A_371 = vector.broadcast %mul3A_370 : i32 to vector<16xi32>
          %mul3A_372 = arith.muli %get3A_311, %mul3A_371 : vector<16xi32>
          %add3A_373 = vector.broadcast %mul3A_369 : i32 to vector<16xi32>
          %add3A_374 = arith.addi %add3A_373, %mul3A_372 : vector<16xi32>
          %add3A_375 = arith.constant 2 : i32
          %add3A_376 = vector.broadcast %add3A_375 : i32 to vector<16xi32>
          %add3A_377 = arith.addi %add3A_374, %add3A_376 : vector<16xi32>
          %add3A_378 = arith.constant 65536 : i32
          %add3A_379 = vector.broadcast %add3A_378 : i32 to vector<16xi32>
          %add3A_380 = arith.addi %add3A_379, %iota3A : vector<16xi32>
          %select_n3A_381 = arith.select %lt3A_317, %add3A_377, %add3A_380 : vector<16xi1>, vector<16xi32>
          %swap3A_382 = arith.index_cast %select_n3A_300 : i32 to index
          %swap3A_383 = arith.constant 32 : index
          %swap3A_384 = tpu.vector_load %arg13[%swap3A_382, %swap3A_383] {strides = array<i32>} : memref<2x128xf32, #tpu.memory_space<vmem>>, vector<16xf32>,
          tpu.vector_store %arg13[%swap3A_382, %swap3A_383], %gather3A_367 {strides = array<i32>} : memref<2x128xf32, #tpu.memory_space<vmem>>, vector<16xf32>,
          %swap3A_385 = arith.index_cast %select_n3A_300 : i32 to index
          %swap3A_386 = arith.constant 32 : index
          %swap3A_387 = tpu.vector_load %arg14[%swap3A_385, %swap3A_386] {strides = array<i32>} : memref<2x128xi32, #tpu.memory_space<vmem>>, vector<16xi32>,
          tpu.vector_store %arg14[%swap3A_385, %swap3A_386], %select_n3A_381 {strides = array<i32>} : memref<2x128xi32, #tpu.memory_space<vmem>>, vector<16xi32>,
          %broadcast_in_dim3A_388 = arith.constant 3 : i32
          %broadcast_in_dim3A_389 = vector.broadcast %broadcast_in_dim3A_388 : i32 to vector<16xi32>
          %gather3A_390 = tpu.vector_load_idx %arg8[%broadcast_in_dim3A_320, %broadcast_in_dim3A_389, %select_n3A_319] : memref<2x8x6272xf32, #tpu.memory_space<vmem>>[vector<16xi32>, vector<16xi32>, vector<16xi32>], vector<16xf32>,
          %mul3A_391 = arith.constant 32768 : i32
          %mul3A_392 = arith.muli %select_n3A_99, %mul3A_391 : i32
          %mul3A_393 = arith.constant 8 : i32
          %mul3A_394 = vector.broadcast %mul3A_393 : i32 to vector<16xi32>
          %mul3A_395 = arith.muli %get3A_311, %mul3A_394 : vector<16xi32>
          %add3A_396 = vector.broadcast %mul3A_392 : i32 to vector<16xi32>
          %add3A_397 = arith.addi %add3A_396, %mul3A_395 : vector<16xi32>
          %add3A_398 = arith.constant 3 : i32
          %add3A_399 = vector.broadcast %add3A_398 : i32 to vector<16xi32>
          %add3A_400 = arith.addi %add3A_397, %add3A_399 : vector<16xi32>
          %add3A_401 = arith.constant 65536 : i32
          %add3A_402 = vector.broadcast %add3A_401 : i32 to vector<16xi32>
          %add3A_403 = arith.addi %add3A_402, %iota3A : vector<16xi32>
          %select_n3A_404 = arith.select %lt3A_317, %add3A_400, %add3A_403 : vector<16xi1>, vector<16xi32>
          %swap3A_405 = arith.index_cast %select_n3A_300 : i32 to index
          %swap3A_406 = arith.constant 48 : index
          %swap3A_407 = tpu.vector_load %arg13[%swap3A_405, %swap3A_406] {strides = array<i32>} : memref<2x128xf32, #tpu.memory_space<vmem>>, vector<16xf32>,
          tpu.vector_store %arg13[%swap3A_405, %swap3A_406], %gather3A_390 {strides = array<i32>} : memref<2x128xf32, #tpu.memory_space<vmem>>, vector<16xf32>,
          %swap3A_408 = arith.index_cast %select_n3A_300 : i32 to index
          %swap3A_409 = arith.constant 48 : index
          %swap3A_410 = tpu.vector_load %arg14[%swap3A_408, %swap3A_409] {strides = array<i32>} : memref<2x128xi32, #tpu.memory_space<vmem>>, vector<16xi32>,
          tpu.vector_store %arg14[%swap3A_408, %swap3A_409], %select_n3A_404 {strides = array<i32>} : memref<2x128xi32, #tpu.memory_space<vmem>>, vector<16xi32>,
          %broadcast_in_dim3A_411 = arith.constant 4 : i32
          %broadcast_in_dim3A_412 = vector.broadcast %broadcast_in_dim3A_411 : i32 to vector<16xi32>
          %gather3A_413 = tpu.vector_load_idx %arg8[%broadcast_in_dim3A_320, %broadcast_in_dim3A_412, %select_n3A_319] : memref<2x8x6272xf32, #tpu.memory_space<vmem>>[vector<16xi32>, vector<16xi32>, vector<16xi32>], vector<16xf32>,
          %mul3A_414 = arith.constant 32768 : i32
          %mul3A_415 = arith.muli %select_n3A_99, %mul3A_414 : i32
          %mul3A_416 = arith.constant 8 : i32
          %mul3A_417 = vector.broadcast %mul3A_416 : i32 to vector<16xi32>
          %mul3A_418 = arith.muli %get3A_311, %mul3A_417 : vector<16xi32>
          %add3A_419 = vector.broadcast %mul3A_415 : i32 to vector<16xi32>
          %add3A_420 = arith.addi %add3A_419, %mul3A_418 : vector<16xi32>
          %add3A_421 = arith.constant 4 : i32
          %add3A_422 = vector.broadcast %add3A_421 : i32 to vector<16xi32>
          %add3A_423 = arith.addi %add3A_420, %add3A_422 : vector<16xi32>
          %add3A_424 = arith.constant 65536 : i32
          %add3A_425 = vector.broadcast %add3A_424 : i32 to vector<16xi32>
          %add3A_426 = arith.addi %add3A_425, %iota3A : vector<16xi32>
          %select_n3A_427 = arith.select %lt3A_317, %add3A_423, %add3A_426 : vector<16xi1>, vector<16xi32>
          %swap3A_428 = arith.index_cast %select_n3A_300 : i32 to index
          %swap3A_429 = arith.constant 64 : index
          %swap3A_430 = tpu.vector_load %arg13[%swap3A_428, %swap3A_429] {strides = array<i32>} : memref<2x128xf32, #tpu.memory_space<vmem>>, vector<16xf32>,
          tpu.vector_store %arg13[%swap3A_428, %swap3A_429], %gather3A_413 {strides = array<i32>} : memref<2x128xf32, #tpu.memory_space<vmem>>, vector<16xf32>,
          %swap3A_431 = arith.index_cast %select_n3A_300 : i32 to index
          %swap3A_432 = arith.constant 64 : index
          %swap3A_433 = tpu.vector_load %arg14[%swap3A_431, %swap3A_432] {strides = array<i32>} : memref<2x128xi32, #tpu.memory_space<vmem>>, vector<16xi32>,
          tpu.vector_store %arg14[%swap3A_431, %swap3A_432], %select_n3A_427 {strides = array<i32>} : memref<2x128xi32, #tpu.memory_space<vmem>>, vector<16xi32>,
          %broadcast_in_dim3A_434 = arith.constant 5 : i32
          %broadcast_in_dim3A_435 = vector.broadcast %broadcast_in_dim3A_434 : i32 to vector<16xi32>
          %gather3A_436 = tpu.vector_load_idx %arg8[%broadcast_in_dim3A_320, %broadcast_in_dim3A_435, %select_n3A_319] : memref<2x8x6272xf32, #tpu.memory_space<vmem>>[vector<16xi32>, vector<16xi32>, vector<16xi32>], vector<16xf32>,
          %mul3A_437 = arith.constant 32768 : i32
          %mul3A_438 = arith.muli %select_n3A_99, %mul3A_437 : i32
          %mul3A_439 = arith.constant 8 : i32
          %mul3A_440 = vector.broadcast %mul3A_439 : i32 to vector<16xi32>
          %mul3A_441 = arith.muli %get3A_311, %mul3A_440 : vector<16xi32>
          %add3A_442 = vector.broadcast %mul3A_438 : i32 to vector<16xi32>
          %add3A_443 = arith.addi %add3A_442, %mul3A_441 : vector<16xi32>
          %add3A_444 = arith.constant 5 : i32
          %add3A_445 = vector.broadcast %add3A_444 : i32 to vector<16xi32>
          %add3A_446 = arith.addi %add3A_443, %add3A_445 : vector<16xi32>
          %add3A_447 = arith.constant 65536 : i32
          %add3A_448 = vector.broadcast %add3A_447 : i32 to vector<16xi32>
          %add3A_449 = arith.addi %add3A_448, %iota3A : vector<16xi32>
          %select_n3A_450 = arith.select %lt3A_317, %add3A_446, %add3A_449 : vector<16xi1>, vector<16xi32>
          %swap3A_451 = arith.index_cast %select_n3A_300 : i32 to index
          %swap3A_452 = arith.constant 80 : index
          %swap3A_453 = tpu.vector_load %arg13[%swap3A_451, %swap3A_452] {strides = array<i32>} : memref<2x128xf32, #tpu.memory_space<vmem>>, vector<16xf32>,
          tpu.vector_store %arg13[%swap3A_451, %swap3A_452], %gather3A_436 {strides = array<i32>} : memref<2x128xf32, #tpu.memory_space<vmem>>, vector<16xf32>,
          %swap3A_454 = arith.index_cast %select_n3A_300 : i32 to index
          %swap3A_455 = arith.constant 80 : index
          %swap3A_456 = tpu.vector_load %arg14[%swap3A_454, %swap3A_455] {strides = array<i32>} : memref<2x128xi32, #tpu.memory_space<vmem>>, vector<16xi32>,
          tpu.vector_store %arg14[%swap3A_454, %swap3A_455], %select_n3A_450 {strides = array<i32>} : memref<2x128xi32, #tpu.memory_space<vmem>>, vector<16xi32>,
          %broadcast_in_dim3A_457 = arith.constant 6 : i32
          %broadcast_in_dim3A_458 = vector.broadcast %broadcast_in_dim3A_457 : i32 to vector<16xi32>
          %gather3A_459 = tpu.vector_load_idx %arg8[%broadcast_in_dim3A_320, %broadcast_in_dim3A_458, %select_n3A_319] : memref<2x8x6272xf32, #tpu.memory_space<vmem>>[vector<16xi32>, vector<16xi32>, vector<16xi32>], vector<16xf32>,
          %mul3A_460 = arith.constant 32768 : i32
          %mul3A_461 = arith.muli %select_n3A_99, %mul3A_460 : i32
          %mul3A_462 = arith.constant 8 : i32
          %mul3A_463 = vector.broadcast %mul3A_462 : i32 to vector<16xi32>
          %mul3A_464 = arith.muli %get3A_311, %mul3A_463 : vector<16xi32>
          %add3A_465 = vector.broadcast %mul3A_461 : i32 to vector<16xi32>
          %add3A_466 = arith.addi %add3A_465, %mul3A_464 : vector<16xi32>
          %add3A_467 = arith.constant 6 : i32
          %add3A_468 = vector.broadcast %add3A_467 : i32 to vector<16xi32>
          %add3A_469 = arith.addi %add3A_466, %add3A_468 : vector<16xi32>
          %add3A_470 = arith.constant 65536 : i32
          %add3A_471 = vector.broadcast %add3A_470 : i32 to vector<16xi32>
          %add3A_472 = arith.addi %add3A_471, %iota3A : vector<16xi32>
          %select_n3A_473 = arith.select %lt3A_317, %add3A_469, %add3A_472 : vector<16xi1>, vector<16xi32>
          %swap3A_474 = arith.index_cast %select_n3A_300 : i32 to index
          %swap3A_475 = arith.constant 96 : index
          %swap3A_476 = tpu.vector_load %arg13[%swap3A_474, %swap3A_475] {strides = array<i32>} : memref<2x128xf32, #tpu.memory_space<vmem>>, vector<16xf32>,
          tpu.vector_store %arg13[%swap3A_474, %swap3A_475], %gather3A_459 {strides = array<i32>} : memref<2x128xf32, #tpu.memory_space<vmem>>, vector<16xf32>,
          %swap3A_477 = arith.index_cast %select_n3A_300 : i32 to index
          %swap3A_478 = arith.constant 96 : index
          %swap3A_479 = tpu.vector_load %arg14[%swap3A_477, %swap3A_478] {strides = array<i32>} : memref<2x128xi32, #tpu.memory_space<vmem>>, vector<16xi32>,
          tpu.vector_store %arg14[%swap3A_477, %swap3A_478], %select_n3A_473 {strides = array<i32>} : memref<2x128xi32, #tpu.memory_space<vmem>>, vector<16xi32>,
          %broadcast_in_dim3A_480 = arith.constant 7 : i32
          %broadcast_in_dim3A_481 = vector.broadcast %broadcast_in_dim3A_480 : i32 to vector<16xi32>
          %gather3A_482 = tpu.vector_load_idx %arg8[%broadcast_in_dim3A_320, %broadcast_in_dim3A_481, %select_n3A_319] : memref<2x8x6272xf32, #tpu.memory_space<vmem>>[vector<16xi32>, vector<16xi32>, vector<16xi32>], vector<16xf32>,
          %mul3A_483 = arith.constant 32768 : i32
          %mul3A_484 = arith.muli %select_n3A_99, %mul3A_483 : i32
          %mul3A_485 = arith.constant 8 : i32
          %mul3A_486 = vector.broadcast %mul3A_485 : i32 to vector<16xi32>
          %mul3A_487 = arith.muli %get3A_311, %mul3A_486 : vector<16xi32>
          %add3A_488 = vector.broadcast %mul3A_484 : i32 to vector<16xi32>
          %add3A_489 = arith.addi %add3A_488, %mul3A_487 : vector<16xi32>
          %add3A_490 = arith.constant 7 : i32
          %add3A_491 = vector.broadcast %add3A_490 : i32 to vector<16xi32>
          %add3A_492 = arith.addi %add3A_489, %add3A_491 : vector<16xi32>
          %add3A_493 = arith.constant 65536 : i32
          %add3A_494 = vector.broadcast %add3A_493 : i32 to vector<16xi32>
          %add3A_495 = arith.addi %add3A_494, %iota3A : vector<16xi32>
          %select_n3A_496 = arith.select %lt3A_317, %add3A_492, %add3A_495 : vector<16xi1>, vector<16xi32>
          %swap3A_497 = arith.index_cast %select_n3A_300 : i32 to index
          %swap3A_498 = arith.constant 112 : index
          %swap3A_499 = tpu.vector_load %arg13[%swap3A_497, %swap3A_498] {strides = array<i32>} : memref<2x128xf32, #tpu.memory_space<vmem>>, vector<16xf32>,
          tpu.vector_store %arg13[%swap3A_497, %swap3A_498], %gather3A_482 {strides = array<i32>} : memref<2x128xf32, #tpu.memory_space<vmem>>, vector<16xf32>,
          %swap3A_500 = arith.index_cast %select_n3A_300 : i32 to index
          %swap3A_501 = arith.constant 112 : index
          %swap3A_502 = tpu.vector_load %arg14[%swap3A_500, %swap3A_501] {strides = array<i32>} : memref<2x128xi32, #tpu.memory_space<vmem>>, vector<16xi32>,
          tpu.vector_store %arg14[%swap3A_500, %swap3A_501], %select_n3A_496 {strides = array<i32>} : memref<2x128xi32, #tpu.memory_space<vmem>>, vector<16xi32>,
          %dma_start3A = arith.constant 0 : i32
          %dma_start3A_503 = tpu.memref_slice %arg13[%select_n3A_300, %dma_start3A] : memref<2x128xf32, #tpu.memory_space<vmem>> -> memref<1x128xf32, #tpu.memory_space<vmem>>
          %dma_start3A_504 = tpu.memref_squeeze %dma_start3A_503 : memref<1x128xf32, #tpu.memory_space<vmem>> -> memref<128xf32, #tpu.memory_space<vmem>>
          %dma_start3A_505 = arith.constant 0 : i32
          %dma_start3A_506 = tpu.memref_slice %arg14[%select_n3A_300, %dma_start3A_505] : memref<2x128xi32, #tpu.memory_space<vmem>> -> memref<1x128xi32, #tpu.memory_space<vmem>>
          %dma_start3A_507 = tpu.memref_squeeze %dma_start3A_506 : memref<1x128xi32, #tpu.memory_space<vmem>> -> memref<128xi32, #tpu.memory_space<vmem>>
          %dma_start3A_508 = arith.constant 0 : i32
          %dma_start3A_509 = tpu.memref_slice %arg19[%dma_start3A_508] : memref<65568xf32, #tpu.memory_space<vmem_shared>> -> memref<65568xf32, #tpu.memory_space<vmem_shared>>
          tpu.enqueue_indirect_dma source(%dma_start3A_504 : memref<128xf32, #tpu.memory_space<vmem>>) target(%dma_start3A_509 : memref<65568xf32, #tpu.memory_space<vmem_shared>>) offsets(%dma_start3A_507 : memref<128xi32, #tpu.memory_space<vmem>>) semaphore(%arg22 : memref<!tpu.dma_semaphore, #tpu.memory_space<semaphore_mem>>)
          %while3A_510 = arith.constant 0 : i32
          scf.yield %while3A_510 : i32
        }
        %while3A_281 = arith.constant 1 : i32
        %while3A_282 = scf.for %while3A_283 = %while3A_278 to %while3A_274 step %while3A_281 iter_args(%while3A_284 = %while3A_280) -> (i32)  : i32 {
          %jit3A_285 = arith.constant 2 : i32
          %eq3A_286 = arith.constant 0 : i32
          %eq3A_287 = arith.cmpi eq, %jit3A_285, %eq3A_286 : i32
          %jit3A_288 = arith.constant 1 : i32
          %select_n3A_289 = arith.select %eq3A_287, %jit3A_288, %jit3A_285 : i32
          %rem3A_290 = arith.remsi %while3A_283, %select_n3A_289 : i32
          %ne3A_291 = arith.constant 0 : i32
          %ne3A_292 = arith.cmpi ne, %rem3A_290, %ne3A_291 : i32
          %lt3A_293 = arith.constant 0 : i32
          %lt3A_294 = arith.cmpi slt, %rem3A_290, %lt3A_293 : i32
          %lt3A_295 = arith.constant 0 : i32
          %lt3A_296 = arith.cmpi slt, %select_n3A_289, %lt3A_295 : i32
          %ne3A_297 = arith.xori %lt3A_294, %lt3A_296 : i1
          %and3A_298 = arith.andi %ne3A_297, %ne3A_292 : i1
          %add3A_299 = arith.addi %rem3A_290, %select_n3A_289 : i32
          %select_n3A_300 = arith.select %and3A_298, %add3A_299, %rem3A_290 : i32
          %ge3A = arith.constant 2 : i32
          %ge3A_301 = arith.cmpi sge, %while3A_283, %ge3A : i32
          %convert_element_type3A_302 = arith.extui %ge3A_301 : i1 to i32
          %cond3A_303 = arith.constant 0 : i32
          %cond3A_304 = arith.cmpi ne, %convert_element_type3A_302, %cond3A_303 : i32
          scf.if %cond3A_304 {
            %dma_wait3A = arith.constant 0 : i32
            %dma_wait3A_511 = arith.constant 0 : i32
            %dma_wait3A_512 = arith.constant 0 : i32
            %dma_wait3A_513 = tpu.memref_slice %arg13[%dma_wait3A, %dma_wait3A_512] : memref<2x128xf32, #tpu.memory_space<vmem>> -> memref<1x128xf32, #tpu.memory_space<vmem>>
            %dma_wait3A_514 = tpu.memref_squeeze %dma_wait3A_513 : memref<1x128xf32, #tpu.memory_space<vmem>> -> memref<128xf32, #tpu.memory_space<vmem>>
            %dma_wait3A_515 = arith.constant 0 : i32
            %dma_wait3A_516 = tpu.memref_slice %arg14[%dma_wait3A_511, %dma_wait3A_515] : memref<2x128xi32, #tpu.memory_space<vmem>> -> memref<1x128xi32, #tpu.memory_space<vmem>>
            %dma_wait3A_517 = tpu.memref_squeeze %dma_wait3A_516 : memref<1x128xi32, #tpu.memory_space<vmem>> -> memref<128xi32, #tpu.memory_space<vmem>>
            %dma_wait3A_518 = arith.constant 0 : i32
            %dma_wait3A_519 = tpu.memref_slice %arg19[%dma_wait3A_518] : memref<65568xf32, #tpu.memory_space<vmem_shared>> -> memref<65568xf32, #tpu.memory_space<vmem_shared>>
            tpu.wait_indirect_dma semaphore(%arg22 : memref<!tpu.dma_semaphore, #tpu.memory_space<semaphore_mem>>) src(%dma_wait3A_514 : memref<128xf32, #tpu.memory_space<vmem>>) dst(%dma_wait3A_519 : memref<65568xf32, #tpu.memory_space<vmem_shared>>)
          } else {
          }
          %mul3A_305 = arith.constant 16 : i32
          %mul3A_306 = arith.muli %while3A_283, %mul3A_305 : i32
          %get3A = arith.index_cast %mul3A_306 : i32 to index
          %get3A_307 = tpu.vector_load %arg11[%get3A] {strides = array<i32>} : memref<4112xi32, #tpu.memory_space<vmem>>, vector<16xi32>,
          %mul3A_308 = arith.constant 16 : i32
          %mul3A_309 = arith.muli %while3A_283, %mul3A_308 : i32
          %get3A_310 = arith.index_cast %mul3A_309 : i32 to index
          %get3A_311 = tpu.vector_load %arg12[%get3A_310] {strides = array<i32>} : memref<4112xi32, #tpu.memory_space<vmem>>, vector<16xi32>,
          %mul3A_312 = arith.constant 16 : i32
          %mul3A_313 = arith.muli %while3A_283, %mul3A_312 : i32
          %add3A_314 = vector.broadcast %mul3A_313 : i32 to vector<16xi32>
          %add3A_315 = arith.addi %add3A_314, %iota3A : vector<16xi32>
          %lt3A_316 = vector.broadcast %cond3A_141 : i32 to vector<16xi32>
          %lt3A_317 = arith.cmpi slt, %add3A_315, %lt3A_316 : vector<16xi32>
          %jit3A_318 = arith.constant 0 : i32
          %broadcast_in_dim3A = vector.broadcast %jit3A_318 : i32 to vector<16xi32>
          %select_n3A_319 = arith.select %lt3A_317, %get3A_307, %broadcast_in_dim3A : vector<16xi1>, vector<16xi32>
          %broadcast_in_dim3A_320 = vector.broadcast %select_n3A_99 : i32 to vector<16xi32>
          %broadcast_in_dim3A_321 = arith.constant 0 : i32
          %broadcast_in_dim3A_322 = vector.broadcast %broadcast_in_dim3A_321 : i32 to vector<16xi32>
          %gather3A = tpu.vector_load_idx %arg8[%broadcast_in_dim3A_320, %broadcast_in_dim3A_322, %select_n3A_319] : memref<2x8x6272xf32, #tpu.memory_space<vmem>>[vector<16xi32>, vector<16xi32>, vector<16xi32>], vector<16xf32>,
          %mul3A_323 = arith.constant 32768 : i32
          %mul3A_324 = arith.muli %select_n3A_99, %mul3A_323 : i32
          %mul3A_325 = arith.constant 8 : i32
          %mul3A_326 = vector.broadcast %mul3A_325 : i32 to vector<16xi32>
          %mul3A_327 = arith.muli %get3A_311, %mul3A_326 : vector<16xi32>
          %add3A_328 = vector.broadcast %mul3A_324 : i32 to vector<16xi32>
          %add3A_329 = arith.addi %add3A_328, %mul3A_327 : vector<16xi32>
          %add3A_330 = arith.constant 0 : i32
          %add3A_331 = vector.broadcast %add3A_330 : i32 to vector<16xi32>
          %add3A_332 = arith.addi %add3A_329, %add3A_331 : vector<16xi32>
          %add3A_333 = arith.constant 65536 : i32
          %add3A_334 = vector.broadcast %add3A_333 : i32 to vector<16xi32>
          %add3A_335 = arith.addi %add3A_334, %iota3A : vector<16xi32>
          %select_n3A_336 = arith.select %lt3A_317, %add3A_332, %add3A_335 : vector<16xi1>, vector<16xi32>
          %swap3A = arith.index_cast %select_n3A_300 : i32 to index
          %swap3A_337 = arith.constant 0 : index
          %swap3A_338 = tpu.vector_load %arg13[%swap3A, %swap3A_337] {strides = array<i32>} : memref<2x128xf32, #tpu.memory_space<vmem>>, vector<16xf32>,
          tpu.vector_store %arg13[%swap3A, %swap3A_337], %gather3A {strides = array<i32>} : memref<2x128xf32, #tpu.memory_space<vmem>>, vector<16xf32>,
          %swap3A_339 = arith.index_cast %select_n3A_300 : i32 to index
          %swap3A_340 = arith.constant 0 : index
          %swap3A_341 = tpu.vector_load %arg14[%swap3A_339, %swap3A_340] {strides = array<i32>} : memref<2x128xi32, #tpu.memory_space<vmem>>, vector<16xi32>,
          tpu.vector_store %arg14[%swap3A_339, %swap3A_340], %select_n3A_336 {strides = array<i32>} : memref<2x128xi32, #tpu.memory_space<vmem>>, vector<16xi32>,
          %broadcast_in_dim3A_342 = arith.constant 1 : i32
          %broadcast_in_dim3A_343 = vector.broadcast %broadcast_in_dim3A_342 : i32 to vector<16xi32>
          %gather3A_344 = tpu.vector_load_idx %arg8[%broadcast_in_dim3A_320, %broadcast_in_dim3A_343, %select_n3A_319] : memref<2x8x6272xf32, #tpu.memory_space<vmem>>[vector<16xi32>, vector<16xi32>, vector<16xi32>], vector<16xf32>,
          %mul3A_345 = arith.constant 32768 : i32
          %mul3A_346 = arith.muli %select_n3A_99, %mul3A_345 : i32
          %mul3A_347 = arith.constant 8 : i32
          %mul3A_348 = vector.broadcast %mul3A_347 : i32 to vector<16xi32>
          %mul3A_349 = arith.muli %get3A_311, %mul3A_348 : vector<16xi32>
          %add3A_350 = vector.broadcast %mul3A_346 : i32 to vector<16xi32>
          %add3A_351 = arith.addi %add3A_350, %mul3A_349 : vector<16xi32>
          %add3A_352 = arith.constant 1 : i32
          %add3A_353 = vector.broadcast %add3A_352 : i32 to vector<16xi32>
          %add3A_354 = arith.addi %add3A_351, %add3A_353 : vector<16xi32>
          %add3A_355 = arith.constant 65536 : i32
          %add3A_356 = vector.broadcast %add3A_355 : i32 to vector<16xi32>
          %add3A_357 = arith.addi %add3A_356, %iota3A : vector<16xi32>
          %select_n3A_358 = arith.select %lt3A_317, %add3A_354, %add3A_357 : vector<16xi1>, vector<16xi32>
          %swap3A_359 = arith.index_cast %select_n3A_300 : i32 to index
          %swap3A_360 = arith.constant 16 : index
          %swap3A_361 = tpu.vector_load %arg13[%swap3A_359, %swap3A_360] {strides = array<i32>} : memref<2x128xf32, #tpu.memory_space<vmem>>, vector<16xf32>,
          tpu.vector_store %arg13[%swap3A_359, %swap3A_360], %gather3A_344 {strides = array<i32>} : memref<2x128xf32, #tpu.memory_space<vmem>>, vector<16xf32>,
          %swap3A_362 = arith.index_cast %select_n3A_300 : i32 to index
          %swap3A_363 = arith.constant 16 : index
          %swap3A_364 = tpu.vector_load %arg14[%swap3A_362, %swap3A_363] {strides = array<i32>} : memref<2x128xi32, #tpu.memory_space<vmem>>, vector<16xi32>,
          tpu.vector_store %arg14[%swap3A_362, %swap3A_363], %select_n3A_358 {strides = array<i32>} : memref<2x128xi32, #tpu.memory_space<vmem>>, vector<16xi32>,
          %broadcast_in_dim3A_365 = arith.constant 2 : i32
          %broadcast_in_dim3A_366 = vector.broadcast %broadcast_in_dim3A_365 : i32 to vector<16xi32>
          %gather3A_367 = tpu.vector_load_idx %arg8[%broadcast_in_dim3A_320, %broadcast_in_dim3A_366, %select_n3A_319] : memref<2x8x6272xf32, #tpu.memory_space<vmem>>[vector<16xi32>, vector<16xi32>, vector<16xi32>], vector<16xf32>,
          %mul3A_368 = arith.constant 32768 : i32
          %mul3A_369 = arith.muli %select_n3A_99, %mul3A_368 : i32
          %mul3A_370 = arith.constant 8 : i32
          %mul3A_371 = vector.broadcast %mul3A_370 : i32 to vector<16xi32>
          %mul3A_372 = arith.muli %get3A_311, %mul3A_371 : vector<16xi32>
          %add3A_373 = vector.broadcast %mul3A_369 : i32 to vector<16xi32>
          %add3A_374 = arith.addi %add3A_373, %mul3A_372 : vector<16xi32>
          %add3A_375 = arith.constant 2 : i32
          %add3A_376 = vector.broadcast %add3A_375 : i32 to vector<16xi32>
          %add3A_377 = arith.addi %add3A_374, %add3A_376 : vector<16xi32>
          %add3A_378 = arith.constant 65536 : i32
          %add3A_379 = vector.broadcast %add3A_378 : i32 to vector<16xi32>
          %add3A_380 = arith.addi %add3A_379, %iota3A : vector<16xi32>
          %select_n3A_381 = arith.select %lt3A_317, %add3A_377, %add3A_380 : vector<16xi1>, vector<16xi32>
          %swap3A_382 = arith.index_cast %select_n3A_300 : i32 to index
          %swap3A_383 = arith.constant 32 : index
          %swap3A_384 = tpu.vector_load %arg13[%swap3A_382, %swap3A_383] {strides = array<i32>} : memref<2x128xf32, #tpu.memory_space<vmem>>, vector<16xf32>,
          tpu.vector_store %arg13[%swap3A_382, %swap3A_383], %gather3A_367 {strides = array<i32>} : memref<2x128xf32, #tpu.memory_space<vmem>>, vector<16xf32>,
          %swap3A_385 = arith.index_cast %select_n3A_300 : i32 to index
          %swap3A_386 = arith.constant 32 : index
          %swap3A_387 = tpu.vector_load %arg14[%swap3A_385, %swap3A_386] {strides = array<i32>} : memref<2x128xi32, #tpu.memory_space<vmem>>, vector<16xi32>,
          tpu.vector_store %arg14[%swap3A_385, %swap3A_386], %select_n3A_381 {strides = array<i32>} : memref<2x128xi32, #tpu.memory_space<vmem>>, vector<16xi32>,
          %broadcast_in_dim3A_388 = arith.constant 3 : i32
          %broadcast_in_dim3A_389 = vector.broadcast %broadcast_in_dim3A_388 : i32 to vector<16xi32>
          %gather3A_390 = tpu.vector_load_idx %arg8[%broadcast_in_dim3A_320, %broadcast_in_dim3A_389, %select_n3A_319] : memref<2x8x6272xf32, #tpu.memory_space<vmem>>[vector<16xi32>, vector<16xi32>, vector<16xi32>], vector<16xf32>,
          %mul3A_391 = arith.constant 32768 : i32
          %mul3A_392 = arith.muli %select_n3A_99, %mul3A_391 : i32
          %mul3A_393 = arith.constant 8 : i32
          %mul3A_394 = vector.broadcast %mul3A_393 : i32 to vector<16xi32>
          %mul3A_395 = arith.muli %get3A_311, %mul3A_394 : vector<16xi32>
          %add3A_396 = vector.broadcast %mul3A_392 : i32 to vector<16xi32>
          %add3A_397 = arith.addi %add3A_396, %mul3A_395 : vector<16xi32>
          %add3A_398 = arith.constant 3 : i32
          %add3A_399 = vector.broadcast %add3A_398 : i32 to vector<16xi32>
          %add3A_400 = arith.addi %add3A_397, %add3A_399 : vector<16xi32>
          %add3A_401 = arith.constant 65536 : i32
          %add3A_402 = vector.broadcast %add3A_401 : i32 to vector<16xi32>
          %add3A_403 = arith.addi %add3A_402, %iota3A : vector<16xi32>
          %select_n3A_404 = arith.select %lt3A_317, %add3A_400, %add3A_403 : vector<16xi1>, vector<16xi32>
          %swap3A_405 = arith.index_cast %select_n3A_300 : i32 to index
          %swap3A_406 = arith.constant 48 : index
          %swap3A_407 = tpu.vector_load %arg13[%swap3A_405, %swap3A_406] {strides = array<i32>} : memref<2x128xf32, #tpu.memory_space<vmem>>, vector<16xf32>,
          tpu.vector_store %arg13[%swap3A_405, %swap3A_406], %gather3A_390 {strides = array<i32>} : memref<2x128xf32, #tpu.memory_space<vmem>>, vector<16xf32>,
          %swap3A_408 = arith.index_cast %select_n3A_300 : i32 to index
          %swap3A_409 = arith.constant 48 : index
          %swap3A_410 = tpu.vector_load %arg14[%swap3A_408, %swap3A_409] {strides = array<i32>} : memref<2x128xi32, #tpu.memory_space<vmem>>, vector<16xi32>,
          tpu.vector_store %arg14[%swap3A_408, %swap3A_409], %select_n3A_404 {strides = array<i32>} : memref<2x128xi32, #tpu.memory_space<vmem>>, vector<16xi32>,
          %broadcast_in_dim3A_411 = arith.constant 4 : i32
          %broadcast_in_dim3A_412 = vector.broadcast %broadcast_in_dim3A_411 : i32 to vector<16xi32>
          %gather3A_413 = tpu.vector_load_idx %arg8[%broadcast_in_dim3A_320, %broadcast_in_dim3A_412, %select_n3A_319] : memref<2x8x6272xf32, #tpu.memory_space<vmem>>[vector<16xi32>, vector<16xi32>, vector<16xi32>], vector<16xf32>,
          %mul3A_414 = arith.constant 32768 : i32
          %mul3A_415 = arith.muli %select_n3A_99, %mul3A_414 : i32
          %mul3A_416 = arith.constant 8 : i32
          %mul3A_417 = vector.broadcast %mul3A_416 : i32 to vector<16xi32>
          %mul3A_418 = arith.muli %get3A_311, %mul3A_417 : vector<16xi32>
          %add3A_419 = vector.broadcast %mul3A_415 : i32 to vector<16xi32>
          %add3A_420 = arith.addi %add3A_419, %mul3A_418 : vector<16xi32>
          %add3A_421 = arith.constant 4 : i32
          %add3A_422 = vector.broadcast %add3A_421 : i32 to vector<16xi32>
          %add3A_423 = arith.addi %add3A_420, %add3A_422 : vector<16xi32>
          %add3A_424 = arith.constant 65536 : i32
          %add3A_425 = vector.broadcast %add3A_424 : i32 to vector<16xi32>
          %add3A_426 = arith.addi %add3A_425, %iota3A : vector<16xi32>
          %select_n3A_427 = arith.select %lt3A_317, %add3A_423, %add3A_426 : vector<16xi1>, vector<16xi32>
          %swap3A_428 = arith.index_cast %select_n3A_300 : i32 to index
          %swap3A_429 = arith.constant 64 : index
          %swap3A_430 = tpu.vector_load %arg13[%swap3A_428, %swap3A_429] {strides = array<i32>} : memref<2x128xf32, #tpu.memory_space<vmem>>, vector<16xf32>,
          tpu.vector_store %arg13[%swap3A_428, %swap3A_429], %gather3A_413 {strides = array<i32>} : memref<2x128xf32, #tpu.memory_space<vmem>>, vector<16xf32>,
          %swap3A_431 = arith.index_cast %select_n3A_300 : i32 to index
          %swap3A_432 = arith.constant 64 : index
          %swap3A_433 = tpu.vector_load %arg14[%swap3A_431, %swap3A_432] {strides = array<i32>} : memref<2x128xi32, #tpu.memory_space<vmem>>, vector<16xi32>,
          tpu.vector_store %arg14[%swap3A_431, %swap3A_432], %select_n3A_427 {strides = array<i32>} : memref<2x128xi32, #tpu.memory_space<vmem>>, vector<16xi32>,
          %broadcast_in_dim3A_434 = arith.constant 5 : i32
          %broadcast_in_dim3A_435 = vector.broadcast %broadcast_in_dim3A_434 : i32 to vector<16xi32>
          %gather3A_436 = tpu.vector_load_idx %arg8[%broadcast_in_dim3A_320, %broadcast_in_dim3A_435, %select_n3A_319] : memref<2x8x6272xf32, #tpu.memory_space<vmem>>[vector<16xi32>, vector<16xi32>, vector<16xi32>], vector<16xf32>,
          %mul3A_437 = arith.constant 32768 : i32
          %mul3A_438 = arith.muli %select_n3A_99, %mul3A_437 : i32
          %mul3A_439 = arith.constant 8 : i32
          %mul3A_440 = vector.broadcast %mul3A_439 : i32 to vector<16xi32>
          %mul3A_441 = arith.muli %get3A_311, %mul3A_440 : vector<16xi32>
          %add3A_442 = vector.broadcast %mul3A_438 : i32 to vector<16xi32>
          %add3A_443 = arith.addi %add3A_442, %mul3A_441 : vector<16xi32>
          %add3A_444 = arith.constant 5 : i32
          %add3A_445 = vector.broadcast %add3A_444 : i32 to vector<16xi32>
          %add3A_446 = arith.addi %add3A_443, %add3A_445 : vector<16xi32>
          %add3A_447 = arith.constant 65536 : i32
          %add3A_448 = vector.broadcast %add3A_447 : i32 to vector<16xi32>
          %add3A_449 = arith.addi %add3A_448, %iota3A : vector<16xi32>
          %select_n3A_450 = arith.select %lt3A_317, %add3A_446, %add3A_449 : vector<16xi1>, vector<16xi32>
          %swap3A_451 = arith.index_cast %select_n3A_300 : i32 to index
          %swap3A_452 = arith.constant 80 : index
          %swap3A_453 = tpu.vector_load %arg13[%swap3A_451, %swap3A_452] {strides = array<i32>} : memref<2x128xf32, #tpu.memory_space<vmem>>, vector<16xf32>,
          tpu.vector_store %arg13[%swap3A_451, %swap3A_452], %gather3A_436 {strides = array<i32>} : memref<2x128xf32, #tpu.memory_space<vmem>>, vector<16xf32>,
          %swap3A_454 = arith.index_cast %select_n3A_300 : i32 to index
          %swap3A_455 = arith.constant 80 : index
          %swap3A_456 = tpu.vector_load %arg14[%swap3A_454, %swap3A_455] {strides = array<i32>} : memref<2x128xi32, #tpu.memory_space<vmem>>, vector<16xi32>,
          tpu.vector_store %arg14[%swap3A_454, %swap3A_455], %select_n3A_450 {strides = array<i32>} : memref<2x128xi32, #tpu.memory_space<vmem>>, vector<16xi32>,
          %broadcast_in_dim3A_457 = arith.constant 6 : i32
          %broadcast_in_dim3A_458 = vector.broadcast %broadcast_in_dim3A_457 : i32 to vector<16xi32>
          %gather3A_459 = tpu.vector_load_idx %arg8[%broadcast_in_dim3A_320, %broadcast_in_dim3A_458, %select_n3A_319] : memref<2x8x6272xf32, #tpu.memory_space<vmem>>[vector<16xi32>, vector<16xi32>, vector<16xi32>], vector<16xf32>,
          %mul3A_460 = arith.constant 32768 : i32
          %mul3A_461 = arith.muli %select_n3A_99, %mul3A_460 : i32
          %mul3A_462 = arith.constant 8 : i32
          %mul3A_463 = vector.broadcast %mul3A_462 : i32 to vector<16xi32>
          %mul3A_464 = arith.muli %get3A_311, %mul3A_463 : vector<16xi32>
          %add3A_465 = vector.broadcast %mul3A_461 : i32 to vector<16xi32>
          %add3A_466 = arith.addi %add3A_465, %mul3A_464 : vector<16xi32>
          %add3A_467 = arith.constant 6 : i32
          %add3A_468 = vector.broadcast %add3A_467 : i32 to vector<16xi32>
          %add3A_469 = arith.addi %add3A_466, %add3A_468 : vector<16xi32>
          %add3A_470 = arith.constant 65536 : i32
          %add3A_471 = vector.broadcast %add3A_470 : i32 to vector<16xi32>
          %add3A_472 = arith.addi %add3A_471, %iota3A : vector<16xi32>
          %select_n3A_473 = arith.select %lt3A_317, %add3A_469, %add3A_472 : vector<16xi1>, vector<16xi32>
          %swap3A_474 = arith.index_cast %select_n3A_300 : i32 to index
          %swap3A_475 = arith.constant 96 : index
          %swap3A_476 = tpu.vector_load %arg13[%swap3A_474, %swap3A_475] {strides = array<i32>} : memref<2x128xf32, #tpu.memory_space<vmem>>, vector<16xf32>,
          tpu.vector_store %arg13[%swap3A_474, %swap3A_475], %gather3A_459 {strides = array<i32>} : memref<2x128xf32, #tpu.memory_space<vmem>>, vector<16xf32>,
          %swap3A_477 = arith.index_cast %select_n3A_300 : i32 to index
          %swap3A_478 = arith.constant 96 : index
          %swap3A_479 = tpu.vector_load %arg14[%swap3A_477, %swap3A_478] {strides = array<i32>} : memref<2x128xi32, #tpu.memory_space<vmem>>, vector<16xi32>,
          tpu.vector_store %arg14[%swap3A_477, %swap3A_478], %select_n3A_473 {strides = array<i32>} : memref<2x128xi32, #tpu.memory_space<vmem>>, vector<16xi32>,
          %broadcast_in_dim3A_480 = arith.constant 7 : i32
          %broadcast_in_dim3A_481 = vector.broadcast %broadcast_in_dim3A_480 : i32 to vector<16xi32>
          %gather3A_482 = tpu.vector_load_idx %arg8[%broadcast_in_dim3A_320, %broadcast_in_dim3A_481, %select_n3A_319] : memref<2x8x6272xf32, #tpu.memory_space<vmem>>[vector<16xi32>, vector<16xi32>, vector<16xi32>], vector<16xf32>,
          %mul3A_483 = arith.constant 32768 : i32
          %mul3A_484 = arith.muli %select_n3A_99, %mul3A_483 : i32
          %mul3A_485 = arith.constant 8 : i32
          %mul3A_486 = vector.broadcast %mul3A_485 : i32 to vector<16xi32>
          %mul3A_487 = arith.muli %get3A_311, %mul3A_486 : vector<16xi32>
          %add3A_488 = vector.broadcast %mul3A_484 : i32 to vector<16xi32>
          %add3A_489 = arith.addi %add3A_488, %mul3A_487 : vector<16xi32>
          %add3A_490 = arith.constant 7 : i32
          %add3A_491 = vector.broadcast %add3A_490 : i32 to vector<16xi32>
          %add3A_492 = arith.addi %add3A_489, %add3A_491 : vector<16xi32>
          %add3A_493 = arith.constant 65536 : i32
          %add3A_494 = vector.broadcast %add3A_493 : i32 to vector<16xi32>
          %add3A_495 = arith.addi %add3A_494, %iota3A : vector<16xi32>
          %select_n3A_496 = arith.select %lt3A_317, %add3A_492, %add3A_495 : vector<16xi1>, vector<16xi32>
          %swap3A_497 = arith.index_cast %select_n3A_300 : i32 to index
          %swap3A_498 = arith.constant 112 : index
          %swap3A_499 = tpu.vector_load %arg13[%swap3A_497, %swap3A_498] {strides = array<i32>} : memref<2x128xf32, #tpu.memory_space<vmem>>, vector<16xf32>,
          tpu.vector_store %arg13[%swap3A_497, %swap3A_498], %gather3A_482 {strides = array<i32>} : memref<2x128xf32, #tpu.memory_space<vmem>>, vector<16xf32>,
          %swap3A_500 = arith.index_cast %select_n3A_300 : i32 to index
          %swap3A_501 = arith.constant 112 : index
          %swap3A_502 = tpu.vector_load %arg14[%swap3A_500, %swap3A_501] {strides = array<i32>} : memref<2x128xi32, #tpu.memory_space<vmem>>, vector<16xi32>,
          tpu.vector_store %arg14[%swap3A_500, %swap3A_501], %select_n3A_496 {strides = array<i32>} : memref<2x128xi32, #tpu.memory_space<vmem>>, vector<16xi32>,
          %dma_start3A = arith.constant 0 : i32
          %dma_start3A_503 = tpu.memref_slice %arg13[%select_n3A_300, %dma_start3A] : memref<2x128xf32, #tpu.memory_space<vmem>> -> memref<1x128xf32, #tpu.memory_space<vmem>>
          %dma_start3A_504 = tpu.memref_squeeze %dma_start3A_503 : memref<1x128xf32, #tpu.memory_space<vmem>> -> memref<128xf32, #tpu.memory_space<vmem>>
          %dma_start3A_505 = arith.constant 0 : i32
          %dma_start3A_506 = tpu.memref_slice %arg14[%select_n3A_300, %dma_start3A_505] : memref<2x128xi32, #tpu.memory_space<vmem>> -> memref<1x128xi32, #tpu.memory_space<vmem>>
          %dma_start3A_507 = tpu.memref_squeeze %dma_start3A_506 : memref<1x128xi32, #tpu.memory_space<vmem>> -> memref<128xi32, #tpu.memory_space<vmem>>
          %dma_start3A_508 = arith.constant 0 : i32
          %dma_start3A_509 = tpu.memref_slice %arg19[%dma_start3A_508] : memref<65568xf32, #tpu.memory_space<vmem_shared>> -> memref<65568xf32, #tpu.memory_space<vmem_shared>>
          tpu.enqueue_indirect_dma source(%dma_start3A_504 : memref<128xf32, #tpu.memory_space<vmem>>) target(%dma_start3A_509 : memref<65568xf32, #tpu.memory_space<vmem_shared>>) offsets(%dma_start3A_507 : memref<128xi32, #tpu.memory_space<vmem>>) semaphore(%arg22 : memref<!tpu.dma_semaphore, #tpu.memory_space<semaphore_mem>>)
          %while3A_510 = arith.constant 0 : i32
          scf.yield %while3A_510 : i32
        }
      } else {
      }
      %convert_element_type3A_237 = arith.extui %eq3A_1 : i1 to i32
      %cond3A_238 = arith.constant 0 : i32
      %cond3A_239 = arith.cmpi ne, %convert_element_type3A_237, %cond3A_238 : i32
      scf.if %cond3A_239 {
        %while3A_271 = arith.constant 0 : i32
        %while3A_272 = arith.constant 0 : i32
        %while3A_273 = arith.subi %select_n3A_169, %while3A_271 : i32
        %while3A_274 = arith.addi %while3A_271, %while3A_273 : i32
        %while3A_275 = arith.constant 1 : i32
        %while3A_276 = arith.divsi %while3A_273, %while3A_275 : i32
        %while3A_277 = arith.muli %while3A_276, %while3A_275 : i32
        %while3A_278 = arith.addi %while3A_271, %while3A_277 : i32
        %while3A_279 = arith.constant 1 : i32
        %while3A_280 = scf.for %while3A_283 = %while3A_271 to %while3A_278 step %while3A_279 iter_args(%while3A_284 = %while3A_272) -> (i32)  : i32 {
          %jit3A_285 = arith.constant 2 : i32
          %eq3A_286 = arith.constant 0 : i32
          %eq3A_287 = arith.cmpi eq, %jit3A_285, %eq3A_286 : i32
          %jit3A_288 = arith.constant 1 : i32
          %select_n3A_289 = arith.select %eq3A_287, %jit3A_288, %jit3A_285 : i32
          %rem3A_290 = arith.remsi %while3A_283, %select_n3A_289 : i32
          %ne3A_291 = arith.constant 0 : i32
          %ne3A_292 = arith.cmpi ne, %rem3A_290, %ne3A_291 : i32
          %lt3A_293 = arith.constant 0 : i32
          %lt3A_294 = arith.cmpi slt, %rem3A_290, %lt3A_293 : i32
          %lt3A_295 = arith.constant 0 : i32
          %lt3A_296 = arith.cmpi slt, %select_n3A_289, %lt3A_295 : i32
          %ne3A_297 = arith.xori %lt3A_294, %lt3A_296 : i1
          %and3A_298 = arith.andi %ne3A_297, %ne3A_292 : i1
          %add3A_299 = arith.addi %rem3A_290, %select_n3A_289 : i32
          %select_n3A_300 = arith.select %and3A_298, %add3A_299, %rem3A_290 : i32
          %ge3A = arith.constant 2 : i32
          %ge3A_301 = arith.cmpi sge, %while3A_283, %ge3A : i32
          %convert_element_type3A_302 = arith.extui %ge3A_301 : i1 to i32
          %cond3A_303 = arith.constant 0 : i32
          %cond3A_304 = arith.cmpi ne, %convert_element_type3A_302, %cond3A_303 : i32
          scf.if %cond3A_304 {
            %dma_wait3A = arith.constant 0 : i32
            %dma_wait3A_541 = arith.constant 0 : i32
            %dma_wait3A_542 = arith.constant 0 : i32
            %dma_wait3A_543 = tpu.memref_slice %arg13[%dma_wait3A, %dma_wait3A_542] : memref<2x128xf32, #tpu.memory_space<vmem>> -> memref<1x128xf32, #tpu.memory_space<vmem>>
            %dma_wait3A_544 = tpu.memref_squeeze %dma_wait3A_543 : memref<1x128xf32, #tpu.memory_space<vmem>> -> memref<128xf32, #tpu.memory_space<vmem>>
            %dma_wait3A_545 = arith.constant 0 : i32
            %dma_wait3A_546 = tpu.memref_slice %arg14[%dma_wait3A_541, %dma_wait3A_545] : memref<2x128xi32, #tpu.memory_space<vmem>> -> memref<1x128xi32, #tpu.memory_space<vmem>>
            %dma_wait3A_547 = tpu.memref_squeeze %dma_wait3A_546 : memref<1x128xi32, #tpu.memory_space<vmem>> -> memref<128xi32, #tpu.memory_space<vmem>>
            %dma_wait3A_548 = arith.constant 0 : i32
            %dma_wait3A_549 = tpu.memref_slice %arg19[%dma_wait3A_548] : memref<65568xf32, #tpu.memory_space<vmem_shared>> -> memref<65568xf32, #tpu.memory_space<vmem_shared>>
            tpu.wait_indirect_dma semaphore(%arg22 : memref<!tpu.dma_semaphore, #tpu.memory_space<semaphore_mem>>) src(%dma_wait3A_544 : memref<128xf32, #tpu.memory_space<vmem>>) dst(%dma_wait3A_549 : memref<65568xf32, #tpu.memory_space<vmem_shared>>)
          } else {
          }
          %mul3A_305 = arith.constant 16 : i32
          %mul3A_306 = arith.muli %while3A_283, %mul3A_305 : i32
          %get3A = arith.index_cast %mul3A_306 : i32 to index
          %get3A_307 = tpu.vector_load %arg11[%get3A] {strides = array<i32>} : memref<4112xi32, #tpu.memory_space<vmem>>, vector<16xi32>,
          %mul3A_308 = arith.constant 16 : i32
          %mul3A_309 = arith.muli %while3A_283, %mul3A_308 : i32
          %get3A_310 = arith.index_cast %mul3A_309 : i32 to index
          %get3A_311 = tpu.vector_load %arg12[%get3A_310] {strides = array<i32>} : memref<4112xi32, #tpu.memory_space<vmem>>, vector<16xi32>,
          %mul3A_312 = arith.constant 16 : i32
          %mul3A_313 = arith.muli %while3A_283, %mul3A_312 : i32
          %add3A_314 = vector.broadcast %mul3A_313 : i32 to vector<16xi32>
          %add3A_315 = arith.addi %add3A_314, %iota3A : vector<16xi32>
          %lt3A_316 = vector.broadcast %cond3A_141 : i32 to vector<16xi32>
          %lt3A_317 = arith.cmpi slt, %add3A_315, %lt3A_316 : vector<16xi32>
          %jit3A_318 = arith.constant 0 : i32
          %broadcast_in_dim3A = vector.broadcast %jit3A_318 : i32 to vector<16xi32>
          %select_n3A_319 = arith.select %lt3A_317, %get3A_307, %broadcast_in_dim3A : vector<16xi1>, vector<16xi32>
          %add3A_320 = vector.broadcast %mul3A_0 : i32 to vector<16xi32>
          %add3A_321 = arith.addi %select_n3A_319, %add3A_320 : vector<16xi32>
          %ge3A_322 = arith.constant 99968 : i32
          %ge3A_323 = vector.broadcast %ge3A_322 : i32 to vector<16xi32>
          %ge3A_324 = arith.cmpi sge, %add3A_321, %ge3A_323 : vector<16xi32>
          %jit3A_325 = arith.constant 0 : i32
          %broadcast_in_dim3A_326 = vector.broadcast %jit3A_325 : i32 to vector<16xi32>
          %select_n3A_327 = arith.select %ge3A_324, %broadcast_in_dim3A_326, %select_n3A_319 : vector<16xi1>, vector<16xi32>
          %sub3A_328 = arith.constant 99968 : i32
          %sub3A_329 = vector.broadcast %sub3A_328 : i32 to vector<16xi32>
          %sub3A_330 = arith.subi %add3A_321, %sub3A_329 : vector<16xi32>
          %jit3A_331 = arith.constant 0 : i32
          %broadcast_in_dim3A_332 = vector.broadcast %jit3A_331 : i32 to vector<16xi32>
          %select_n3A_333 = arith.select %ge3A_324, %sub3A_330, %broadcast_in_dim3A_332 : vector<16xi1>, vector<16xi32>
          %broadcast_in_dim3A_334 = vector.broadcast %select_n3A_99 : i32 to vector<16xi32>
          %broadcast_in_dim3A_335 = arith.constant 0 : i32
          %broadcast_in_dim3A_336 = vector.broadcast %broadcast_in_dim3A_335 : i32 to vector<16xi32>
          %gather3A = tpu.vector_load_idx %arg9[%broadcast_in_dim3A_336, %select_n3A_333] : memref<8x128xf32, #tpu.memory_space<vmem>>[vector<16xi32>, vector<16xi32>], vector<16xf32>,
          %gather3A_337 = tpu.vector_load_idx %arg8[%broadcast_in_dim3A_334, %broadcast_in_dim3A_336, %select_n3A_327] : memref<2x8x6272xf32, #tpu.memory_space<vmem>>[vector<16xi32>, vector<16xi32>, vector<16xi32>], vector<16xf32>,
          %select_n3A_338 = arith.select %ge3A_324, %gather3A, %gather3A_337 : vector<16xi1>, vector<16xf32>
          %mul3A_339 = arith.constant 32768 : i32
          %mul3A_340 = arith.muli %select_n3A_99, %mul3A_339 : i32
          %mul3A_341 = arith.constant 8 : i32
          %mul3A_342 = vector.broadcast %mul3A_341 : i32 to vector<16xi32>
          %mul3A_343 = arith.muli %get3A_311, %mul3A_342 : vector<16xi32>
          %add3A_344 = vector.broadcast %mul3A_340 : i32 to vector<16xi32>
          %add3A_345 = arith.addi %add3A_344, %mul3A_343 : vector<16xi32>
          %add3A_346 = arith.constant 0 : i32
          %add3A_347 = vector.broadcast %add3A_346 : i32 to vector<16xi32>
          %add3A_348 = arith.addi %add3A_345, %add3A_347 : vector<16xi32>
          %add3A_349 = arith.constant 65536 : i32
          %add3A_350 = vector.broadcast %add3A_349 : i32 to vector<16xi32>
          %add3A_351 = arith.addi %add3A_350, %iota3A : vector<16xi32>
          %select_n3A_352 = arith.select %lt3A_317, %add3A_348, %add3A_351 : vector<16xi1>, vector<16xi32>
          %swap3A = arith.index_cast %select_n3A_300 : i32 to index
          %swap3A_353 = arith.constant 0 : index
          %swap3A_354 = tpu.vector_load %arg13[%swap3A, %swap3A_353] {strides = array<i32>} : memref<2x128xf32, #tpu.memory_space<vmem>>, vector<16xf32>,
          tpu.vector_store %arg13[%swap3A, %swap3A_353], %select_n3A_338 {strides = array<i32>} : memref<2x128xf32, #tpu.memory_space<vmem>>, vector<16xf32>,
          %swap3A_355 = arith.index_cast %select_n3A_300 : i32 to index
          %swap3A_356 = arith.constant 0 : index
          %swap3A_357 = tpu.vector_load %arg14[%swap3A_355, %swap3A_356] {strides = array<i32>} : memref<2x128xi32, #tpu.memory_space<vmem>>, vector<16xi32>,
          tpu.vector_store %arg14[%swap3A_355, %swap3A_356], %select_n3A_352 {strides = array<i32>} : memref<2x128xi32, #tpu.memory_space<vmem>>, vector<16xi32>,
          %broadcast_in_dim3A_358 = arith.constant 1 : i32
          %broadcast_in_dim3A_359 = vector.broadcast %broadcast_in_dim3A_358 : i32 to vector<16xi32>
          %gather3A_360 = tpu.vector_load_idx %arg9[%broadcast_in_dim3A_359, %select_n3A_333] : memref<8x128xf32, #tpu.memory_space<vmem>>[vector<16xi32>, vector<16xi32>], vector<16xf32>,
          %gather3A_361 = tpu.vector_load_idx %arg8[%broadcast_in_dim3A_334, %broadcast_in_dim3A_359, %select_n3A_327] : memref<2x8x6272xf32, #tpu.memory_space<vmem>>[vector<16xi32>, vector<16xi32>, vector<16xi32>], vector<16xf32>,
          %select_n3A_362 = arith.select %ge3A_324, %gather3A_360, %gather3A_361 : vector<16xi1>, vector<16xf32>
          %mul3A_363 = arith.constant 32768 : i32
          %mul3A_364 = arith.muli %select_n3A_99, %mul3A_363 : i32
          %mul3A_365 = arith.constant 8 : i32
          %mul3A_366 = vector.broadcast %mul3A_365 : i32 to vector<16xi32>
          %mul3A_367 = arith.muli %get3A_311, %mul3A_366 : vector<16xi32>
          %add3A_368 = vector.broadcast %mul3A_364 : i32 to vector<16xi32>
          %add3A_369 = arith.addi %add3A_368, %mul3A_367 : vector<16xi32>
          %add3A_370 = arith.constant 1 : i32
          %add3A_371 = vector.broadcast %add3A_370 : i32 to vector<16xi32>
          %add3A_372 = arith.addi %add3A_369, %add3A_371 : vector<16xi32>
          %add3A_373 = arith.constant 65536 : i32
          %add3A_374 = vector.broadcast %add3A_373 : i32 to vector<16xi32>
          %add3A_375 = arith.addi %add3A_374, %iota3A : vector<16xi32>
          %select_n3A_376 = arith.select %lt3A_317, %add3A_372, %add3A_375 : vector<16xi1>, vector<16xi32>
          %swap3A_377 = arith.index_cast %select_n3A_300 : i32 to index
          %swap3A_378 = arith.constant 16 : index
          %swap3A_379 = tpu.vector_load %arg13[%swap3A_377, %swap3A_378] {strides = array<i32>} : memref<2x128xf32, #tpu.memory_space<vmem>>, vector<16xf32>,
          tpu.vector_store %arg13[%swap3A_377, %swap3A_378], %select_n3A_362 {strides = array<i32>} : memref<2x128xf32, #tpu.memory_space<vmem>>, vector<16xf32>,
          %swap3A_380 = arith.index_cast %select_n3A_300 : i32 to index
          %swap3A_381 = arith.constant 16 : index
          %swap3A_382 = tpu.vector_load %arg14[%swap3A_380, %swap3A_381] {strides = array<i32>} : memref<2x128xi32, #tpu.memory_space<vmem>>, vector<16xi32>,
          tpu.vector_store %arg14[%swap3A_380, %swap3A_381], %select_n3A_376 {strides = array<i32>} : memref<2x128xi32, #tpu.memory_space<vmem>>, vector<16xi32>,
          %broadcast_in_dim3A_383 = arith.constant 2 : i32
          %broadcast_in_dim3A_384 = vector.broadcast %broadcast_in_dim3A_383 : i32 to vector<16xi32>
          %gather3A_385 = tpu.vector_load_idx %arg9[%broadcast_in_dim3A_384, %select_n3A_333] : memref<8x128xf32, #tpu.memory_space<vmem>>[vector<16xi32>, vector<16xi32>], vector<16xf32>,
          %gather3A_386 = tpu.vector_load_idx %arg8[%broadcast_in_dim3A_334, %broadcast_in_dim3A_384, %select_n3A_327] : memref<2x8x6272xf32, #tpu.memory_space<vmem>>[vector<16xi32>, vector<16xi32>, vector<16xi32>], vector<16xf32>,
          %select_n3A_387 = arith.select %ge3A_324, %gather3A_385, %gather3A_386 : vector<16xi1>, vector<16xf32>
          %mul3A_388 = arith.constant 32768 : i32
          %mul3A_389 = arith.muli %select_n3A_99, %mul3A_388 : i32
          %mul3A_390 = arith.constant 8 : i32
          %mul3A_391 = vector.broadcast %mul3A_390 : i32 to vector<16xi32>
          %mul3A_392 = arith.muli %get3A_311, %mul3A_391 : vector<16xi32>
          %add3A_393 = vector.broadcast %mul3A_389 : i32 to vector<16xi32>
          %add3A_394 = arith.addi %add3A_393, %mul3A_392 : vector<16xi32>
          %add3A_395 = arith.constant 2 : i32
          %add3A_396 = vector.broadcast %add3A_395 : i32 to vector<16xi32>
          %add3A_397 = arith.addi %add3A_394, %add3A_396 : vector<16xi32>
          %add3A_398 = arith.constant 65536 : i32
          %add3A_399 = vector.broadcast %add3A_398 : i32 to vector<16xi32>
          %add3A_400 = arith.addi %add3A_399, %iota3A : vector<16xi32>
          %select_n3A_401 = arith.select %lt3A_317, %add3A_397, %add3A_400 : vector<16xi1>, vector<16xi32>
          %swap3A_402 = arith.index_cast %select_n3A_300 : i32 to index
          %swap3A_403 = arith.constant 32 : index
          %swap3A_404 = tpu.vector_load %arg13[%swap3A_402, %swap3A_403] {strides = array<i32>} : memref<2x128xf32, #tpu.memory_space<vmem>>, vector<16xf32>,
          tpu.vector_store %arg13[%swap3A_402, %swap3A_403], %select_n3A_387 {strides = array<i32>} : memref<2x128xf32, #tpu.memory_space<vmem>>, vector<16xf32>,
          %swap3A_405 = arith.index_cast %select_n3A_300 : i32 to index
          %swap3A_406 = arith.constant 32 : index
          %swap3A_407 = tpu.vector_load %arg14[%swap3A_405, %swap3A_406] {strides = array<i32>} : memref<2x128xi32, #tpu.memory_space<vmem>>, vector<16xi32>,
          tpu.vector_store %arg14[%swap3A_405, %swap3A_406], %select_n3A_401 {strides = array<i32>} : memref<2x128xi32, #tpu.memory_space<vmem>>, vector<16xi32>,
          %broadcast_in_dim3A_408 = arith.constant 3 : i32
          %broadcast_in_dim3A_409 = vector.broadcast %broadcast_in_dim3A_408 : i32 to vector<16xi32>
          %gather3A_410 = tpu.vector_load_idx %arg9[%broadcast_in_dim3A_409, %select_n3A_333] : memref<8x128xf32, #tpu.memory_space<vmem>>[vector<16xi32>, vector<16xi32>], vector<16xf32>,
          %gather3A_411 = tpu.vector_load_idx %arg8[%broadcast_in_dim3A_334, %broadcast_in_dim3A_409, %select_n3A_327] : memref<2x8x6272xf32, #tpu.memory_space<vmem>>[vector<16xi32>, vector<16xi32>, vector<16xi32>], vector<16xf32>,
          %select_n3A_412 = arith.select %ge3A_324, %gather3A_410, %gather3A_411 : vector<16xi1>, vector<16xf32>
          %mul3A_413 = arith.constant 32768 : i32
          %mul3A_414 = arith.muli %select_n3A_99, %mul3A_413 : i32
          %mul3A_415 = arith.constant 8 : i32
          %mul3A_416 = vector.broadcast %mul3A_415 : i32 to vector<16xi32>
          %mul3A_417 = arith.muli %get3A_311, %mul3A_416 : vector<16xi32>
          %add3A_418 = vector.broadcast %mul3A_414 : i32 to vector<16xi32>
          %add3A_419 = arith.addi %add3A_418, %mul3A_417 : vector<16xi32>
          %add3A_420 = arith.constant 3 : i32
          %add3A_421 = vector.broadcast %add3A_420 : i32 to vector<16xi32>
          %add3A_422 = arith.addi %add3A_419, %add3A_421 : vector<16xi32>
          %add3A_423 = arith.constant 65536 : i32
          %add3A_424 = vector.broadcast %add3A_423 : i32 to vector<16xi32>
          %add3A_425 = arith.addi %add3A_424, %iota3A : vector<16xi32>
          %select_n3A_426 = arith.select %lt3A_317, %add3A_422, %add3A_425 : vector<16xi1>, vector<16xi32>
          %swap3A_427 = arith.index_cast %select_n3A_300 : i32 to index
          %swap3A_428 = arith.constant 48 : index
          %swap3A_429 = tpu.vector_load %arg13[%swap3A_427, %swap3A_428] {strides = array<i32>} : memref<2x128xf32, #tpu.memory_space<vmem>>, vector<16xf32>,
          tpu.vector_store %arg13[%swap3A_427, %swap3A_428], %select_n3A_412 {strides = array<i32>} : memref<2x128xf32, #tpu.memory_space<vmem>>, vector<16xf32>,
          %swap3A_430 = arith.index_cast %select_n3A_300 : i32 to index
          %swap3A_431 = arith.constant 48 : index
          %swap3A_432 = tpu.vector_load %arg14[%swap3A_430, %swap3A_431] {strides = array<i32>} : memref<2x128xi32, #tpu.memory_space<vmem>>, vector<16xi32>,
          tpu.vector_store %arg14[%swap3A_430, %swap3A_431], %select_n3A_426 {strides = array<i32>} : memref<2x128xi32, #tpu.memory_space<vmem>>, vector<16xi32>,
          %broadcast_in_dim3A_433 = arith.constant 4 : i32
          %broadcast_in_dim3A_434 = vector.broadcast %broadcast_in_dim3A_433 : i32 to vector<16xi32>
          %gather3A_435 = tpu.vector_load_idx %arg9[%broadcast_in_dim3A_434, %select_n3A_333] : memref<8x128xf32, #tpu.memory_space<vmem>>[vector<16xi32>, vector<16xi32>], vector<16xf32>,
          %gather3A_436 = tpu.vector_load_idx %arg8[%broadcast_in_dim3A_334, %broadcast_in_dim3A_434, %select_n3A_327] : memref<2x8x6272xf32, #tpu.memory_space<vmem>>[vector<16xi32>, vector<16xi32>, vector<16xi32>], vector<16xf32>,
          %select_n3A_437 = arith.select %ge3A_324, %gather3A_435, %gather3A_436 : vector<16xi1>, vector<16xf32>
          %mul3A_438 = arith.constant 32768 : i32
          %mul3A_439 = arith.muli %select_n3A_99, %mul3A_438 : i32
          %mul3A_440 = arith.constant 8 : i32
          %mul3A_441 = vector.broadcast %mul3A_440 : i32 to vector<16xi32>
          %mul3A_442 = arith.muli %get3A_311, %mul3A_441 : vector<16xi32>
          %add3A_443 = vector.broadcast %mul3A_439 : i32 to vector<16xi32>
          %add3A_444 = arith.addi %add3A_443, %mul3A_442 : vector<16xi32>
          %add3A_445 = arith.constant 4 : i32
          %add3A_446 = vector.broadcast %add3A_445 : i32 to vector<16xi32>
          %add3A_447 = arith.addi %add3A_444, %add3A_446 : vector<16xi32>
          %add3A_448 = arith.constant 65536 : i32
          %add3A_449 = vector.broadcast %add3A_448 : i32 to vector<16xi32>
          %add3A_450 = arith.addi %add3A_449, %iota3A : vector<16xi32>
          %select_n3A_451 = arith.select %lt3A_317, %add3A_447, %add3A_450 : vector<16xi1>, vector<16xi32>
          %swap3A_452 = arith.index_cast %select_n3A_300 : i32 to index
          %swap3A_453 = arith.constant 64 : index
          %swap3A_454 = tpu.vector_load %arg13[%swap3A_452, %swap3A_453] {strides = array<i32>} : memref<2x128xf32, #tpu.memory_space<vmem>>, vector<16xf32>,
          tpu.vector_store %arg13[%swap3A_452, %swap3A_453], %select_n3A_437 {strides = array<i32>} : memref<2x128xf32, #tpu.memory_space<vmem>>, vector<16xf32>,
          %swap3A_455 = arith.index_cast %select_n3A_300 : i32 to index
          %swap3A_456 = arith.constant 64 : index
          %swap3A_457 = tpu.vector_load %arg14[%swap3A_455, %swap3A_456] {strides = array<i32>} : memref<2x128xi32, #tpu.memory_space<vmem>>, vector<16xi32>,
          tpu.vector_store %arg14[%swap3A_455, %swap3A_456], %select_n3A_451 {strides = array<i32>} : memref<2x128xi32, #tpu.memory_space<vmem>>, vector<16xi32>,
          %broadcast_in_dim3A_458 = arith.constant 5 : i32
          %broadcast_in_dim3A_459 = vector.broadcast %broadcast_in_dim3A_458 : i32 to vector<16xi32>
          %gather3A_460 = tpu.vector_load_idx %arg9[%broadcast_in_dim3A_459, %select_n3A_333] : memref<8x128xf32, #tpu.memory_space<vmem>>[vector<16xi32>, vector<16xi32>], vector<16xf32>,
          %gather3A_461 = tpu.vector_load_idx %arg8[%broadcast_in_dim3A_334, %broadcast_in_dim3A_459, %select_n3A_327] : memref<2x8x6272xf32, #tpu.memory_space<vmem>>[vector<16xi32>, vector<16xi32>, vector<16xi32>], vector<16xf32>,
          %select_n3A_462 = arith.select %ge3A_324, %gather3A_460, %gather3A_461 : vector<16xi1>, vector<16xf32>
          %mul3A_463 = arith.constant 32768 : i32
          %mul3A_464 = arith.muli %select_n3A_99, %mul3A_463 : i32
          %mul3A_465 = arith.constant 8 : i32
          %mul3A_466 = vector.broadcast %mul3A_465 : i32 to vector<16xi32>
          %mul3A_467 = arith.muli %get3A_311, %mul3A_466 : vector<16xi32>
          %add3A_468 = vector.broadcast %mul3A_464 : i32 to vector<16xi32>
          %add3A_469 = arith.addi %add3A_468, %mul3A_467 : vector<16xi32>
          %add3A_470 = arith.constant 5 : i32
          %add3A_471 = vector.broadcast %add3A_470 : i32 to vector<16xi32>
          %add3A_472 = arith.addi %add3A_469, %add3A_471 : vector<16xi32>
          %add3A_473 = arith.constant 65536 : i32
          %add3A_474 = vector.broadcast %add3A_473 : i32 to vector<16xi32>
          %add3A_475 = arith.addi %add3A_474, %iota3A : vector<16xi32>
          %select_n3A_476 = arith.select %lt3A_317, %add3A_472, %add3A_475 : vector<16xi1>, vector<16xi32>
          %swap3A_477 = arith.index_cast %select_n3A_300 : i32 to index
          %swap3A_478 = arith.constant 80 : index
          %swap3A_479 = tpu.vector_load %arg13[%swap3A_477, %swap3A_478] {strides = array<i32>} : memref<2x128xf32, #tpu.memory_space<vmem>>, vector<16xf32>,
          tpu.vector_store %arg13[%swap3A_477, %swap3A_478], %select_n3A_462 {strides = array<i32>} : memref<2x128xf32, #tpu.memory_space<vmem>>, vector<16xf32>,
          %swap3A_480 = arith.index_cast %select_n3A_300 : i32 to index
          %swap3A_481 = arith.constant 80 : index
          %swap3A_482 = tpu.vector_load %arg14[%swap3A_480, %swap3A_481] {strides = array<i32>} : memref<2x128xi32, #tpu.memory_space<vmem>>, vector<16xi32>,
          tpu.vector_store %arg14[%swap3A_480, %swap3A_481], %select_n3A_476 {strides = array<i32>} : memref<2x128xi32, #tpu.memory_space<vmem>>, vector<16xi32>,
          %broadcast_in_dim3A_483 = arith.constant 6 : i32
          %broadcast_in_dim3A_484 = vector.broadcast %broadcast_in_dim3A_483 : i32 to vector<16xi32>
          %gather3A_485 = tpu.vector_load_idx %arg9[%broadcast_in_dim3A_484, %select_n3A_333] : memref<8x128xf32, #tpu.memory_space<vmem>>[vector<16xi32>, vector<16xi32>], vector<16xf32>,
          %gather3A_486 = tpu.vector_load_idx %arg8[%broadcast_in_dim3A_334, %broadcast_in_dim3A_484, %select_n3A_327] : memref<2x8x6272xf32, #tpu.memory_space<vmem>>[vector<16xi32>, vector<16xi32>, vector<16xi32>], vector<16xf32>,
          %select_n3A_487 = arith.select %ge3A_324, %gather3A_485, %gather3A_486 : vector<16xi1>, vector<16xf32>
          %mul3A_488 = arith.constant 32768 : i32
          %mul3A_489 = arith.muli %select_n3A_99, %mul3A_488 : i32
          %mul3A_490 = arith.constant 8 : i32
          %mul3A_491 = vector.broadcast %mul3A_490 : i32 to vector<16xi32>
          %mul3A_492 = arith.muli %get3A_311, %mul3A_491 : vector<16xi32>
          %add3A_493 = vector.broadcast %mul3A_489 : i32 to vector<16xi32>
          %add3A_494 = arith.addi %add3A_493, %mul3A_492 : vector<16xi32>
          %add3A_495 = arith.constant 6 : i32
          %add3A_496 = vector.broadcast %add3A_495 : i32 to vector<16xi32>
          %add3A_497 = arith.addi %add3A_494, %add3A_496 : vector<16xi32>
          %add3A_498 = arith.constant 65536 : i32
          %add3A_499 = vector.broadcast %add3A_498 : i32 to vector<16xi32>
          %add3A_500 = arith.addi %add3A_499, %iota3A : vector<16xi32>
          %select_n3A_501 = arith.select %lt3A_317, %add3A_497, %add3A_500 : vector<16xi1>, vector<16xi32>
          %swap3A_502 = arith.index_cast %select_n3A_300 : i32 to index
          %swap3A_503 = arith.constant 96 : index
          %swap3A_504 = tpu.vector_load %arg13[%swap3A_502, %swap3A_503] {strides = array<i32>} : memref<2x128xf32, #tpu.memory_space<vmem>>, vector<16xf32>,
          tpu.vector_store %arg13[%swap3A_502, %swap3A_503], %select_n3A_487 {strides = array<i32>} : memref<2x128xf32, #tpu.memory_space<vmem>>, vector<16xf32>,
          %swap3A_505 = arith.index_cast %select_n3A_300 : i32 to index
          %swap3A_506 = arith.constant 96 : index
          %swap3A_507 = tpu.vector_load %arg14[%swap3A_505, %swap3A_506] {strides = array<i32>} : memref<2x128xi32, #tpu.memory_space<vmem>>, vector<16xi32>,
          tpu.vector_store %arg14[%swap3A_505, %swap3A_506], %select_n3A_501 {strides = array<i32>} : memref<2x128xi32, #tpu.memory_space<vmem>>, vector<16xi32>,
          %broadcast_in_dim3A_508 = arith.constant 7 : i32
          %broadcast_in_dim3A_509 = vector.broadcast %broadcast_in_dim3A_508 : i32 to vector<16xi32>
          %gather3A_510 = tpu.vector_load_idx %arg9[%broadcast_in_dim3A_509, %select_n3A_333] : memref<8x128xf32, #tpu.memory_space<vmem>>[vector<16xi32>, vector<16xi32>], vector<16xf32>,
          %gather3A_511 = tpu.vector_load_idx %arg8[%broadcast_in_dim3A_334, %broadcast_in_dim3A_509, %select_n3A_327] : memref<2x8x6272xf32, #tpu.memory_space<vmem>>[vector<16xi32>, vector<16xi32>, vector<16xi32>], vector<16xf32>,
          %select_n3A_512 = arith.select %ge3A_324, %gather3A_510, %gather3A_511 : vector<16xi1>, vector<16xf32>
          %mul3A_513 = arith.constant 32768 : i32
          %mul3A_514 = arith.muli %select_n3A_99, %mul3A_513 : i32
          %mul3A_515 = arith.constant 8 : i32
          %mul3A_516 = vector.broadcast %mul3A_515 : i32 to vector<16xi32>
          %mul3A_517 = arith.muli %get3A_311, %mul3A_516 : vector<16xi32>
          %add3A_518 = vector.broadcast %mul3A_514 : i32 to vector<16xi32>
          %add3A_519 = arith.addi %add3A_518, %mul3A_517 : vector<16xi32>
          %add3A_520 = arith.constant 7 : i32
          %add3A_521 = vector.broadcast %add3A_520 : i32 to vector<16xi32>
          %add3A_522 = arith.addi %add3A_519, %add3A_521 : vector<16xi32>
          %add3A_523 = arith.constant 65536 : i32
          %add3A_524 = vector.broadcast %add3A_523 : i32 to vector<16xi32>
          %add3A_525 = arith.addi %add3A_524, %iota3A : vector<16xi32>
          %select_n3A_526 = arith.select %lt3A_317, %add3A_522, %add3A_525 : vector<16xi1>, vector<16xi32>
          %swap3A_527 = arith.index_cast %select_n3A_300 : i32 to index
          %swap3A_528 = arith.constant 112 : index
          %swap3A_529 = tpu.vector_load %arg13[%swap3A_527, %swap3A_528] {strides = array<i32>} : memref<2x128xf32, #tpu.memory_space<vmem>>, vector<16xf32>,
          tpu.vector_store %arg13[%swap3A_527, %swap3A_528], %select_n3A_512 {strides = array<i32>} : memref<2x128xf32, #tpu.memory_space<vmem>>, vector<16xf32>,
          %swap3A_530 = arith.index_cast %select_n3A_300 : i32 to index
          %swap3A_531 = arith.constant 112 : index
          %swap3A_532 = tpu.vector_load %arg14[%swap3A_530, %swap3A_531] {strides = array<i32>} : memref<2x128xi32, #tpu.memory_space<vmem>>, vector<16xi32>,
          tpu.vector_store %arg14[%swap3A_530, %swap3A_531], %select_n3A_526 {strides = array<i32>} : memref<2x128xi32, #tpu.memory_space<vmem>>, vector<16xi32>,
          %dma_start3A = arith.constant 0 : i32
          %dma_start3A_533 = tpu.memref_slice %arg13[%select_n3A_300, %dma_start3A] : memref<2x128xf32, #tpu.memory_space<vmem>> -> memref<1x128xf32, #tpu.memory_space<vmem>>
          %dma_start3A_534 = tpu.memref_squeeze %dma_start3A_533 : memref<1x128xf32, #tpu.memory_space<vmem>> -> memref<128xf32, #tpu.memory_space<vmem>>
          %dma_start3A_535 = arith.constant 0 : i32
          %dma_start3A_536 = tpu.memref_slice %arg14[%select_n3A_300, %dma_start3A_535] : memref<2x128xi32, #tpu.memory_space<vmem>> -> memref<1x128xi32, #tpu.memory_space<vmem>>
          %dma_start3A_537 = tpu.memref_squeeze %dma_start3A_536 : memref<1x128xi32, #tpu.memory_space<vmem>> -> memref<128xi32, #tpu.memory_space<vmem>>
          %dma_start3A_538 = arith.constant 0 : i32
          %dma_start3A_539 = tpu.memref_slice %arg19[%dma_start3A_538] : memref<65568xf32, #tpu.memory_space<vmem_shared>> -> memref<65568xf32, #tpu.memory_space<vmem_shared>>
          tpu.enqueue_indirect_dma source(%dma_start3A_534 : memref<128xf32, #tpu.memory_space<vmem>>) target(%dma_start3A_539 : memref<65568xf32, #tpu.memory_space<vmem_shared>>) offsets(%dma_start3A_537 : memref<128xi32, #tpu.memory_space<vmem>>) semaphore(%arg22 : memref<!tpu.dma_semaphore, #tpu.memory_space<semaphore_mem>>)
          %while3A_540 = arith.constant 0 : i32
          scf.yield %while3A_540 : i32
        }
        %while3A_281 = arith.constant 1 : i32
        %while3A_282 = scf.for %while3A_283 = %while3A_278 to %while3A_274 step %while3A_281 iter_args(%while3A_284 = %while3A_280) -> (i32)  : i32 {
          %jit3A_285 = arith.constant 2 : i32
          %eq3A_286 = arith.constant 0 : i32
          %eq3A_287 = arith.cmpi eq, %jit3A_285, %eq3A_286 : i32
          %jit3A_288 = arith.constant 1 : i32
          %select_n3A_289 = arith.select %eq3A_287, %jit3A_288, %jit3A_285 : i32
          %rem3A_290 = arith.remsi %while3A_283, %select_n3A_289 : i32
          %ne3A_291 = arith.constant 0 : i32
          %ne3A_292 = arith.cmpi ne, %rem3A_290, %ne3A_291 : i32
          %lt3A_293 = arith.constant 0 : i32
          %lt3A_294 = arith.cmpi slt, %rem3A_290, %lt3A_293 : i32
          %lt3A_295 = arith.constant 0 : i32
          %lt3A_296 = arith.cmpi slt, %select_n3A_289, %lt3A_295 : i32
          %ne3A_297 = arith.xori %lt3A_294, %lt3A_296 : i1
          %and3A_298 = arith.andi %ne3A_297, %ne3A_292 : i1
          %add3A_299 = arith.addi %rem3A_290, %select_n3A_289 : i32
          %select_n3A_300 = arith.select %and3A_298, %add3A_299, %rem3A_290 : i32
          %ge3A = arith.constant 2 : i32
          %ge3A_301 = arith.cmpi sge, %while3A_283, %ge3A : i32
          %convert_element_type3A_302 = arith.extui %ge3A_301 : i1 to i32
          %cond3A_303 = arith.constant 0 : i32
          %cond3A_304 = arith.cmpi ne, %convert_element_type3A_302, %cond3A_303 : i32
          scf.if %cond3A_304 {
            %dma_wait3A = arith.constant 0 : i32
            %dma_wait3A_541 = arith.constant 0 : i32
            %dma_wait3A_542 = arith.constant 0 : i32
            %dma_wait3A_543 = tpu.memref_slice %arg13[%dma_wait3A, %dma_wait3A_542] : memref<2x128xf32, #tpu.memory_space<vmem>> -> memref<1x128xf32, #tpu.memory_space<vmem>>
            %dma_wait3A_544 = tpu.memref_squeeze %dma_wait3A_543 : memref<1x128xf32, #tpu.memory_space<vmem>> -> memref<128xf32, #tpu.memory_space<vmem>>
            %dma_wait3A_545 = arith.constant 0 : i32
            %dma_wait3A_546 = tpu.memref_slice %arg14[%dma_wait3A_541, %dma_wait3A_545] : memref<2x128xi32, #tpu.memory_space<vmem>> -> memref<1x128xi32, #tpu.memory_space<vmem>>
            %dma_wait3A_547 = tpu.memref_squeeze %dma_wait3A_546 : memref<1x128xi32, #tpu.memory_space<vmem>> -> memref<128xi32, #tpu.memory_space<vmem>>
            %dma_wait3A_548 = arith.constant 0 : i32
            %dma_wait3A_549 = tpu.memref_slice %arg19[%dma_wait3A_548] : memref<65568xf32, #tpu.memory_space<vmem_shared>> -> memref<65568xf32, #tpu.memory_space<vmem_shared>>
            tpu.wait_indirect_dma semaphore(%arg22 : memref<!tpu.dma_semaphore, #tpu.memory_space<semaphore_mem>>) src(%dma_wait3A_544 : memref<128xf32, #tpu.memory_space<vmem>>) dst(%dma_wait3A_549 : memref<65568xf32, #tpu.memory_space<vmem_shared>>)
          } else {
          }
          %mul3A_305 = arith.constant 16 : i32
          %mul3A_306 = arith.muli %while3A_283, %mul3A_305 : i32
          %get3A = arith.index_cast %mul3A_306 : i32 to index
          %get3A_307 = tpu.vector_load %arg11[%get3A] {strides = array<i32>} : memref<4112xi32, #tpu.memory_space<vmem>>, vector<16xi32>,
          %mul3A_308 = arith.constant 16 : i32
          %mul3A_309 = arith.muli %while3A_283, %mul3A_308 : i32
          %get3A_310 = arith.index_cast %mul3A_309 : i32 to index
          %get3A_311 = tpu.vector_load %arg12[%get3A_310] {strides = array<i32>} : memref<4112xi32, #tpu.memory_space<vmem>>, vector<16xi32>,
          %mul3A_312 = arith.constant 16 : i32
          %mul3A_313 = arith.muli %while3A_283, %mul3A_312 : i32
          %add3A_314 = vector.broadcast %mul3A_313 : i32 to vector<16xi32>
          %add3A_315 = arith.addi %add3A_314, %iota3A : vector<16xi32>
          %lt3A_316 = vector.broadcast %cond3A_141 : i32 to vector<16xi32>
          %lt3A_317 = arith.cmpi slt, %add3A_315, %lt3A_316 : vector<16xi32>
          %jit3A_318 = arith.constant 0 : i32
          %broadcast_in_dim3A = vector.broadcast %jit3A_318 : i32 to vector<16xi32>
          %select_n3A_319 = arith.select %lt3A_317, %get3A_307, %broadcast_in_dim3A : vector<16xi1>, vector<16xi32>
          %add3A_320 = vector.broadcast %mul3A_0 : i32 to vector<16xi32>
          %add3A_321 = arith.addi %select_n3A_319, %add3A_320 : vector<16xi32>
          %ge3A_322 = arith.constant 99968 : i32
          %ge3A_323 = vector.broadcast %ge3A_322 : i32 to vector<16xi32>
          %ge3A_324 = arith.cmpi sge, %add3A_321, %ge3A_323 : vector<16xi32>
          %jit3A_325 = arith.constant 0 : i32
          %broadcast_in_dim3A_326 = vector.broadcast %jit3A_325 : i32 to vector<16xi32>
          %select_n3A_327 = arith.select %ge3A_324, %broadcast_in_dim3A_326, %select_n3A_319 : vector<16xi1>, vector<16xi32>
          %sub3A_328 = arith.constant 99968 : i32
          %sub3A_329 = vector.broadcast %sub3A_328 : i32 to vector<16xi32>
          %sub3A_330 = arith.subi %add3A_321, %sub3A_329 : vector<16xi32>
          %jit3A_331 = arith.constant 0 : i32
          %broadcast_in_dim3A_332 = vector.broadcast %jit3A_331 : i32 to vector<16xi32>
          %select_n3A_333 = arith.select %ge3A_324, %sub3A_330, %broadcast_in_dim3A_332 : vector<16xi1>, vector<16xi32>
          %broadcast_in_dim3A_334 = vector.broadcast %select_n3A_99 : i32 to vector<16xi32>
          %broadcast_in_dim3A_335 = arith.constant 0 : i32
          %broadcast_in_dim3A_336 = vector.broadcast %broadcast_in_dim3A_335 : i32 to vector<16xi32>
          %gather3A = tpu.vector_load_idx %arg9[%broadcast_in_dim3A_336, %select_n3A_333] : memref<8x128xf32, #tpu.memory_space<vmem>>[vector<16xi32>, vector<16xi32>], vector<16xf32>,
          %gather3A_337 = tpu.vector_load_idx %arg8[%broadcast_in_dim3A_334, %broadcast_in_dim3A_336, %select_n3A_327] : memref<2x8x6272xf32, #tpu.memory_space<vmem>>[vector<16xi32>, vector<16xi32>, vector<16xi32>], vector<16xf32>,
          %select_n3A_338 = arith.select %ge3A_324, %gather3A, %gather3A_337 : vector<16xi1>, vector<16xf32>
          %mul3A_339 = arith.constant 32768 : i32
          %mul3A_340 = arith.muli %select_n3A_99, %mul3A_339 : i32
          %mul3A_341 = arith.constant 8 : i32
          %mul3A_342 = vector.broadcast %mul3A_341 : i32 to vector<16xi32>
          %mul3A_343 = arith.muli %get3A_311, %mul3A_342 : vector<16xi32>
          %add3A_344 = vector.broadcast %mul3A_340 : i32 to vector<16xi32>
          %add3A_345 = arith.addi %add3A_344, %mul3A_343 : vector<16xi32>
          %add3A_346 = arith.constant 0 : i32
          %add3A_347 = vector.broadcast %add3A_346 : i32 to vector<16xi32>
          %add3A_348 = arith.addi %add3A_345, %add3A_347 : vector<16xi32>
          %add3A_349 = arith.constant 65536 : i32
          %add3A_350 = vector.broadcast %add3A_349 : i32 to vector<16xi32>
          %add3A_351 = arith.addi %add3A_350, %iota3A : vector<16xi32>
          %select_n3A_352 = arith.select %lt3A_317, %add3A_348, %add3A_351 : vector<16xi1>, vector<16xi32>
          %swap3A = arith.index_cast %select_n3A_300 : i32 to index
          %swap3A_353 = arith.constant 0 : index
          %swap3A_354 = tpu.vector_load %arg13[%swap3A, %swap3A_353] {strides = array<i32>} : memref<2x128xf32, #tpu.memory_space<vmem>>, vector<16xf32>,
          tpu.vector_store %arg13[%swap3A, %swap3A_353], %select_n3A_338 {strides = array<i32>} : memref<2x128xf32, #tpu.memory_space<vmem>>, vector<16xf32>,
          %swap3A_355 = arith.index_cast %select_n3A_300 : i32 to index
          %swap3A_356 = arith.constant 0 : index
          %swap3A_357 = tpu.vector_load %arg14[%swap3A_355, %swap3A_356] {strides = array<i32>} : memref<2x128xi32, #tpu.memory_space<vmem>>, vector<16xi32>,
          tpu.vector_store %arg14[%swap3A_355, %swap3A_356], %select_n3A_352 {strides = array<i32>} : memref<2x128xi32, #tpu.memory_space<vmem>>, vector<16xi32>,
          %broadcast_in_dim3A_358 = arith.constant 1 : i32
          %broadcast_in_dim3A_359 = vector.broadcast %broadcast_in_dim3A_358 : i32 to vector<16xi32>
          %gather3A_360 = tpu.vector_load_idx %arg9[%broadcast_in_dim3A_359, %select_n3A_333] : memref<8x128xf32, #tpu.memory_space<vmem>>[vector<16xi32>, vector<16xi32>], vector<16xf32>,
          %gather3A_361 = tpu.vector_load_idx %arg8[%broadcast_in_dim3A_334, %broadcast_in_dim3A_359, %select_n3A_327] : memref<2x8x6272xf32, #tpu.memory_space<vmem>>[vector<16xi32>, vector<16xi32>, vector<16xi32>], vector<16xf32>,
          %select_n3A_362 = arith.select %ge3A_324, %gather3A_360, %gather3A_361 : vector<16xi1>, vector<16xf32>
          %mul3A_363 = arith.constant 32768 : i32
          %mul3A_364 = arith.muli %select_n3A_99, %mul3A_363 : i32
          %mul3A_365 = arith.constant 8 : i32
          %mul3A_366 = vector.broadcast %mul3A_365 : i32 to vector<16xi32>
          %mul3A_367 = arith.muli %get3A_311, %mul3A_366 : vector<16xi32>
          %add3A_368 = vector.broadcast %mul3A_364 : i32 to vector<16xi32>
          %add3A_369 = arith.addi %add3A_368, %mul3A_367 : vector<16xi32>
          %add3A_370 = arith.constant 1 : i32
          %add3A_371 = vector.broadcast %add3A_370 : i32 to vector<16xi32>
          %add3A_372 = arith.addi %add3A_369, %add3A_371 : vector<16xi32>
          %add3A_373 = arith.constant 65536 : i32
          %add3A_374 = vector.broadcast %add3A_373 : i32 to vector<16xi32>
          %add3A_375 = arith.addi %add3A_374, %iota3A : vector<16xi32>
          %select_n3A_376 = arith.select %lt3A_317, %add3A_372, %add3A_375 : vector<16xi1>, vector<16xi32>
          %swap3A_377 = arith.index_cast %select_n3A_300 : i32 to index
          %swap3A_378 = arith.constant 16 : index
          %swap3A_379 = tpu.vector_load %arg13[%swap3A_377, %swap3A_378] {strides = array<i32>} : memref<2x128xf32, #tpu.memory_space<vmem>>, vector<16xf32>,
          tpu.vector_store %arg13[%swap3A_377, %swap3A_378], %select_n3A_362 {strides = array<i32>} : memref<2x128xf32, #tpu.memory_space<vmem>>, vector<16xf32>,
          %swap3A_380 = arith.index_cast %select_n3A_300 : i32 to index
          %swap3A_381 = arith.constant 16 : index
          %swap3A_382 = tpu.vector_load %arg14[%swap3A_380, %swap3A_381] {strides = array<i32>} : memref<2x128xi32, #tpu.memory_space<vmem>>, vector<16xi32>,
          tpu.vector_store %arg14[%swap3A_380, %swap3A_381], %select_n3A_376 {strides = array<i32>} : memref<2x128xi32, #tpu.memory_space<vmem>>, vector<16xi32>,
          %broadcast_in_dim3A_383 = arith.constant 2 : i32
          %broadcast_in_dim3A_384 = vector.broadcast %broadcast_in_dim3A_383 : i32 to vector<16xi32>
          %gather3A_385 = tpu.vector_load_idx %arg9[%broadcast_in_dim3A_384, %select_n3A_333] : memref<8x128xf32, #tpu.memory_space<vmem>>[vector<16xi32>, vector<16xi32>], vector<16xf32>,
          %gather3A_386 = tpu.vector_load_idx %arg8[%broadcast_in_dim3A_334, %broadcast_in_dim3A_384, %select_n3A_327] : memref<2x8x6272xf32, #tpu.memory_space<vmem>>[vector<16xi32>, vector<16xi32>, vector<16xi32>], vector<16xf32>,
          %select_n3A_387 = arith.select %ge3A_324, %gather3A_385, %gather3A_386 : vector<16xi1>, vector<16xf32>
          %mul3A_388 = arith.constant 32768 : i32
          %mul3A_389 = arith.muli %select_n3A_99, %mul3A_388 : i32
          %mul3A_390 = arith.constant 8 : i32
          %mul3A_391 = vector.broadcast %mul3A_390 : i32 to vector<16xi32>
          %mul3A_392 = arith.muli %get3A_311, %mul3A_391 : vector<16xi32>
          %add3A_393 = vector.broadcast %mul3A_389 : i32 to vector<16xi32>
          %add3A_394 = arith.addi %add3A_393, %mul3A_392 : vector<16xi32>
          %add3A_395 = arith.constant 2 : i32
          %add3A_396 = vector.broadcast %add3A_395 : i32 to vector<16xi32>
          %add3A_397 = arith.addi %add3A_394, %add3A_396 : vector<16xi32>
          %add3A_398 = arith.constant 65536 : i32
          %add3A_399 = vector.broadcast %add3A_398 : i32 to vector<16xi32>
          %add3A_400 = arith.addi %add3A_399, %iota3A : vector<16xi32>
          %select_n3A_401 = arith.select %lt3A_317, %add3A_397, %add3A_400 : vector<16xi1>, vector<16xi32>
          %swap3A_402 = arith.index_cast %select_n3A_300 : i32 to index
          %swap3A_403 = arith.constant 32 : index
          %swap3A_404 = tpu.vector_load %arg13[%swap3A_402, %swap3A_403] {strides = array<i32>} : memref<2x128xf32, #tpu.memory_space<vmem>>, vector<16xf32>,
          tpu.vector_store %arg13[%swap3A_402, %swap3A_403], %select_n3A_387 {strides = array<i32>} : memref<2x128xf32, #tpu.memory_space<vmem>>, vector<16xf32>,
          %swap3A_405 = arith.index_cast %select_n3A_300 : i32 to index
          %swap3A_406 = arith.constant 32 : index
          %swap3A_407 = tpu.vector_load %arg14[%swap3A_405, %swap3A_406] {strides = array<i32>} : memref<2x128xi32, #tpu.memory_space<vmem>>, vector<16xi32>,
          tpu.vector_store %arg14[%swap3A_405, %swap3A_406], %select_n3A_401 {strides = array<i32>} : memref<2x128xi32, #tpu.memory_space<vmem>>, vector<16xi32>,
          %broadcast_in_dim3A_408 = arith.constant 3 : i32
          %broadcast_in_dim3A_409 = vector.broadcast %broadcast_in_dim3A_408 : i32 to vector<16xi32>
          %gather3A_410 = tpu.vector_load_idx %arg9[%broadcast_in_dim3A_409, %select_n3A_333] : memref<8x128xf32, #tpu.memory_space<vmem>>[vector<16xi32>, vector<16xi32>], vector<16xf32>,
          %gather3A_411 = tpu.vector_load_idx %arg8[%broadcast_in_dim3A_334, %broadcast_in_dim3A_409, %select_n3A_327] : memref<2x8x6272xf32, #tpu.memory_space<vmem>>[vector<16xi32>, vector<16xi32>, vector<16xi32>], vector<16xf32>,
          %select_n3A_412 = arith.select %ge3A_324, %gather3A_410, %gather3A_411 : vector<16xi1>, vector<16xf32>
          %mul3A_413 = arith.constant 32768 : i32
          %mul3A_414 = arith.muli %select_n3A_99, %mul3A_413 : i32
          %mul3A_415 = arith.constant 8 : i32
          %mul3A_416 = vector.broadcast %mul3A_415 : i32 to vector<16xi32>
          %mul3A_417 = arith.muli %get3A_311, %mul3A_416 : vector<16xi32>
          %add3A_418 = vector.broadcast %mul3A_414 : i32 to vector<16xi32>
          %add3A_419 = arith.addi %add3A_418, %mul3A_417 : vector<16xi32>
          %add3A_420 = arith.constant 3 : i32
          %add3A_421 = vector.broadcast %add3A_420 : i32 to vector<16xi32>
          %add3A_422 = arith.addi %add3A_419, %add3A_421 : vector<16xi32>
          %add3A_423 = arith.constant 65536 : i32
          %add3A_424 = vector.broadcast %add3A_423 : i32 to vector<16xi32>
          %add3A_425 = arith.addi %add3A_424, %iota3A : vector<16xi32>
          %select_n3A_426 = arith.select %lt3A_317, %add3A_422, %add3A_425 : vector<16xi1>, vector<16xi32>
          %swap3A_427 = arith.index_cast %select_n3A_300 : i32 to index
          %swap3A_428 = arith.constant 48 : index
          %swap3A_429 = tpu.vector_load %arg13[%swap3A_427, %swap3A_428] {strides = array<i32>} : memref<2x128xf32, #tpu.memory_space<vmem>>, vector<16xf32>,
          tpu.vector_store %arg13[%swap3A_427, %swap3A_428], %select_n3A_412 {strides = array<i32>} : memref<2x128xf32, #tpu.memory_space<vmem>>, vector<16xf32>,
          %swap3A_430 = arith.index_cast %select_n3A_300 : i32 to index
          %swap3A_431 = arith.constant 48 : index
          %swap3A_432 = tpu.vector_load %arg14[%swap3A_430, %swap3A_431] {strides = array<i32>} : memref<2x128xi32, #tpu.memory_space<vmem>>, vector<16xi32>,
          tpu.vector_store %arg14[%swap3A_430, %swap3A_431], %select_n3A_426 {strides = array<i32>} : memref<2x128xi32, #tpu.memory_space<vmem>>, vector<16xi32>,
          %broadcast_in_dim3A_433 = arith.constant 4 : i32
          %broadcast_in_dim3A_434 = vector.broadcast %broadcast_in_dim3A_433 : i32 to vector<16xi32>
          %gather3A_435 = tpu.vector_load_idx %arg9[%broadcast_in_dim3A_434, %select_n3A_333] : memref<8x128xf32, #tpu.memory_space<vmem>>[vector<16xi32>, vector<16xi32>], vector<16xf32>,
          %gather3A_436 = tpu.vector_load_idx %arg8[%broadcast_in_dim3A_334, %broadcast_in_dim3A_434, %select_n3A_327] : memref<2x8x6272xf32, #tpu.memory_space<vmem>>[vector<16xi32>, vector<16xi32>, vector<16xi32>], vector<16xf32>,
          %select_n3A_437 = arith.select %ge3A_324, %gather3A_435, %gather3A_436 : vector<16xi1>, vector<16xf32>
          %mul3A_438 = arith.constant 32768 : i32
          %mul3A_439 = arith.muli %select_n3A_99, %mul3A_438 : i32
          %mul3A_440 = arith.constant 8 : i32
          %mul3A_441 = vector.broadcast %mul3A_440 : i32 to vector<16xi32>
          %mul3A_442 = arith.muli %get3A_311, %mul3A_441 : vector<16xi32>
          %add3A_443 = vector.broadcast %mul3A_439 : i32 to vector<16xi32>
          %add3A_444 = arith.addi %add3A_443, %mul3A_442 : vector<16xi32>
          %add3A_445 = arith.constant 4 : i32
          %add3A_446 = vector.broadcast %add3A_445 : i32 to vector<16xi32>
          %add3A_447 = arith.addi %add3A_444, %add3A_446 : vector<16xi32>
          %add3A_448 = arith.constant 65536 : i32
          %add3A_449 = vector.broadcast %add3A_448 : i32 to vector<16xi32>
          %add3A_450 = arith.addi %add3A_449, %iota3A : vector<16xi32>
          %select_n3A_451 = arith.select %lt3A_317, %add3A_447, %add3A_450 : vector<16xi1>, vector<16xi32>
          %swap3A_452 = arith.index_cast %select_n3A_300 : i32 to index
          %swap3A_453 = arith.constant 64 : index
          %swap3A_454 = tpu.vector_load %arg13[%swap3A_452, %swap3A_453] {strides = array<i32>} : memref<2x128xf32, #tpu.memory_space<vmem>>, vector<16xf32>,
          tpu.vector_store %arg13[%swap3A_452, %swap3A_453], %select_n3A_437 {strides = array<i32>} : memref<2x128xf32, #tpu.memory_space<vmem>>, vector<16xf32>,
          %swap3A_455 = arith.index_cast %select_n3A_300 : i32 to index
          %swap3A_456 = arith.constant 64 : index
          %swap3A_457 = tpu.vector_load %arg14[%swap3A_455, %swap3A_456] {strides = array<i32>} : memref<2x128xi32, #tpu.memory_space<vmem>>, vector<16xi32>,
          tpu.vector_store %arg14[%swap3A_455, %swap3A_456], %select_n3A_451 {strides = array<i32>} : memref<2x128xi32, #tpu.memory_space<vmem>>, vector<16xi32>,
          %broadcast_in_dim3A_458 = arith.constant 5 : i32
          %broadcast_in_dim3A_459 = vector.broadcast %broadcast_in_dim3A_458 : i32 to vector<16xi32>
          %gather3A_460 = tpu.vector_load_idx %arg9[%broadcast_in_dim3A_459, %select_n3A_333] : memref<8x128xf32, #tpu.memory_space<vmem>>[vector<16xi32>, vector<16xi32>], vector<16xf32>,
          %gather3A_461 = tpu.vector_load_idx %arg8[%broadcast_in_dim3A_334, %broadcast_in_dim3A_459, %select_n3A_327] : memref<2x8x6272xf32, #tpu.memory_space<vmem>>[vector<16xi32>, vector<16xi32>, vector<16xi32>], vector<16xf32>,
          %select_n3A_462 = arith.select %ge3A_324, %gather3A_460, %gather3A_461 : vector<16xi1>, vector<16xf32>
          %mul3A_463 = arith.constant 32768 : i32
          %mul3A_464 = arith.muli %select_n3A_99, %mul3A_463 : i32
          %mul3A_465 = arith.constant 8 : i32
          %mul3A_466 = vector.broadcast %mul3A_465 : i32 to vector<16xi32>
          %mul3A_467 = arith.muli %get3A_311, %mul3A_466 : vector<16xi32>
          %add3A_468 = vector.broadcast %mul3A_464 : i32 to vector<16xi32>
          %add3A_469 = arith.addi %add3A_468, %mul3A_467 : vector<16xi32>
          %add3A_470 = arith.constant 5 : i32
          %add3A_471 = vector.broadcast %add3A_470 : i32 to vector<16xi32>
          %add3A_472 = arith.addi %add3A_469, %add3A_471 : vector<16xi32>
          %add3A_473 = arith.constant 65536 : i32
          %add3A_474 = vector.broadcast %add3A_473 : i32 to vector<16xi32>
          %add3A_475 = arith.addi %add3A_474, %iota3A : vector<16xi32>
          %select_n3A_476 = arith.select %lt3A_317, %add3A_472, %add3A_475 : vector<16xi1>, vector<16xi32>
          %swap3A_477 = arith.index_cast %select_n3A_300 : i32 to index
          %swap3A_478 = arith.constant 80 : index
          %swap3A_479 = tpu.vector_load %arg13[%swap3A_477, %swap3A_478] {strides = array<i32>} : memref<2x128xf32, #tpu.memory_space<vmem>>, vector<16xf32>,
          tpu.vector_store %arg13[%swap3A_477, %swap3A_478], %select_n3A_462 {strides = array<i32>} : memref<2x128xf32, #tpu.memory_space<vmem>>, vector<16xf32>,
          %swap3A_480 = arith.index_cast %select_n3A_300 : i32 to index
          %swap3A_481 = arith.constant 80 : index
          %swap3A_482 = tpu.vector_load %arg14[%swap3A_480, %swap3A_481] {strides = array<i32>} : memref<2x128xi32, #tpu.memory_space<vmem>>, vector<16xi32>,
          tpu.vector_store %arg14[%swap3A_480, %swap3A_481], %select_n3A_476 {strides = array<i32>} : memref<2x128xi32, #tpu.memory_space<vmem>>, vector<16xi32>,
          %broadcast_in_dim3A_483 = arith.constant 6 : i32
          %broadcast_in_dim3A_484 = vector.broadcast %broadcast_in_dim3A_483 : i32 to vector<16xi32>
          %gather3A_485 = tpu.vector_load_idx %arg9[%broadcast_in_dim3A_484, %select_n3A_333] : memref<8x128xf32, #tpu.memory_space<vmem>>[vector<16xi32>, vector<16xi32>], vector<16xf32>,
          %gather3A_486 = tpu.vector_load_idx %arg8[%broadcast_in_dim3A_334, %broadcast_in_dim3A_484, %select_n3A_327] : memref<2x8x6272xf32, #tpu.memory_space<vmem>>[vector<16xi32>, vector<16xi32>, vector<16xi32>], vector<16xf32>,
          %select_n3A_487 = arith.select %ge3A_324, %gather3A_485, %gather3A_486 : vector<16xi1>, vector<16xf32>
          %mul3A_488 = arith.constant 32768 : i32
          %mul3A_489 = arith.muli %select_n3A_99, %mul3A_488 : i32
          %mul3A_490 = arith.constant 8 : i32
          %mul3A_491 = vector.broadcast %mul3A_490 : i32 to vector<16xi32>
          %mul3A_492 = arith.muli %get3A_311, %mul3A_491 : vector<16xi32>
          %add3A_493 = vector.broadcast %mul3A_489 : i32 to vector<16xi32>
          %add3A_494 = arith.addi %add3A_493, %mul3A_492 : vector<16xi32>
          %add3A_495 = arith.constant 6 : i32
          %add3A_496 = vector.broadcast %add3A_495 : i32 to vector<16xi32>
          %add3A_497 = arith.addi %add3A_494, %add3A_496 : vector<16xi32>
          %add3A_498 = arith.constant 65536 : i32
          %add3A_499 = vector.broadcast %add3A_498 : i32 to vector<16xi32>
          %add3A_500 = arith.addi %add3A_499, %iota3A : vector<16xi32>
          %select_n3A_501 = arith.select %lt3A_317, %add3A_497, %add3A_500 : vector<16xi1>, vector<16xi32>
          %swap3A_502 = arith.index_cast %select_n3A_300 : i32 to index
          %swap3A_503 = arith.constant 96 : index
          %swap3A_504 = tpu.vector_load %arg13[%swap3A_502, %swap3A_503] {strides = array<i32>} : memref<2x128xf32, #tpu.memory_space<vmem>>, vector<16xf32>,
          tpu.vector_store %arg13[%swap3A_502, %swap3A_503], %select_n3A_487 {strides = array<i32>} : memref<2x128xf32, #tpu.memory_space<vmem>>, vector<16xf32>,
          %swap3A_505 = arith.index_cast %select_n3A_300 : i32 to index
          %swap3A_506 = arith.constant 96 : index
          %swap3A_507 = tpu.vector_load %arg14[%swap3A_505, %swap3A_506] {strides = array<i32>} : memref<2x128xi32, #tpu.memory_space<vmem>>, vector<16xi32>,
          tpu.vector_store %arg14[%swap3A_505, %swap3A_506], %select_n3A_501 {strides = array<i32>} : memref<2x128xi32, #tpu.memory_space<vmem>>, vector<16xi32>,
          %broadcast_in_dim3A_508 = arith.constant 7 : i32
          %broadcast_in_dim3A_509 = vector.broadcast %broadcast_in_dim3A_508 : i32 to vector<16xi32>
          %gather3A_510 = tpu.vector_load_idx %arg9[%broadcast_in_dim3A_509, %select_n3A_333] : memref<8x128xf32, #tpu.memory_space<vmem>>[vector<16xi32>, vector<16xi32>], vector<16xf32>,
          %gather3A_511 = tpu.vector_load_idx %arg8[%broadcast_in_dim3A_334, %broadcast_in_dim3A_509, %select_n3A_327] : memref<2x8x6272xf32, #tpu.memory_space<vmem>>[vector<16xi32>, vector<16xi32>, vector<16xi32>], vector<16xf32>,
          %select_n3A_512 = arith.select %ge3A_324, %gather3A_510, %gather3A_511 : vector<16xi1>, vector<16xf32>
          %mul3A_513 = arith.constant 32768 : i32
          %mul3A_514 = arith.muli %select_n3A_99, %mul3A_513 : i32
          %mul3A_515 = arith.constant 8 : i32
          %mul3A_516 = vector.broadcast %mul3A_515 : i32 to vector<16xi32>
          %mul3A_517 = arith.muli %get3A_311, %mul3A_516 : vector<16xi32>
          %add3A_518 = vector.broadcast %mul3A_514 : i32 to vector<16xi32>
          %add3A_519 = arith.addi %add3A_518, %mul3A_517 : vector<16xi32>
          %add3A_520 = arith.constant 7 : i32
          %add3A_521 = vector.broadcast %add3A_520 : i32 to vector<16xi32>
          %add3A_522 = arith.addi %add3A_519, %add3A_521 : vector<16xi32>
          %add3A_523 = arith.constant 65536 : i32
          %add3A_524 = vector.broadcast %add3A_523 : i32 to vector<16xi32>
          %add3A_525 = arith.addi %add3A_524, %iota3A : vector<16xi32>
          %select_n3A_526 = arith.select %lt3A_317, %add3A_522, %add3A_525 : vector<16xi1>, vector<16xi32>
          %swap3A_527 = arith.index_cast %select_n3A_300 : i32 to index
          %swap3A_528 = arith.constant 112 : index
          %swap3A_529 = tpu.vector_load %arg13[%swap3A_527, %swap3A_528] {strides = array<i32>} : memref<2x128xf32, #tpu.memory_space<vmem>>, vector<16xf32>,
          tpu.vector_store %arg13[%swap3A_527, %swap3A_528], %select_n3A_512 {strides = array<i32>} : memref<2x128xf32, #tpu.memory_space<vmem>>, vector<16xf32>,
          %swap3A_530 = arith.index_cast %select_n3A_300 : i32 to index
          %swap3A_531 = arith.constant 112 : index
          %swap3A_532 = tpu.vector_load %arg14[%swap3A_530, %swap3A_531] {strides = array<i32>} : memref<2x128xi32, #tpu.memory_space<vmem>>, vector<16xi32>,
          tpu.vector_store %arg14[%swap3A_530, %swap3A_531], %select_n3A_526 {strides = array<i32>} : memref<2x128xi32, #tpu.memory_space<vmem>>, vector<16xi32>,
          %dma_start3A = arith.constant 0 : i32
          %dma_start3A_533 = tpu.memref_slice %arg13[%select_n3A_300, %dma_start3A] : memref<2x128xf32, #tpu.memory_space<vmem>> -> memref<1x128xf32, #tpu.memory_space<vmem>>
          %dma_start3A_534 = tpu.memref_squeeze %dma_start3A_533 : memref<1x128xf32, #tpu.memory_space<vmem>> -> memref<128xf32, #tpu.memory_space<vmem>>
          %dma_start3A_535 = arith.constant 0 : i32
          %dma_start3A_536 = tpu.memref_slice %arg14[%select_n3A_300, %dma_start3A_535] : memref<2x128xi32, #tpu.memory_space<vmem>> -> memref<1x128xi32, #tpu.memory_space<vmem>>
          %dma_start3A_537 = tpu.memref_squeeze %dma_start3A_536 : memref<1x128xi32, #tpu.memory_space<vmem>> -> memref<128xi32, #tpu.memory_space<vmem>>
          %dma_start3A_538 = arith.constant 0 : i32
          %dma_start3A_539 = tpu.memref_slice %arg19[%dma_start3A_538] : memref<65568xf32, #tpu.memory_space<vmem_shared>> -> memref<65568xf32, #tpu.memory_space<vmem_shared>>
          tpu.enqueue_indirect_dma source(%dma_start3A_534 : memref<128xf32, #tpu.memory_space<vmem>>) target(%dma_start3A_539 : memref<65568xf32, #tpu.memory_space<vmem_shared>>) offsets(%dma_start3A_537 : memref<128xi32, #tpu.memory_space<vmem>>) semaphore(%arg22 : memref<!tpu.dma_semaphore, #tpu.memory_space<semaphore_mem>>)
          %while3A_540 = arith.constant 0 : i32
          scf.yield %while3A_540 : i32
        }
      } else {
      }
      %min3A = arith.constant 2 : i32
      %min3A_240 = arith.minsi %select_n3A_169, %min3A : i32
      %while3A = arith.constant 0 : i32
      %while3A_241 = arith.constant 0 : i32
      %while3A_242 = arith.subi %min3A_240, %while3A : i32
      %while3A_243 = arith.addi %while3A, %while3A_242 : i32
      %while3A_244 = arith.constant 1 : i32
      %while3A_245 = arith.divsi %while3A_242, %while3A_244 : i32
      %while3A_246 = arith.muli %while3A_245, %while3A_244 : i32
      %while3A_247 = arith.addi %while3A, %while3A_246 : i32
      %while3A_248 = arith.constant 1 : i32
      %while3A_249 = scf.for %while3A_271 = %while3A to %while3A_247 step %while3A_248 iter_args(%while3A_272 = %while3A_241) -> (i32)  : i32 {
        %dma_wait3A = arith.constant 0 : i32
        %dma_wait3A_273 = arith.constant 0 : i32
        %dma_wait3A_274 = arith.constant 0 : i32
        %dma_wait3A_275 = tpu.memref_slice %arg13[%dma_wait3A, %dma_wait3A_274] : memref<2x128xf32, #tpu.memory_space<vmem>> -> memref<1x128xf32, #tpu.memory_space<vmem>>
        %dma_wait3A_276 = tpu.memref_squeeze %dma_wait3A_275 : memref<1x128xf32, #tpu.memory_space<vmem>> -> memref<128xf32, #tpu.memory_space<vmem>>
        %dma_wait3A_277 = arith.constant 0 : i32
        %dma_wait3A_278 = tpu.memref_slice %arg14[%dma_wait3A_273, %dma_wait3A_277] : memref<2x128xi32, #tpu.memory_space<vmem>> -> memref<1x128xi32, #tpu.memory_space<vmem>>
        %dma_wait3A_279 = tpu.memref_squeeze %dma_wait3A_278 : memref<1x128xi32, #tpu.memory_space<vmem>> -> memref<128xi32, #tpu.memory_space<vmem>>
        %dma_wait3A_280 = arith.constant 0 : i32
        %dma_wait3A_281 = tpu.memref_slice %arg19[%dma_wait3A_280] : memref<65568xf32, #tpu.memory_space<vmem_shared>> -> memref<65568xf32, #tpu.memory_space<vmem_shared>>
        tpu.wait_indirect_dma semaphore(%arg22 : memref<!tpu.dma_semaphore, #tpu.memory_space<semaphore_mem>>) src(%dma_wait3A_276 : memref<128xf32, #tpu.memory_space<vmem>>) dst(%dma_wait3A_281 : memref<65568xf32, #tpu.memory_space<vmem_shared>>)
        %while3A_282 = arith.constant 0 : i32
        scf.yield %while3A_282 : i32
      }
      %while3A_250 = arith.constant 1 : i32
      %while3A_251 = scf.for %while3A_271 = %while3A_247 to %while3A_243 step %while3A_250 iter_args(%while3A_272 = %while3A_249) -> (i32)  : i32 {
        %dma_wait3A = arith.constant 0 : i32
        %dma_wait3A_273 = arith.constant 0 : i32
        %dma_wait3A_274 = arith.constant 0 : i32
        %dma_wait3A_275 = tpu.memref_slice %arg13[%dma_wait3A, %dma_wait3A_274] : memref<2x128xf32, #tpu.memory_space<vmem>> -> memref<1x128xf32, #tpu.memory_space<vmem>>
        %dma_wait3A_276 = tpu.memref_squeeze %dma_wait3A_275 : memref<1x128xf32, #tpu.memory_space<vmem>> -> memref<128xf32, #tpu.memory_space<vmem>>
        %dma_wait3A_277 = arith.constant 0 : i32
        %dma_wait3A_278 = tpu.memref_slice %arg14[%dma_wait3A_273, %dma_wait3A_277] : memref<2x128xi32, #tpu.memory_space<vmem>> -> memref<1x128xi32, #tpu.memory_space<vmem>>
        %dma_wait3A_279 = tpu.memref_squeeze %dma_wait3A_278 : memref<1x128xi32, #tpu.memory_space<vmem>> -> memref<128xi32, #tpu.memory_space<vmem>>
        %dma_wait3A_280 = arith.constant 0 : i32
        %dma_wait3A_281 = tpu.memref_slice %arg19[%dma_wait3A_280] : memref<65568xf32, #tpu.memory_space<vmem_shared>> -> memref<65568xf32, #tpu.memory_space<vmem_shared>>
        tpu.wait_indirect_dma semaphore(%arg22 : memref<!tpu.dma_semaphore, #tpu.memory_space<semaphore_mem>>) src(%dma_wait3A_276 : memref<128xf32, #tpu.memory_space<vmem>>) dst(%dma_wait3A_281 : memref<65568xf32, #tpu.memory_space<vmem_shared>>)
        %while3A_282 = arith.constant 0 : i32
        scf.yield %while3A_282 : i32
      }
      %barrier3A = arith.constant 0 : index
      tpu.barrier barrier_id(%barrier3A)
      %mul3A_252 = arith.constant 32768 : i32
      %mul3A_253 = arith.muli %select_n3A_99, %mul3A_252 : i32
      %mul3A_254 = arith.constant 256 : i32
      %mul3A_255 = arith.muli %arg1, %mul3A_254 : i32
      %mul3A_256 = arith.constant 8 : i32
      %mul3A_257 = arith.muli %mul3A_255, %mul3A_256 : i32
      %add3A_258 = arith.addi %mul3A_253, %mul3A_257 : i32
      "tpu.region"() ({
        %run_scoped3A = tpu.sem_alloc : memref<!tpu.dma_semaphore, #tpu.memory_space<semaphore_mem>>
        %dma_start3A = tpu.memref_slice %arg19[%add3A_258] : memref<65568xf32, #tpu.memory_space<vmem_shared>> -> memref<2048xf32, #tpu.memory_space<vmem_shared>>
        %dma_start3A_271 = tpu.memref_slice %arg19[%add3A_258] : memref<65568xf32, #tpu.memory_space<vmem_shared>> -> memref<2048xf32, #tpu.memory_space<vmem_shared>>
        tpu.enqueue_dma source(%dma_start3A_271 : memref<2048xf32, #tpu.memory_space<vmem_shared>>) target(%arg16 : memref<2048xf32, #tpu.memory_space<vmem>>) target_semaphore(%run_scoped3A : memref<!tpu.dma_semaphore, #tpu.memory_space<semaphore_mem>>)
        %dma_wait3A = tpu.memref_slice %arg19[%add3A_258] : memref<65568xf32, #tpu.memory_space<vmem_shared>> -> memref<2048xf32, #tpu.memory_space<vmem_shared>>
        %dma_wait3A_272 = tpu.memref_slice %arg19[%add3A_258] : memref<65568xf32, #tpu.memory_space<vmem_shared>> -> memref<2048xf32, #tpu.memory_space<vmem_shared>>
        tpu.wait_dma2 semaphore(%run_scoped3A : memref<!tpu.dma_semaphore, #tpu.memory_space<semaphore_mem>>) src(%dma_wait3A_272 : memref<2048xf32, #tpu.memory_space<vmem_shared>>) dst(%arg16 : memref<2048xf32, #tpu.memory_space<vmem>>)
        tpu.yield
      }) : () -> ()
      %scan3A_259 = arith.constant 0 : i32
      %scan3A_260 = arith.constant 0 : i32
      %scan3A_261 = arith.constant 16 : i32
      %scan3A_262 = arith.addi %scan3A_260, %scan3A_261 : i32
      %scan3A_263 = arith.constant 1 : i32
      %scan3A_264 = scf.for %scan3A_271 = %scan3A_260 to %scan3A_262 step %scan3A_263 iter_args(%scan3A_272 = %scan3A_259) -> (i32)  : i32 {
        %mul3A_273 = arith.constant 16 : i32
        %mul3A_274 = arith.muli %scan3A_271, %mul3A_273 : i32
        %add3A_275 = vector.broadcast %mul3A_274 : i32 to vector<16xi32>
        %add3A_276 = arith.addi %add3A_275, %iota3A : vector<16xi32>
        %mul3A_277 = arith.constant 8 : i32
        %mul3A_278 = vector.broadcast %mul3A_277 : i32 to vector<16xi32>
        %mul3A_279 = arith.muli %add3A_276, %mul3A_278 : vector<16xi32>
        %add3A_280 = arith.constant 0 : i32
        %add3A_281 = vector.broadcast %add3A_280 : i32 to vector<16xi32>
        %add3A_282 = arith.addi %mul3A_279, %add3A_281 : vector<16xi32>
        %gather3A = tpu.vector_load_idx %arg16[%add3A_282] : memref<2048xf32, #tpu.memory_space<vmem>>[vector<16xi32>], vector<16xf32>,
        %mul3A_283 = arith.constant 16 : i32
        %mul3A_284 = arith.muli %scan3A_271, %mul3A_283 : i32
        %swap3A = arith.constant 0 : i32
        %swap3A_285 = arith.index_cast %swap3A : i32 to index
        %swap3A_286 = arith.index_cast %mul3A_284 : i32 to index
        %swap3A_287 = tpu.vector_load %arg15[%swap3A_285, %swap3A_286] {strides = array<i32>} : memref<8x256xf32, #tpu.memory_space<vmem>>, vector<16xf32>,
        tpu.vector_store %arg15[%swap3A_285, %swap3A_286], %gather3A {strides = array<i32>} : memref<8x256xf32, #tpu.memory_space<vmem>>, vector<16xf32>,
        %add3A_288 = arith.constant 1 : i32
        %add3A_289 = vector.broadcast %add3A_288 : i32 to vector<16xi32>
        %add3A_290 = arith.addi %mul3A_279, %add3A_289 : vector<16xi32>
        %gather3A_291 = tpu.vector_load_idx %arg16[%add3A_290] : memref<2048xf32, #tpu.memory_space<vmem>>[vector<16xi32>], vector<16xf32>,
        %mul3A_292 = arith.constant 16 : i32
        %mul3A_293 = arith.muli %scan3A_271, %mul3A_292 : i32
        %swap3A_294 = arith.constant 1 : i32
        %swap3A_295 = arith.index_cast %swap3A_294 : i32 to index
        %swap3A_296 = arith.index_cast %mul3A_293 : i32 to index
        %swap3A_297 = tpu.vector_load %arg15[%swap3A_295, %swap3A_296] {strides = array<i32>} : memref<8x256xf32, #tpu.memory_space<vmem>>, vector<16xf32>,
        tpu.vector_store %arg15[%swap3A_295, %swap3A_296], %gather3A_291 {strides = array<i32>} : memref<8x256xf32, #tpu.memory_space<vmem>>, vector<16xf32>,
        %add3A_298 = arith.constant 2 : i32
        %add3A_299 = vector.broadcast %add3A_298 : i32 to vector<16xi32>
        %add3A_300 = arith.addi %mul3A_279, %add3A_299 : vector<16xi32>
        %gather3A_301 = tpu.vector_load_idx %arg16[%add3A_300] : memref<2048xf32, #tpu.memory_space<vmem>>[vector<16xi32>], vector<16xf32>,
        %mul3A_302 = arith.constant 16 : i32
        %mul3A_303 = arith.muli %scan3A_271, %mul3A_302 : i32
        %swap3A_304 = arith.constant 2 : i32
        %swap3A_305 = arith.index_cast %swap3A_304 : i32 to index
        %swap3A_306 = arith.index_cast %mul3A_303 : i32 to index
        %swap3A_307 = tpu.vector_load %arg15[%swap3A_305, %swap3A_306] {strides = array<i32>} : memref<8x256xf32, #tpu.memory_space<vmem>>, vector<16xf32>,
        tpu.vector_store %arg15[%swap3A_305, %swap3A_306], %gather3A_301 {strides = array<i32>} : memref<8x256xf32, #tpu.memory_space<vmem>>, vector<16xf32>,
        %add3A_308 = arith.constant 3 : i32
        %add3A_309 = vector.broadcast %add3A_308 : i32 to vector<16xi32>
        %add3A_310 = arith.addi %mul3A_279, %add3A_309 : vector<16xi32>
        %gather3A_311 = tpu.vector_load_idx %arg16[%add3A_310] : memref<2048xf32, #tpu.memory_space<vmem>>[vector<16xi32>], vector<16xf32>,
        %mul3A_312 = arith.constant 16 : i32
        %mul3A_313 = arith.muli %scan3A_271, %mul3A_312 : i32
        %swap3A_314 = arith.constant 3 : i32
        %swap3A_315 = arith.index_cast %swap3A_314 : i32 to index
        %swap3A_316 = arith.index_cast %mul3A_313 : i32 to index
        %swap3A_317 = tpu.vector_load %arg15[%swap3A_315, %swap3A_316] {strides = array<i32>} : memref<8x256xf32, #tpu.memory_space<vmem>>, vector<16xf32>,
        tpu.vector_store %arg15[%swap3A_315, %swap3A_316], %gather3A_311 {strides = array<i32>} : memref<8x256xf32, #tpu.memory_space<vmem>>, vector<16xf32>,
        %add3A_318 = arith.constant 4 : i32
        %add3A_319 = vector.broadcast %add3A_318 : i32 to vector<16xi32>
        %add3A_320 = arith.addi %mul3A_279, %add3A_319 : vector<16xi32>
        %gather3A_321 = tpu.vector_load_idx %arg16[%add3A_320] : memref<2048xf32, #tpu.memory_space<vmem>>[vector<16xi32>], vector<16xf32>,
        %mul3A_322 = arith.constant 16 : i32
        %mul3A_323 = arith.muli %scan3A_271, %mul3A_322 : i32
        %swap3A_324 = arith.constant 4 : i32
        %swap3A_325 = arith.index_cast %swap3A_324 : i32 to index
        %swap3A_326 = arith.index_cast %mul3A_323 : i32 to index
        %swap3A_327 = tpu.vector_load %arg15[%swap3A_325, %swap3A_326] {strides = array<i32>} : memref<8x256xf32, #tpu.memory_space<vmem>>, vector<16xf32>,
        tpu.vector_store %arg15[%swap3A_325, %swap3A_326], %gather3A_321 {strides = array<i32>} : memref<8x256xf32, #tpu.memory_space<vmem>>, vector<16xf32>,
        %add3A_328 = arith.constant 5 : i32
        %add3A_329 = vector.broadcast %add3A_328 : i32 to vector<16xi32>
        %add3A_330 = arith.addi %mul3A_279, %add3A_329 : vector<16xi32>
        %gather3A_331 = tpu.vector_load_idx %arg16[%add3A_330] : memref<2048xf32, #tpu.memory_space<vmem>>[vector<16xi32>], vector<16xf32>,
        %mul3A_332 = arith.constant 16 : i32
        %mul3A_333 = arith.muli %scan3A_271, %mul3A_332 : i32
        %swap3A_334 = arith.constant 5 : i32
        %swap3A_335 = arith.index_cast %swap3A_334 : i32 to index
        %swap3A_336 = arith.index_cast %mul3A_333 : i32 to index
        %swap3A_337 = tpu.vector_load %arg15[%swap3A_335, %swap3A_336] {strides = array<i32>} : memref<8x256xf32, #tpu.memory_space<vmem>>, vector<16xf32>,
        tpu.vector_store %arg15[%swap3A_335, %swap3A_336], %gather3A_331 {strides = array<i32>} : memref<8x256xf32, #tpu.memory_space<vmem>>, vector<16xf32>,
        %add3A_338 = arith.constant 6 : i32
        %add3A_339 = vector.broadcast %add3A_338 : i32 to vector<16xi32>
        %add3A_340 = arith.addi %mul3A_279, %add3A_339 : vector<16xi32>
        %gather3A_341 = tpu.vector_load_idx %arg16[%add3A_340] : memref<2048xf32, #tpu.memory_space<vmem>>[vector<16xi32>], vector<16xf32>,
        %mul3A_342 = arith.constant 16 : i32
        %mul3A_343 = arith.muli %scan3A_271, %mul3A_342 : i32
        %swap3A_344 = arith.constant 6 : i32
        %swap3A_345 = arith.index_cast %swap3A_344 : i32 to index
        %swap3A_346 = arith.index_cast %mul3A_343 : i32 to index
        %swap3A_347 = tpu.vector_load %arg15[%swap3A_345, %swap3A_346] {strides = array<i32>} : memref<8x256xf32, #tpu.memory_space<vmem>>, vector<16xf32>,
        tpu.vector_store %arg15[%swap3A_345, %swap3A_346], %gather3A_341 {strides = array<i32>} : memref<8x256xf32, #tpu.memory_space<vmem>>, vector<16xf32>,
        %add3A_348 = arith.constant 7 : i32
        %add3A_349 = vector.broadcast %add3A_348 : i32 to vector<16xi32>
        %add3A_350 = arith.addi %mul3A_279, %add3A_349 : vector<16xi32>
        %gather3A_351 = tpu.vector_load_idx %arg16[%add3A_350] : memref<2048xf32, #tpu.memory_space<vmem>>[vector<16xi32>], vector<16xf32>,
        %mul3A_352 = arith.constant 16 : i32
        %mul3A_353 = arith.muli %scan3A_271, %mul3A_352 : i32
        %swap3A_354 = arith.constant 7 : i32
        %swap3A_355 = arith.index_cast %swap3A_354 : i32 to index
        %swap3A_356 = arith.index_cast %mul3A_353 : i32 to index
        %swap3A_357 = tpu.vector_load %arg15[%swap3A_355, %swap3A_356] {strides = array<i32>} : memref<8x256xf32, #tpu.memory_space<vmem>>, vector<16xf32>,
        tpu.vector_store %arg15[%swap3A_355, %swap3A_356], %gather3A_351 {strides = array<i32>} : memref<8x256xf32, #tpu.memory_space<vmem>>, vector<16xf32>,
        %scan3A_358 = arith.constant 0 : i32
        scf.yield %scan3A_358 : i32
      }
      %scan3A_265 = arith.constant 16 : i32
      %mul3A_266 = arith.constant 8 : i32
      %mul3A_267 = arith.muli %select_n3A_56, %mul3A_266 : i32
      %multiple_of3A_268 = tpu.assume_multiple %mul3A_267, 8 : i32
      %mul3A_269 = arith.constant 256 : i32
      %mul3A_270 = arith.muli %arg1, %mul3A_269 : i32
      "tpu.region"() ({
        %run_scoped3A = tpu.sem_alloc : memref<!tpu.dma_semaphore, #tpu.memory_space<semaphore_mem>>
        %dma_start3A = tpu.memref_slice %arg7[%add3A_59, %multiple_of3A_268, %mul3A_270] : memref<39x64x4096xf32, #tpu.memory_space<hbm>> -> memref<1x8x256xf32, #tpu.memory_space<hbm>>
        %dma_start3A_271 = tpu.memref_squeeze %dma_start3A : memref<1x8x256xf32, #tpu.memory_space<hbm>> -> memref<8x256xf32, #tpu.memory_space<hbm>>
        %dma_start3A_272 = tpu.memref_slice %arg7[%add3A_59, %multiple_of3A_268, %mul3A_270] : memref<39x64x4096xf32, #tpu.memory_space<hbm>> -> memref<1x8x256xf32, #tpu.memory_space<hbm>>
        %dma_start3A_273 = tpu.memref_squeeze %dma_start3A_272 : memref<1x8x256xf32, #tpu.memory_space<hbm>> -> memref<8x256xf32, #tpu.memory_space<hbm>>
        tpu.enqueue_dma source(%arg15 : memref<8x256xf32, #tpu.memory_space<vmem>>) target(%dma_start3A_273 : memref<8x256xf32, #tpu.memory_space<hbm>>) target_semaphore(%run_scoped3A : memref<!tpu.dma_semaphore, #tpu.memory_space<semaphore_mem>>)
        %dma_wait3A = tpu.memref_slice %arg7[%add3A_59, %multiple_of3A_268, %mul3A_270] : memref<39x64x4096xf32, #tpu.memory_space<hbm>> -> memref<1x8x256xf32, #tpu.memory_space<hbm>>
        %dma_wait3A_274 = tpu.memref_squeeze %dma_wait3A : memref<1x8x256xf32, #tpu.memory_space<hbm>> -> memref<8x256xf32, #tpu.memory_space<hbm>>
        %dma_wait3A_275 = tpu.memref_slice %arg7[%add3A_59, %multiple_of3A_268, %mul3A_270] : memref<39x64x4096xf32, #tpu.memory_space<hbm>> -> memref<1x8x256xf32, #tpu.memory_space<hbm>>
        %dma_wait3A_276 = tpu.memref_squeeze %dma_wait3A_275 : memref<1x8x256xf32, #tpu.memory_space<hbm>> -> memref<8x256xf32, #tpu.memory_space<hbm>>
        tpu.wait_dma2 semaphore(%run_scoped3A : memref<!tpu.dma_semaphore, #tpu.memory_space<semaphore_mem>>) src(%arg15 : memref<8x256xf32, #tpu.memory_space<vmem>>) dst(%dma_wait3A_276 : memref<8x256xf32, #tpu.memory_space<hbm>>)
        tpu.yield
      }) : () -> ()
      scf.yield %cond3A_141 : i32
    }
    %scan3A_16 = arith.constant 104 : i32
    %scan3A_17 = arith.constant 0 : i32
    %scan3A_18 = arith.constant 0 : i32
    %scan3A_19 = arith.constant 104 : i32
    %scan3A_20 = arith.addi %scan3A_18, %scan3A_19 : i32
    %scan3A_21 = arith.constant 1 : i32
    %scan3A_22 = scf.for %scan3A_24 = %scan3A_18 to %scan3A_20 step %scan3A_21 iter_args(%scan3A_25 = %scan3A_17) -> (i32)  : i32 {
      %jit3A = arith.constant 8 : i32
      %div3A = arith.divsi %scan3A_24, %jit3A : i32
      %sign3A = arith.constant 0 : i32
      %sign3A_26 = arith.cmpi sgt, %scan3A_24, %sign3A : i32
      %sign3A_27 = arith.extui %sign3A_26 : i1 to i32
      %sign3A_28 = arith.constant 0 : i32
      %sign3A_29 = arith.cmpi slt, %scan3A_24, %sign3A_28 : i32
      %sign3A_30 = arith.extui %sign3A_29 : i1 to i32
      %sign3A_31 = arith.subi %sign3A_27, %sign3A_30 : i32
      %sign3A_32 = arith.constant 0 : i32
      %sign3A_33 = arith.cmpi sgt, %jit3A, %sign3A_32 : i32
      %sign3A_34 = arith.extui %sign3A_33 : i1 to i32
      %sign3A_35 = arith.constant 0 : i32
      %sign3A_36 = arith.cmpi slt, %jit3A, %sign3A_35 : i32
      %sign3A_37 = arith.extui %sign3A_36 : i1 to i32
      %sign3A_38 = arith.subi %sign3A_34, %sign3A_37 : i32
      %ne3A = arith.cmpi ne, %sign3A_31, %sign3A_38 : i32
      %rem3A = arith.remsi %scan3A_24, %jit3A : i32
      %ne3A_39 = arith.constant 0 : i32
      %ne3A_40 = arith.cmpi ne, %rem3A, %ne3A_39 : i32
      %and3A = arith.andi %ne3A, %ne3A_40 : i1
      %sub3A = arith.constant 1 : i32
      %sub3A_41 = arith.subi %div3A, %sub3A : i32
      %select_n3A = arith.select %and3A, %sub3A_41, %div3A : i32
      %jit3A_42 = arith.constant 8 : i32
      %eq3A_43 = arith.constant 0 : i32
      %eq3A_44 = arith.cmpi eq, %jit3A_42, %eq3A_43 : i32
      %jit3A_45 = arith.constant 1 : i32
      %select_n3A_46 = arith.select %eq3A_44, %jit3A_45, %jit3A_42 : i32
      %rem3A_47 = arith.remsi %scan3A_24, %select_n3A_46 : i32
      %ne3A_48 = arith.constant 0 : i32
      %ne3A_49 = arith.cmpi ne, %rem3A_47, %ne3A_48 : i32
      %lt3A = arith.constant 0 : i32
      %lt3A_50 = arith.cmpi slt, %rem3A_47, %lt3A : i32
      %lt3A_51 = arith.constant 0 : i32
      %lt3A_52 = arith.cmpi slt, %select_n3A_46, %lt3A_51 : i32
      %ne3A_53 = arith.xori %lt3A_50, %lt3A_52 : i1
      %and3A_54 = arith.andi %ne3A_53, %ne3A_49 : i1
      %add3A_55 = arith.addi %rem3A_47, %select_n3A_46 : i32
      %select_n3A_56 = arith.select %and3A_54, %add3A_55, %rem3A_47 : i32
      %jit3A_57 = arith.constant 2 : i32
      %eq3A_58 = arith.constant 0 : i32
      %eq3A_59 = arith.cmpi eq, %jit3A_57, %eq3A_58 : i32
      %jit3A_60 = arith.constant 1 : i32
      %select_n3A_61 = arith.select %eq3A_59, %jit3A_60, %jit3A_57 : i32
      %rem3A_62 = arith.remsi %select_n3A, %select_n3A_61 : i32
      %ne3A_63 = arith.constant 0 : i32
      %ne3A_64 = arith.cmpi ne, %rem3A_62, %ne3A_63 : i32
      %lt3A_65 = arith.constant 0 : i32
      %lt3A_66 = arith.cmpi slt, %rem3A_62, %lt3A_65 : i32
      %lt3A_67 = arith.constant 0 : i32
      %lt3A_68 = arith.cmpi slt, %select_n3A_61, %lt3A_67 : i32
      %ne3A_69 = arith.xori %lt3A_66, %lt3A_68 : i1
      %and3A_70 = arith.andi %ne3A_69, %ne3A_64 : i1
      %add3A_71 = arith.addi %rem3A_62, %select_n3A_61 : i32
      %select_n3A_72 = arith.select %and3A_70, %add3A_71, %rem3A_62 : i32
      %eq3A_73 = arith.cmpi eq, %select_n3A_72, %arg0 : i32
      %convert_element_type3A_74 = arith.extui %eq3A_73 : i1 to i32
      %cond3A_75 = arith.constant 0 : i32
      %cond3A_76 = arith.cmpi ne, %convert_element_type3A_74, %cond3A_75 : i32
      scf.if %cond3A_76 {
        %mul3A_78 = arith.constant 8 : i32
        %mul3A_79 = arith.muli %select_n3A_56, %mul3A_78 : i32
        %multiple_of3A_80 = tpu.assume_multiple %mul3A_79, 8 : i32
        %add3A_81 = arith.constant 0 : i32
        %add3A_82 = arith.addi %multiple_of3A_80, %add3A_81 : i32
        %broadcast_in_dim3A = vector.broadcast %select_n3A : i32 to vector<16xi32>
        %broadcast_in_dim3A_83 = vector.broadcast %add3A_82 : i32 to vector<16xi32>
        %gather3A = tpu.vector_load_idx %arg18[%broadcast_in_dim3A, %broadcast_in_dim3A_83] : memref<13x64xf32, #tpu.memory_space<vmem>>[vector<16xi32>, vector<16xi32>], vector<16xf32>,
        %scan3A_84 = arith.constant 0 : i32
        %scan3A_85 = arith.constant 0 : i32
        %scan3A_86 = arith.constant 16 : i32
        %scan3A_87 = arith.addi %scan3A_85, %scan3A_86 : i32
        %scan3A_88 = arith.constant 1 : i32
        %scan3A_89 = scf.for %scan3A_203 = %scan3A_85 to %scan3A_87 step %scan3A_88 iter_args(%scan3A_204 = %scan3A_84) -> (i32)  : i32 {
          %mul3A_205 = arith.constant 16 : i32
          %mul3A_206 = arith.muli %scan3A_203, %mul3A_205 : i32
          %get3A = arith.index_cast %select_n3A : i32 to index
          %get3A_207 = arith.index_cast %mul3A_206 : i32 to index
          %get3A_208 = tpu.vector_load %arg17[%get3A, %get3A_207] {strides = array<i32>} : memref<13x256xf32, #tpu.memory_space<vmem>>, vector<16xf32>,
          %mul3A_209 = arith.mulf %gather3A, %get3A_208 : vector<16xf32>
          %mul3A_210 = arith.constant 16 : i32
          %mul3A_211 = arith.muli %scan3A_203, %mul3A_210 : i32
          %swap3A = arith.constant 0 : i32
          %swap3A_212 = arith.index_cast %swap3A : i32 to index
          %swap3A_213 = arith.index_cast %mul3A_211 : i32 to index
          %swap3A_214 = tpu.vector_load %arg15[%swap3A_212, %swap3A_213] {strides = array<i32>} : memref<8x256xf32, #tpu.memory_space<vmem>>, vector<16xf32>,
          tpu.vector_store %arg15[%swap3A_212, %swap3A_213], %mul3A_209 {strides = array<i32>} : memref<8x256xf32, #tpu.memory_space<vmem>>, vector<16xf32>,
          %scan3A_215 = arith.constant 0 : i32
          scf.yield %scan3A_215 : i32
        }
        %scan3A_90 = arith.constant 16 : i32
        %mul3A_91 = arith.constant 8 : i32
        %mul3A_92 = arith.muli %select_n3A_56, %mul3A_91 : i32
        %multiple_of3A_93 = tpu.assume_multiple %mul3A_92, 8 : i32
        %add3A_94 = arith.constant 1 : i32
        %add3A_95 = arith.addi %multiple_of3A_93, %add3A_94 : i32
        %broadcast_in_dim3A_96 = vector.broadcast %select_n3A : i32 to vector<16xi32>
        %broadcast_in_dim3A_97 = vector.broadcast %add3A_95 : i32 to vector<16xi32>
        %gather3A_98 = tpu.vector_load_idx %arg18[%broadcast_in_dim3A_96, %broadcast_in_dim3A_97] : memref<13x64xf32, #tpu.memory_space<vmem>>[vector<16xi32>, vector<16xi32>], vector<16xf32>,
        %scan3A_99 = arith.constant 0 : i32
        %scan3A_100 = arith.constant 0 : i32
        %scan3A_101 = arith.constant 16 : i32
        %scan3A_102 = arith.addi %scan3A_100, %scan3A_101 : i32
        %scan3A_103 = arith.constant 1 : i32
        %scan3A_104 = scf.for %scan3A_203 = %scan3A_100 to %scan3A_102 step %scan3A_103 iter_args(%scan3A_204 = %scan3A_99) -> (i32)  : i32 {
          %mul3A_205 = arith.constant 16 : i32
          %mul3A_206 = arith.muli %scan3A_203, %mul3A_205 : i32
          %get3A = arith.index_cast %select_n3A : i32 to index
          %get3A_207 = arith.index_cast %mul3A_206 : i32 to index
          %get3A_208 = tpu.vector_load %arg17[%get3A, %get3A_207] {strides = array<i32>} : memref<13x256xf32, #tpu.memory_space<vmem>>, vector<16xf32>,
          %mul3A_209 = arith.mulf %gather3A_98, %get3A_208 : vector<16xf32>
          %mul3A_210 = arith.constant 16 : i32
          %mul3A_211 = arith.muli %scan3A_203, %mul3A_210 : i32
          %swap3A = arith.constant 1 : i32
          %swap3A_212 = arith.index_cast %swap3A : i32 to index
          %swap3A_213 = arith.index_cast %mul3A_211 : i32 to index
          %swap3A_214 = tpu.vector_load %arg15[%swap3A_212, %swap3A_213] {strides = array<i32>} : memref<8x256xf32, #tpu.memory_space<vmem>>, vector<16xf32>,
          tpu.vector_store %arg15[%swap3A_212, %swap3A_213], %mul3A_209 {strides = array<i32>} : memref<8x256xf32, #tpu.memory_space<vmem>>, vector<16xf32>,
          %scan3A_215 = arith.constant 0 : i32
          scf.yield %scan3A_215 : i32
        }
        %scan3A_105 = arith.constant 16 : i32
        %mul3A_106 = arith.constant 8 : i32
        %mul3A_107 = arith.muli %select_n3A_56, %mul3A_106 : i32
        %multiple_of3A_108 = tpu.assume_multiple %mul3A_107, 8 : i32
        %add3A_109 = arith.constant 2 : i32
        %add3A_110 = arith.addi %multiple_of3A_108, %add3A_109 : i32
        %broadcast_in_dim3A_111 = vector.broadcast %select_n3A : i32 to vector<16xi32>
        %broadcast_in_dim3A_112 = vector.broadcast %add3A_110 : i32 to vector<16xi32>
        %gather3A_113 = tpu.vector_load_idx %arg18[%broadcast_in_dim3A_111, %broadcast_in_dim3A_112] : memref<13x64xf32, #tpu.memory_space<vmem>>[vector<16xi32>, vector<16xi32>], vector<16xf32>,
        %scan3A_114 = arith.constant 0 : i32
        %scan3A_115 = arith.constant 0 : i32
        %scan3A_116 = arith.constant 16 : i32
        %scan3A_117 = arith.addi %scan3A_115, %scan3A_116 : i32
        %scan3A_118 = arith.constant 1 : i32
        %scan3A_119 = scf.for %scan3A_203 = %scan3A_115 to %scan3A_117 step %scan3A_118 iter_args(%scan3A_204 = %scan3A_114) -> (i32)  : i32 {
          %mul3A_205 = arith.constant 16 : i32
          %mul3A_206 = arith.muli %scan3A_203, %mul3A_205 : i32
          %get3A = arith.index_cast %select_n3A : i32 to index
          %get3A_207 = arith.index_cast %mul3A_206 : i32 to index
          %get3A_208 = tpu.vector_load %arg17[%get3A, %get3A_207] {strides = array<i32>} : memref<13x256xf32, #tpu.memory_space<vmem>>, vector<16xf32>,
          %mul3A_209 = arith.mulf %gather3A_113, %get3A_208 : vector<16xf32>
          %mul3A_210 = arith.constant 16 : i32
          %mul3A_211 = arith.muli %scan3A_203, %mul3A_210 : i32
          %swap3A = arith.constant 2 : i32
          %swap3A_212 = arith.index_cast %swap3A : i32 to index
          %swap3A_213 = arith.index_cast %mul3A_211 : i32 to index
          %swap3A_214 = tpu.vector_load %arg15[%swap3A_212, %swap3A_213] {strides = array<i32>} : memref<8x256xf32, #tpu.memory_space<vmem>>, vector<16xf32>,
          tpu.vector_store %arg15[%swap3A_212, %swap3A_213], %mul3A_209 {strides = array<i32>} : memref<8x256xf32, #tpu.memory_space<vmem>>, vector<16xf32>,
          %scan3A_215 = arith.constant 0 : i32
          scf.yield %scan3A_215 : i32
        }
        %scan3A_120 = arith.constant 16 : i32
        %mul3A_121 = arith.constant 8 : i32
        %mul3A_122 = arith.muli %select_n3A_56, %mul3A_121 : i32
        %multiple_of3A_123 = tpu.assume_multiple %mul3A_122, 8 : i32
        %add3A_124 = arith.constant 3 : i32
        %add3A_125 = arith.addi %multiple_of3A_123, %add3A_124 : i32
        %broadcast_in_dim3A_126 = vector.broadcast %select_n3A : i32 to vector<16xi32>
        %broadcast_in_dim3A_127 = vector.broadcast %add3A_125 : i32 to vector<16xi32>
        %gather3A_128 = tpu.vector_load_idx %arg18[%broadcast_in_dim3A_126, %broadcast_in_dim3A_127] : memref<13x64xf32, #tpu.memory_space<vmem>>[vector<16xi32>, vector<16xi32>], vector<16xf32>,
        %scan3A_129 = arith.constant 0 : i32
        %scan3A_130 = arith.constant 0 : i32
        %scan3A_131 = arith.constant 16 : i32
        %scan3A_132 = arith.addi %scan3A_130, %scan3A_131 : i32
        %scan3A_133 = arith.constant 1 : i32
        %scan3A_134 = scf.for %scan3A_203 = %scan3A_130 to %scan3A_132 step %scan3A_133 iter_args(%scan3A_204 = %scan3A_129) -> (i32)  : i32 {
          %mul3A_205 = arith.constant 16 : i32
          %mul3A_206 = arith.muli %scan3A_203, %mul3A_205 : i32
          %get3A = arith.index_cast %select_n3A : i32 to index
          %get3A_207 = arith.index_cast %mul3A_206 : i32 to index
          %get3A_208 = tpu.vector_load %arg17[%get3A, %get3A_207] {strides = array<i32>} : memref<13x256xf32, #tpu.memory_space<vmem>>, vector<16xf32>,
          %mul3A_209 = arith.mulf %gather3A_128, %get3A_208 : vector<16xf32>
          %mul3A_210 = arith.constant 16 : i32
          %mul3A_211 = arith.muli %scan3A_203, %mul3A_210 : i32
          %swap3A = arith.constant 3 : i32
          %swap3A_212 = arith.index_cast %swap3A : i32 to index
          %swap3A_213 = arith.index_cast %mul3A_211 : i32 to index
          %swap3A_214 = tpu.vector_load %arg15[%swap3A_212, %swap3A_213] {strides = array<i32>} : memref<8x256xf32, #tpu.memory_space<vmem>>, vector<16xf32>,
          tpu.vector_store %arg15[%swap3A_212, %swap3A_213], %mul3A_209 {strides = array<i32>} : memref<8x256xf32, #tpu.memory_space<vmem>>, vector<16xf32>,
          %scan3A_215 = arith.constant 0 : i32
          scf.yield %scan3A_215 : i32
        }
        %scan3A_135 = arith.constant 16 : i32
        %mul3A_136 = arith.constant 8 : i32
        %mul3A_137 = arith.muli %select_n3A_56, %mul3A_136 : i32
        %multiple_of3A_138 = tpu.assume_multiple %mul3A_137, 8 : i32
        %add3A_139 = arith.constant 4 : i32
        %add3A_140 = arith.addi %multiple_of3A_138, %add3A_139 : i32
        %broadcast_in_dim3A_141 = vector.broadcast %select_n3A : i32 to vector<16xi32>
        %broadcast_in_dim3A_142 = vector.broadcast %add3A_140 : i32 to vector<16xi32>
        %gather3A_143 = tpu.vector_load_idx %arg18[%broadcast_in_dim3A_141, %broadcast_in_dim3A_142] : memref<13x64xf32, #tpu.memory_space<vmem>>[vector<16xi32>, vector<16xi32>], vector<16xf32>,
        %scan3A_144 = arith.constant 0 : i32
        %scan3A_145 = arith.constant 0 : i32
        %scan3A_146 = arith.constant 16 : i32
        %scan3A_147 = arith.addi %scan3A_145, %scan3A_146 : i32
        %scan3A_148 = arith.constant 1 : i32
        %scan3A_149 = scf.for %scan3A_203 = %scan3A_145 to %scan3A_147 step %scan3A_148 iter_args(%scan3A_204 = %scan3A_144) -> (i32)  : i32 {
          %mul3A_205 = arith.constant 16 : i32
          %mul3A_206 = arith.muli %scan3A_203, %mul3A_205 : i32
          %get3A = arith.index_cast %select_n3A : i32 to index
          %get3A_207 = arith.index_cast %mul3A_206 : i32 to index
          %get3A_208 = tpu.vector_load %arg17[%get3A, %get3A_207] {strides = array<i32>} : memref<13x256xf32, #tpu.memory_space<vmem>>, vector<16xf32>,
          %mul3A_209 = arith.mulf %gather3A_143, %get3A_208 : vector<16xf32>
          %mul3A_210 = arith.constant 16 : i32
          %mul3A_211 = arith.muli %scan3A_203, %mul3A_210 : i32
          %swap3A = arith.constant 4 : i32
          %swap3A_212 = arith.index_cast %swap3A : i32 to index
          %swap3A_213 = arith.index_cast %mul3A_211 : i32 to index
          %swap3A_214 = tpu.vector_load %arg15[%swap3A_212, %swap3A_213] {strides = array<i32>} : memref<8x256xf32, #tpu.memory_space<vmem>>, vector<16xf32>,
          tpu.vector_store %arg15[%swap3A_212, %swap3A_213], %mul3A_209 {strides = array<i32>} : memref<8x256xf32, #tpu.memory_space<vmem>>, vector<16xf32>,
          %scan3A_215 = arith.constant 0 : i32
          scf.yield %scan3A_215 : i32
        }
        %scan3A_150 = arith.constant 16 : i32
        %mul3A_151 = arith.constant 8 : i32
        %mul3A_152 = arith.muli %select_n3A_56, %mul3A_151 : i32
        %multiple_of3A_153 = tpu.assume_multiple %mul3A_152, 8 : i32
        %add3A_154 = arith.constant 5 : i32
        %add3A_155 = arith.addi %multiple_of3A_153, %add3A_154 : i32
        %broadcast_in_dim3A_156 = vector.broadcast %select_n3A : i32 to vector<16xi32>
        %broadcast_in_dim3A_157 = vector.broadcast %add3A_155 : i32 to vector<16xi32>
        %gather3A_158 = tpu.vector_load_idx %arg18[%broadcast_in_dim3A_156, %broadcast_in_dim3A_157] : memref<13x64xf32, #tpu.memory_space<vmem>>[vector<16xi32>, vector<16xi32>], vector<16xf32>,
        %scan3A_159 = arith.constant 0 : i32
        %scan3A_160 = arith.constant 0 : i32
        %scan3A_161 = arith.constant 16 : i32
        %scan3A_162 = arith.addi %scan3A_160, %scan3A_161 : i32
        %scan3A_163 = arith.constant 1 : i32
        %scan3A_164 = scf.for %scan3A_203 = %scan3A_160 to %scan3A_162 step %scan3A_163 iter_args(%scan3A_204 = %scan3A_159) -> (i32)  : i32 {
          %mul3A_205 = arith.constant 16 : i32
          %mul3A_206 = arith.muli %scan3A_203, %mul3A_205 : i32
          %get3A = arith.index_cast %select_n3A : i32 to index
          %get3A_207 = arith.index_cast %mul3A_206 : i32 to index
          %get3A_208 = tpu.vector_load %arg17[%get3A, %get3A_207] {strides = array<i32>} : memref<13x256xf32, #tpu.memory_space<vmem>>, vector<16xf32>,
          %mul3A_209 = arith.mulf %gather3A_158, %get3A_208 : vector<16xf32>
          %mul3A_210 = arith.constant 16 : i32
          %mul3A_211 = arith.muli %scan3A_203, %mul3A_210 : i32
          %swap3A = arith.constant 5 : i32
          %swap3A_212 = arith.index_cast %swap3A : i32 to index
          %swap3A_213 = arith.index_cast %mul3A_211 : i32 to index
          %swap3A_214 = tpu.vector_load %arg15[%swap3A_212, %swap3A_213] {strides = array<i32>} : memref<8x256xf32, #tpu.memory_space<vmem>>, vector<16xf32>,
          tpu.vector_store %arg15[%swap3A_212, %swap3A_213], %mul3A_209 {strides = array<i32>} : memref<8x256xf32, #tpu.memory_space<vmem>>, vector<16xf32>,
          %scan3A_215 = arith.constant 0 : i32
          scf.yield %scan3A_215 : i32
        }
        %scan3A_165 = arith.constant 16 : i32
        %mul3A_166 = arith.constant 8 : i32
        %mul3A_167 = arith.muli %select_n3A_56, %mul3A_166 : i32
        %multiple_of3A_168 = tpu.assume_multiple %mul3A_167, 8 : i32
        %add3A_169 = arith.constant 6 : i32
        %add3A_170 = arith.addi %multiple_of3A_168, %add3A_169 : i32
        %broadcast_in_dim3A_171 = vector.broadcast %select_n3A : i32 to vector<16xi32>
        %broadcast_in_dim3A_172 = vector.broadcast %add3A_170 : i32 to vector<16xi32>
        %gather3A_173 = tpu.vector_load_idx %arg18[%broadcast_in_dim3A_171, %broadcast_in_dim3A_172] : memref<13x64xf32, #tpu.memory_space<vmem>>[vector<16xi32>, vector<16xi32>], vector<16xf32>,
        %scan3A_174 = arith.constant 0 : i32
        %scan3A_175 = arith.constant 0 : i32
        %scan3A_176 = arith.constant 16 : i32
        %scan3A_177 = arith.addi %scan3A_175, %scan3A_176 : i32
        %scan3A_178 = arith.constant 1 : i32
        %scan3A_179 = scf.for %scan3A_203 = %scan3A_175 to %scan3A_177 step %scan3A_178 iter_args(%scan3A_204 = %scan3A_174) -> (i32)  : i32 {
          %mul3A_205 = arith.constant 16 : i32
          %mul3A_206 = arith.muli %scan3A_203, %mul3A_205 : i32
          %get3A = arith.index_cast %select_n3A : i32 to index
          %get3A_207 = arith.index_cast %mul3A_206 : i32 to index
          %get3A_208 = tpu.vector_load %arg17[%get3A, %get3A_207] {strides = array<i32>} : memref<13x256xf32, #tpu.memory_space<vmem>>, vector<16xf32>,
          %mul3A_209 = arith.mulf %gather3A_173, %get3A_208 : vector<16xf32>
          %mul3A_210 = arith.constant 16 : i32
          %mul3A_211 = arith.muli %scan3A_203, %mul3A_210 : i32
          %swap3A = arith.constant 6 : i32
          %swap3A_212 = arith.index_cast %swap3A : i32 to index
          %swap3A_213 = arith.index_cast %mul3A_211 : i32 to index
          %swap3A_214 = tpu.vector_load %arg15[%swap3A_212, %swap3A_213] {strides = array<i32>} : memref<8x256xf32, #tpu.memory_space<vmem>>, vector<16xf32>,
          tpu.vector_store %arg15[%swap3A_212, %swap3A_213], %mul3A_209 {strides = array<i32>} : memref<8x256xf32, #tpu.memory_space<vmem>>, vector<16xf32>,
          %scan3A_215 = arith.constant 0 : i32
          scf.yield %scan3A_215 : i32
        }
        %scan3A_180 = arith.constant 16 : i32
        %mul3A_181 = arith.constant 8 : i32
        %mul3A_182 = arith.muli %select_n3A_56, %mul3A_181 : i32
        %multiple_of3A_183 = tpu.assume_multiple %mul3A_182, 8 : i32
        %add3A_184 = arith.constant 7 : i32
        %add3A_185 = arith.addi %multiple_of3A_183, %add3A_184 : i32
        %broadcast_in_dim3A_186 = vector.broadcast %select_n3A : i32 to vector<16xi32>
        %broadcast_in_dim3A_187 = vector.broadcast %add3A_185 : i32 to vector<16xi32>
        %gather3A_188 = tpu.vector_load_idx %arg18[%broadcast_in_dim3A_186, %broadcast_in_dim3A_187] : memref<13x64xf32, #tpu.memory_space<vmem>>[vector<16xi32>, vector<16xi32>], vector<16xf32>,
        %scan3A_189 = arith.constant 0 : i32
        %scan3A_190 = arith.constant 0 : i32
        %scan3A_191 = arith.constant 16 : i32
        %scan3A_192 = arith.addi %scan3A_190, %scan3A_191 : i32
        %scan3A_193 = arith.constant 1 : i32
        %scan3A_194 = scf.for %scan3A_203 = %scan3A_190 to %scan3A_192 step %scan3A_193 iter_args(%scan3A_204 = %scan3A_189) -> (i32)  : i32 {
          %mul3A_205 = arith.constant 16 : i32
          %mul3A_206 = arith.muli %scan3A_203, %mul3A_205 : i32
          %get3A = arith.index_cast %select_n3A : i32 to index
          %get3A_207 = arith.index_cast %mul3A_206 : i32 to index
          %get3A_208 = tpu.vector_load %arg17[%get3A, %get3A_207] {strides = array<i32>} : memref<13x256xf32, #tpu.memory_space<vmem>>, vector<16xf32>,
          %mul3A_209 = arith.mulf %gather3A_188, %get3A_208 : vector<16xf32>
          %mul3A_210 = arith.constant 16 : i32
          %mul3A_211 = arith.muli %scan3A_203, %mul3A_210 : i32
          %swap3A = arith.constant 7 : i32
          %swap3A_212 = arith.index_cast %swap3A : i32 to index
          %swap3A_213 = arith.index_cast %mul3A_211 : i32 to index
          %swap3A_214 = tpu.vector_load %arg15[%swap3A_212, %swap3A_213] {strides = array<i32>} : memref<8x256xf32, #tpu.memory_space<vmem>>, vector<16xf32>,
          tpu.vector_store %arg15[%swap3A_212, %swap3A_213], %mul3A_209 {strides = array<i32>} : memref<8x256xf32, #tpu.memory_space<vmem>>, vector<16xf32>,
          %scan3A_215 = arith.constant 0 : i32
          scf.yield %scan3A_215 : i32
        }
        %scan3A_195 = arith.constant 16 : i32
        %add3A_196 = arith.constant 26 : i32
        %add3A_197 = arith.addi %add3A_196, %select_n3A : i32
        %mul3A_198 = arith.constant 8 : i32
        %mul3A_199 = arith.muli %select_n3A_56, %mul3A_198 : i32
        %multiple_of3A_200 = tpu.assume_multiple %mul3A_199, 8 : i32
        %mul3A_201 = arith.constant 256 : i32
        %mul3A_202 = arith.muli %arg1, %mul3A_201 : i32
        "tpu.region"() ({
          %run_scoped3A = tpu.sem_alloc : memref<!tpu.dma_semaphore, #tpu.memory_space<semaphore_mem>>
          %dma_start3A = tpu.memref_slice %arg7[%add3A_197, %multiple_of3A_200, %mul3A_202] : memref<39x64x4096xf32, #tpu.memory_space<hbm>> -> memref<1x8x256xf32, #tpu.memory_space<hbm>>
          %dma_start3A_203 = tpu.memref_squeeze %dma_start3A : memref<1x8x256xf32, #tpu.memory_space<hbm>> -> memref<8x256xf32, #tpu.memory_space<hbm>>
          %dma_start3A_204 = tpu.memref_slice %arg7[%add3A_197, %multiple_of3A_200, %mul3A_202] : memref<39x64x4096xf32, #tpu.memory_space<hbm>> -> memref<1x8x256xf32, #tpu.memory_space<hbm>>
          %dma_start3A_205 = tpu.memref_squeeze %dma_start3A_204 : memref<1x8x256xf32, #tpu.memory_space<hbm>> -> memref<8x256xf32, #tpu.memory_space<hbm>>
          tpu.enqueue_dma source(%arg15 : memref<8x256xf32, #tpu.memory_space<vmem>>) target(%dma_start3A_205 : memref<8x256xf32, #tpu.memory_space<hbm>>) target_semaphore(%run_scoped3A : memref<!tpu.dma_semaphore, #tpu.memory_space<semaphore_mem>>)
          %dma_wait3A = tpu.memref_slice %arg7[%add3A_197, %multiple_of3A_200, %mul3A_202] : memref<39x64x4096xf32, #tpu.memory_space<hbm>> -> memref<1x8x256xf32, #tpu.memory_space<hbm>>
          %dma_wait3A_206 = tpu.memref_squeeze %dma_wait3A : memref<1x8x256xf32, #tpu.memory_space<hbm>> -> memref<8x256xf32, #tpu.memory_space<hbm>>
          %dma_wait3A_207 = tpu.memref_slice %arg7[%add3A_197, %multiple_of3A_200, %mul3A_202] : memref<39x64x4096xf32, #tpu.memory_space<hbm>> -> memref<1x8x256xf32, #tpu.memory_space<hbm>>
          %dma_wait3A_208 = tpu.memref_squeeze %dma_wait3A_207 : memref<1x8x256xf32, #tpu.memory_space<hbm>> -> memref<8x256xf32, #tpu.memory_space<hbm>>
          tpu.wait_dma2 semaphore(%run_scoped3A : memref<!tpu.dma_semaphore, #tpu.memory_space<semaphore_mem>>) src(%arg15 : memref<8x256xf32, #tpu.memory_space<vmem>>) dst(%dma_wait3A_208 : memref<8x256xf32, #tpu.memory_space<hbm>>)
          tpu.yield
        }) : () -> ()
      } else {
      }
      %scan3A_77 = arith.constant 0 : i32
      scf.yield %scan3A_77 : i32
    }
    %scan3A_23 = arith.constant 104 : i32
    return
  }
}

</mosaic_0001>

<sc_bundles>
// kernel: kernel.3.cloned.1.call-start
scs
__scs_entry_jumppad:
0x0: {  	(pc) =	sbr.rel $0x88, $3  }
0x1: {  	(tag) =	ssettag $0x0;
	lr =	simm.s32 $0x1  }
0x2: {  	[smem:$0x3F9D] =	sst lr;
	_ =	strace $0xD0000000  }
0x3: {  	_ = 	snop  }
0x4: {  	_ = 	snop  }
0x5: {  	_ = 	snop  }
0x6: {  	_ = 	snop  }
0x7: {  	_ = 	snop  }
__scs_overlays_trampoline_lowered:
0x8: {  	[smem:$0x3FAC] =	sst s0  }
0x9: {  	[smem:$0x3FAD] =	sst s1  }
0xa: {  	[smem:$0x3FAE] =	sst s2  }
0xb: {  	[smem:$0x3FAF] =	sst s3  }
0xc: {  	[smem:$0x3FB0] =	sst s4  }
0xd: {  	[smem:$0x3FB1] =	sst s5  }
0xe: {  	[smem:$0x3FB2] =	sst s6  }
0xf: {  	[smem:$0x3FB3] =	sst s7  }
0x10: {  	[smem:$0x3FB4] =	sst s8  }
0x11: {  	[smem:$0x3FB5] =	sst s9;
	s0 =	simm.s32 @!p0 $0x0  }
0x12: {  	s1 =	sld [smem:$0x3F9B];
	s0 =	simm.s32 @p0 $0x1  }
0x13: {  	[smem:$0x3FB6] =	sst s0;
	s0 =	simm.s32 @!p1 $0x0  }
0x14: {  	s2 =	sld [smem:$0x3F9A];
	s0 =	simm.s32 @p1 $0x1  }
0x15: {  	[smem:$0x3FB7] =	sst s0;
	s0 =	simm.s32 @!p2 $0x0  }
0x16: {  	s3 =	sld [smem:$0x3FDB];
	s0 =	simm.s32 @p2 $0x1  }
0x17: {  	s4 =	simm.s32 $0x1BF5;
	[smem:$0x3FB9] =	sst s0  }
0x18: {  	s0 =	sld [smem:$0x3F9C];
	_ =	swait.ge [sflag:s4], $0x0  }
0x19: {  	s7 =	sld [smem:$0x3F9D]  }
0x1a: {  	s8 =	sadd.s32 $0xFFFFE003, lr  }
0x1b: {  	s9 =	sadd.s32 $0xFFFFFEF7, lr;
	s5 =	simm.s32 $0xFFFFFFFF;
	p2 =	slt.u32 s8, $0xFFFFF086  }
0x1c: {  	p1 =	slt.u32 s9, $0xF7A;
	s5 =	simm.s32 @!p2 $0x0  }
0x1d: {  	s5 =	simm.s32 @p1 $0x1;
	p0 =	seq.s32 s7, s2  }
0x1e: {  	s7 =	smul.u32 @!p0 $0xF7A, s2;
	p2 =	seq.s32 @!p0 s5, $0x0  }
0x1f: {  	s9 =	smul.u32 $0xF7A, s1;
	s8 =	simm.s32 @!p0 $0x1BF5;
	p2 =	por !p2, p0  }
0x20: {  	[sflag:s8] =	ssyncset.s32 @!p0 $0xFFFFF086;
	s6 =	sadd.s32 @!p0 s3, s7;
	s7 =	simm.s32 @!p0 $0x108  }
0x21: {  	s3 =	sadd.s32 s3, s9;
	s6 =	sadd.s32 @!p0 $0x88, s6;
	s7 =	simm.s32 @p2 $0x1082  }
0x22: {  	[simem:s7], [sflag:s8] =	dma.local @!p0 [hbm:s6], $0xF7A  }
0x23: {  	s9 =	sor.u32 $0xD0000000, s2;
	s6 =	simm.s32 $0x108;
	_ =	swait.ge @!p0 [sflag:s8], $0x0  }
0x24: {  	s3 =	sadd.s32 $0x88, s3;
	s6 =	simm.s32 @!p1 $0x1082;
	[sflag:s4] =	ssyncset.s32 $0xFFFFF086  }
0x25: {  	[simem:s6], [sflag:s4] =	dma.local [hbm:s3], $0xF7A  }
0x26: {  	[smem:$0x3F9D] =	sst s1;
	(tag) =	ssettag s2;
	_ =	strace s9  }
0x27: {  	s1 =	sld [smem:$0x3FAD]  }
0x28: {  	s2 =	sld [smem:$0x3FAE]  }
0x29: {  	s4 =	sld [smem:$0x3FB0]  }
0x2a: {  	p0 =	seq.s32 s5, $0x0;
	s5 =	sld [smem:$0x3FB1]  }
0x2b: {  	s6 =	sld [smem:$0x3FB2]  }
0x2c: {  	s7 =	sld [smem:$0x3FB3]  }
0x2d: {  	s3 =	simm.s32 $0x108;
	s8 =	sld [smem:$0x3FB4]  }
0x2e: {  	s3 =	simm.s32 @!p0 $0x1082;
	s9 =	sld [smem:$0x3FB5]  }
0x2f: {  	lr =	sadd.s32 s0, s3;
	s0 =	sld [smem:$0x3FAC]  }
0x30: {  	s3 =	sld [smem:$0x3FAF]  }
0x31: {  	[smem:$0x3FB8] =	sst s10  }
0x32: {  	s10 =	sld [smem:$0x3FB6];
	_ =	sdelay $0x3  }
0x33: {  	p0 =	seq.s32 s10, $0x1;
	s10 =	sld [smem:$0x3FB8];
	_ =	sdelay $0x3  }
0x34: {  	[smem:$0x3FB8] =	sst s10  }
0x35: {  	s10 =	sld [smem:$0x3FB7];
	_ =	sdelay $0x3  }
0x36: {  	p1 =	seq.s32 s10, $0x1;
	s10 =	sld [smem:$0x3FB8];
	_ =	sdelay $0x3  }
0x37: {  	[smem:$0x3FB8] =	sst s10  }
0x38: {  	s10 =	sld [smem:$0x3FB9]  }
0x39: {  	_ = 	snop;
	(pc) =	sbr.ind lr, $3  }
0x3a: {  	_ = 	snop  }
0x3b: {  	_ = 	snop  }
0x3c: {  	p2 =	seq.s32 s10, $0x1;
	s10 =	sld [smem:$0x3FB8]  }
0x3d: {  	_ =	shalt  }
0x3e: {  	_ =	shalt  }
0x3f: {  	_ =	shalt  }
0x40: {  	_ =	shalt  }
0x41: {  	_ =	shalt  }
0x42: {  	_ =	shalt  }
0x43: {  	_ =	shalt  }
0x44: {  	_ =	shalt  }
0x45: {  	_ =	shalt  }
0x46: {  	_ =	shalt  }
0x47: {  	_ =	shalt  }
0x48: {  	_ =	shalt  }
0x49: {  	_ =	shalt  }
0x4a: {  	_ =	shalt  }
0x4b: {  	_ =	shalt  }
0x4c: {  	_ =	shalt  }
0x4d: {  	_ =	shalt  }
0x4e: {  	_ =	shalt  }
0x4f: {  	_ =	shalt  }
0x50: {  	_ =	shalt  }
0x51: {  	_ =	shalt  }
0x52: {  	_ =	shalt  }
0x53: {  	_ =	shalt  }
0x54: {  	_ =	shalt  }
0x55: {  	_ =	shalt  }
0x56: {  	_ =	shalt  }
0x57: {  	_ =	shalt  }
0x58: {  	_ =	shalt  }
0x59: {  	_ =	shalt  }
0x5a: {  	_ =	shalt  }
0x5b: {  	_ =	shalt  }
0x5c: {  	_ =	shalt  }
0x5d: {  	_ =	shalt  }
0x5e: {  	_ =	shalt  }
0x5f: {  	_ =	shalt  }
0x60: {  	_ =	shalt  }
0x61: {  	_ =	shalt  }
0x62: {  	_ =	shalt  }
0x63: {  	_ =	shalt  }
0x64: {  	_ =	shalt  }
0x65: {  	_ =	shalt  }
0x66: {  	_ =	shalt  }
0x67: {  	_ =	shalt  }
0x68: {  	_ =	shalt  }
0x69: {  	_ =	shalt  }
0x6a: {  	_ =	shalt  }
0x6b: {  	_ =	shalt  }
0x6c: {  	_ =	shalt  }
0x6d: {  	_ =	shalt  }
0x6e: {  	_ =	shalt  }
0x6f: {  	_ =	shalt  }
0x70: {  	_ =	shalt  }
0x71: {  	_ =	shalt  }
0x72: {  	_ =	shalt  }
0x73: {  	_ =	shalt  }
0x74: {  	_ =	shalt  }
0x75: {  	_ =	shalt  }
0x76: {  	_ =	shalt  }
0x77: {  	_ =	shalt  }
0x78: {  	_ =	shalt  }
0x79: {  	_ =	shalt  }
0x7a: {  	_ =	shalt  }
0x7b: {  	_ =	shalt  }
0x7c: {  	_ =	shalt  }
0x7d: {  	_ =	shalt  }
0x7e: {  	_ =	shalt  }
0x7f: {  	_ =	shalt  }
0x80: {  	_ =	shalt  }
0x81: {  	_ =	shalt  }
0x82: {  	_ =	shalt  }
0x83: {  	_ =	shalt  }
0x84: {  	_ =	shalt  }
0x85: {  	_ =	shalt  }
0x86: {  	_ =	shalt  }
0x87: {  	_ =	shalt  }
.Lfunc_end0:
.L_simem_size_0:
called_computation_lowered:
.L_overlay_start_0:
0x88: {  	s2 =	sld [smem:$0x3FD9]  }
0x89: {  	s3 =	sld [smem:$0x3FFE];
	_ =	sdelay $0x1  }
0x8a: {  	s1 =	srdreg.scid  }
0x8b: {  	s0 =	sand.u32 $0x1, s1  }
0x8c: {  	s17 =	sshll.u32 s0, $0xA;
	s2 =	sadd.s32 s3, s2  }
0x8d: {  	s2 =	sadd.s32 s2, s17  }
0x8e: {  	[smem:$0x3FC4] =	sst s2  }
0x8f: {  	_ = 	snop  }
0x90: {  	s2 =	sld [smem:$0x3FC8]  }
0x91: {  	s18 =	sld [smem:$0x3FC6]  }
0x92: {  	s4 =	sld [smem:$0x3FD0];
	(tm) =	ssettm $0x1  }
0x93: {  	s5 =	sld [smem:$0x3FFB];
	_ =	sdelay $0x3  }
0x94: {  	_ =	strace s5  }
0x95: {  	s5 =	sld [smem:$0x3FFC];
	_ =	sdelay $0x3  }
0x96: {  	_ =	strace s5  }
0x97: {  	s5 =	sld [smem:$0x3FFD];
	_ =	sdelay $0x3  }
0x98: {  	_ =	strace s5  }
0x99: {  	_ =	strace $0x8FFFFFFF  }
0x9a: {  	s19 =	sld [smem:$0x3FDB];
	_ =	sdelay $0x1  }
0x9b: {  	s6 =	simm.s32 $_scs_section_size  }
0x9c: {  	s7 =	simm.s32 $_size__tile_overlayer_lowered;
	s8 =	simm.s32 $_tile_overlayer_lowered  }
0x9d: {  	s22 =	simm.s32 $0x1BFF;
	s21 =	sshll.u32 s8, $0x1;
	s5 =	sadd.s32 s6, s19  }
0x9e: {  	s9 =	simm.s32 $0x0;
	s20 =	sshll.u32 s7, $0x1;
	s7 =	sadd.s32 s21, s5  }
0x9f: {  	[timem:s9], [sflag:s22] =	dma.local [hbm:s7], s20  }
0xa0: {  	_ =	swait.ge [sflag:s22], s20  }
0xa1: {  	s6 =	ssub.s32 $0x0, s20;
	[sflag:s22] =	ssyncset.done $0x0  }
0xa2: {  	[sflag:s22] =	ssyncadd.s32 s6;
	_ =	sdelay $0x1  }
0xa3: {  	s23 =	simm.s32 $0x1B8B  }
0xa4: {  	_ =	swait.ge [sflag:s23], $0x1  }
0xa5: {  	[sflag:s23] =	ssyncset.done $0x0  }
0xa6: {  	s25 =	simm.s32 $0x1B8E;
	s24 =	sld [smem:$0x3FFE];
	[sflag:s23] =	ssyncadd.s32 $0xFFFFFFFF  }
0xa7: {  	s26 =	simm.s32 $execute0_lowered;
	[smem:$0x3FD2] =	sst s25  }
0xa8: {  	s7 =	sshll.u32 s26, $0x1;
	_ =	strace $0x80000046;
	[dreg:$0x1] =	wrdreg $0xFFFFFFFF  }
0xa9: {  	s28 =	simm.s32 $_size_execute0_lowered;
	s5 =	sadd.s32 s5, s7;
	[dreg:$0x0] =	wrdreg $0x0  }
0xaa: {  	s7 =	sshll.u32 s28, $0x1;
	[dreg:$0x2] =	wrdreg s5  }
0xab: {  	[dreg:$0x3] =	wrdreg s7  }
0xac: {  	[dreg:$0x4] =	wrdreg $0xC0  }
0xad: {  	_ =	task [dreg:s9], $0x5FFFF  }
0xae: {  	[dreg:$0x1] =	wrdreg $0xFFFFFFFF  }
0xaf: {  	[dreg:$0x0] =	wrdreg $0x60  }
0xb0: {  	[dreg:$0x2] =	wrdreg s18  }
0xb1: {  	[dreg:$0x3] =	wrdreg s2  }
0xb2: {  	[dreg:$0x4] =	wrdreg s24  }
0xb3: {  	[dreg:$0x5] =	wrdreg s4  }
0xb4: {  	[dreg:$0x6] =	wrdreg $0x1F7080  }
0xb5: {  	[dreg:$0x7] =	wrdreg $0x1E7000  }
0xb6: {  	[dreg:$0x8] =	wrdreg $0x9  }
0xb7: {  	_ =	task.clear_ibuf [dreg:s9], $0x9FFFF;
	_ =	strace $0x90000046  }
0xb8: {  	s29 =	simm.s32 $0x9;
	_ =	strace $0x80000048  }
0xb9: {  	_ =	swait.ge [sflag:s29], $0x1  }
0xba: {  	[sflag:s29] =	ssyncadd.s32 $0xFFFFFFFF  }
0xbb: {  	_ =	strace $0x90000048  }
0xbc: {  	_ =	sfence  }
0xbd: {  	s30 =	sld [smem:$0x0];
	_ =	sdelay $0x2  }
0xbe: {  	s31 =	sshll.u32 s1, $0xD;
	s1 =	sshrl.u32 s1, $0x2  }
0xbf: {  	s3 =	sand.u32 $0x4000, s31;
	s1 =	sadd.s32 s1, s30  }
0xc0: {  	s0 =	sor.u32 s3, s0;
	s1 =	sshll.u32 s1, $0x11  }
0xc1: {  	s0 =	sor.u32 s1, s0  }
0xc2: {  	s0 =	sadd.s32 $0x8F2B, s0  }
0xc3: {  	[sflag:s0] =	ssyncadd.remote.s32 $0x1  }
0xc4: {  	_ =	sfence.sel $0xFFFF  }
0xc5: {  	[dreg:$0x0] =	wrdreg $0xFFFFFFFF;
	(pc) =	sbr.abs _section_cstart, $3  }
0xc6: {  	[dreg:$0x1] =	wrdreg $0xFFFFFFFF  }
0xc7: {  	_ =	task.clear_ibuf [dreg:s9], $0x2FFFF;
	_ =	strace $0x9FFFFFFF  }
0xc8: {  	(tm) =	ssettm $0x7FFFFFFF  }
0xc9: {  	_ =	shalt  }
tec
execute0_lowered:
.L_overlay_start_1:
0x0: {  	(tag) =	ssettag $0x1  }
0x1: {  	s6 =	rddreg [dreg:$0x0]  }
0x2: {  	s19 =	rddreg [dreg:$0x1]  }
0x3: {  	s0 =	rddreg [dreg:$0x2]  }
0x4: {  	s17 =	rddreg [dreg:$0x3]  }
0x5: {  	s4 =	rddreg [dreg:$0x4]  }
0x6: {  	s5 =	rddreg [dreg:$0x5]  }
0x7: {  	s7 =	simm.s32 $0x0;
	s1 =	srdreg.scid;
	s16 =	stileid.u32  }
0x8: {  	s28 =	simm.s32 $0x2;
	s30 =	simm.s32 $0x1;
	s31 =	simm.s32 $0x18800  }
0x9: {  	[smem:$0x7FF] =	sst s7;
	s8 =	sand.u32 $0x1, s1;
	s10 =	smul.u32 $0xC400, s16  }
0xa: {  	s18 =	sshll.u32 s16, $0x8;
	s11 =	sadd.s32 $0x400, s0;
	s21 =	smul.u32 $0x1880, s16  }
0xb: {  	s12 =	sshll.u32 s16, $0xB;
	s25 =	sadd.s32 $0x3000, s19;
	p0 =	seq.s32 s16, $0xF  }
0xc: {  	p1 =	sne.s32 s16, $0xF;
	_ =	strace $0x80000047;
	s2 =	ssub.s32 $0x2, s8  }
0xd: {  	s3 =	smul.u32 $0x61C000, s8;
	s1 =	sadd.s32 s18, s0;
	[dreg:$0x8] =	wrdreg s11  }
0xe: {  	s0 =	sadd.s32 $0x2600, s0;
	[dreg:$0xd] =	wrdreg s25;
	s29 =	sadd.s32 s12, s5  }
0xf: {  	s25 =	simm.s32 $0x80;
	s9 =	sshrl.u32 s2, $0x1;
	[dreg:$0x9] =	wrdreg s0  }
0x10: {  	[dreg:$0x7] =	wrdreg s10;
	s1 =	sadd.s32 $0x600, s1;
	s26 =	sadd.s32 $0x1880, s21  }
0x11: {  	[dreg:$0xe] =	wrdreg s29;
	s20 =	ssub.s32 s2, s9;
	s22 =	sadd.s32 s10, s3  }
.Ltmp0:
0x12: {  	s3 =	sshrl.u32 s3, $0x3;
	[dreg:$0xa] =	wrdreg s1;
	(pc) =	sbr.rel .LBB2_1-.Ltmp0, $4  }
0x13: {  	s2 =	simm.s32 $0x0;
	s9 =	sshrl.u32 s22, $0x3;
	s0 =	smax.u32 s20, $0x1  }
0x14: {  	v1 =	vlaneseq.u32;
	s3 =	sadd.s32 s6, s3;
	s23 =	sadd.s32 s6, s9;
	[dreg:$0xf] =	wrdreg s0  }
0x15: {  	v3 =	vor.u32 $0x10000, v1;
	s22 =	simm.s32 $0x3;
	s24 =	sadd.s32 $0x16F80, s3;
	[dreg:$0xb] =	wrdreg s23  }
0x16: {  	v4 =	vmul.u32 $0x8, v1;
	v0 =	vmov s21;
	v2 =	vmov s26;
	s0 =	simm.s32 $0x1C700;
	[dreg:$0xc] =	wrdreg s24;
	s23 =	simm.s32 $0x1DF00  }
.LBB2_52:
0x17: {  	s2 =	rddreg [dreg:$0x10]  }
0x18: {  	s1 =	rddreg [dreg:$0xf];
	s2 =	sadd.s32 $0x1, s2  }
0x19: {  	p2 =	sne.s32 s2, s1  }
.Ltmp1:
0x1a: {  	_ = 	snop;
	(pc) =	sbr.rel @!p2 .LBB2_53-.Ltmp1, $1  }
0x1b: {  	_ =	sdelay $0x3  }
.LBB2_1:
0x1c: {  	[dreg:$0x10] =	wrdreg s2  }
0x1d: {  	s1 =	rddreg [dreg:$0xa]  }
0x1e: {  	s26 =	simm.s32 $0x800;
	s3 =	simm.s32 $0x8000;
	s6 =	simm.s32 $0x1CF00  }
0x1f: {  	[tilespmem:s6], [sflag:$0x3] =	stream.strided.gather [hbm4b:s1+s26], $0x1000, s3, s26, $0x38;
	[tilespmem:$0x1FF08] =	vst v63  }
0x20: {  	_ =	swait.ge [sflag:s22], $0x1000  }
0x21: {  	[sflag:s22] =	ssyncset.done $0x0  }
0x22: {  	s29 =	rddreg [dreg:$0x8];
	[sflag:s22] =	ssyncadd.s32 $0xFFFFF000  }
0x23: {  	[tilespmem:s23], [sflag:$0x3] =	stream.linear.gather [hbm4b:s29+s7], $0x680, $0x38;
	[tilespmem:$0x1FF08] =	vst v63  }
0x24: {  	_ =	swait.ge [sflag:s22], $0x680  }
0x25: {  	s14 =	simm.s32 $0x0;
	[sflag:s22] =	ssyncset.done $0x0  }
0x26: {  	s1 =	simm.s32 @p0 $0x0;
	s2 =	rddreg [dreg:$0xc];
	[sflag:s22] =	ssyncadd.s32 $0xFFFFF980  }
0x27: {  	[tilespmem:s1], [sflag:$0x1] =	stream.linear.gather @p0 [hbm4b:s2+s1], $0xB800, $0x38;
	[tilespmem:$0x1FF08] =	vst v63  }
0x28: {  	s21 =	simm.s32 $0x0;
	s1 =	simm.s32 @!p0 $0x0;
	s2 =	rddreg [dreg:$0xb]  }
0x29: {  	[tilespmem:s1], [sflag:$0x1] =	stream.linear.gather @!p0 [hbm4b:s2+s1], $0xC400, $0x38;
	[tilespmem:$0x1FF08] =	vst v63  }
.LBB2_2:
0x2a: {  	s1 =	sshrl.u32 s21, $0x3  }
0x2b: {  	s10 =	sand.u32 $0x7, s21;
	s2 =	sand.u32 $0x3, s1  }
0x2c: {  	p2 =	sgt.u32 s21, $0x5F;
	s2 =	sor.u32 s10, s2  }
0x2d: {  	p3 =	sne.s32 @!p2 s2, $0x0  }
0x2e: {  	s2 =	sshrl.u32 s21, $0x5;
	p3 =	por p3, p2  }
0x2f: {  	p2 =	sne.s32 s10, $0x0;
	s3 =	sshll.u32 @!p3 s2, $0xC  }
0x30: {  	s9 =	sshll.u32 @!p3 s16, $0x6;
	s11 =	sshrl.u32 @!p3 s4, $0x3;
	p4 =	sne.s32 @!p2 s1, $0xC  }
0x31: {  	s3 =	sadd.s32 @!p3 s19, s3;
	s9 =	sor.u32 @!p3 $0x1C03, s9;
	p4 =	por p2, p4  }
0x32: {  	[spmem:s11], [sflag:s9] =	dma.local @!p3 [hbm:s3], $0x1000  }
.Ltmp2:
0x33: {  	_ = 	snop;
	(pc) =	sbr.rel @p4 .LBB2_4-.Ltmp2, $4  }
0x34: {  	s3 =	simm.s32 @!p3 $0x3  }
0x35: {  	_ =	swait.ge @!p3 [sflag:s3], $0x1000  }
0x36: {  	s29 =	sshll.u32 s1, $0x1;
	[sflag:s3] =	ssyncset.done @!p3 $0x0  }
0x37: {  	s13 =	sor.u32 s8, s29;
	[sflag:s3] =	ssyncadd.s32 @!p3 $0xFFFFF000  }
0x38: {  	s3 =	sshll.u32 s16, $0x6;
	s9 =	sshrl.u32 s4, $0x3;
	s6 =	rddreg [dreg:$0xd]  }
0x39: {  	s11 =	simm.s32 $0x100;
	s14 =	simm.s32 $0x1000;
	s3 =	sor.u32 $0x1C03, s3  }
0x3a: {  	[spmem:s9@s25], [sflag:s3] =	dma.strided [hbm:s6@s14], $0x0, s11, $0x10   }
0x3b: {  	[spmem:s9@s25], [sflag:s3] =	dma.strided [hbm:s6@s25], $0x400, s28, $0x10   }
0x3c: {  	_ =	swait.ge [sflag:s22], $0x400  }
0x3d: {  	[sflag:s22] =	ssyncset.done $0x0  }
0x3e: {  	[sflag:s22] =	ssyncadd.s32 $0xFFFFFC00  }
.LBB2_5:
0x3f: {  	s2 =	sshll.u32 s2, $0xF;
	s1 =	sshll.u32 s1, $0xD  }
0x40: {  	s1 =	ssub.s32 s1, s2  }
0x41: {  	s26 =	sshll.u32 s13, $0x7;
	s1 =	sand.u32 $0xFFFF8000, s1  }
0x42: {  	s2 =	sand.u32 $0x380, s26;
	s1 =	sadd.s32 s1, s4  }
0x43: {  	s29 =	simm.s32 $0x18C00;
	s3 =	simm.s32 $0x400;
	s1 =	sadd.s32 s2, s1  }
0x44: {  	[tilespmem:s29], [sflag:$0x3] =	stream.strided.gather [spmem:s1], $0x1000, s3, s25, $0x38;
	[tilespmem:$0x1FF08] =	vst v63  }
0x45: {  	_ =	swait.ge [sflag:s22], $0x1000  }
0x46: {  	[sflag:s22] =	ssyncset.done $0x0  }
0x47: {  	[sflag:s22] =	ssyncadd.s32 $0xFFFFF000  }
0x48: {  	v5 =	vld [tilespmem:s29+$0x0];
	_ =	sdelay $0x4  }
0x49: {  	vm0 =	vge.s32 v5, v0;
	vm1 =	vlt.s32 v5, v2  }
0x4a: {  	vm0 =	vmand vm0, vm1  }
0x4b: {  	v6 =	vmpcnt.ones.xlane vm0;
	_ =	sdelay $0x1  }
0x4c: {  	(v2sf) =	vpush v6, $0x0;
	_ =	sdelay $0x3  }
0x4d: {  	s1 =	simm.s32 $0x0;
	v5 =	vsub.s32 v5, v0  }
0x4e: {  	[tilespmem:s1+$0x19C00] =	vst.msk vm0, v5;
	v5 =	vor.u32 s1, v1  }
0x4f: {  	s9 =	simm.s32 $0x18C10;
	[tilespmem:s1+$0x1AC80] =	vst.msk vm0, v5  }
0x50: {  	s11 =	simm.s32 $0x20;
	s2 =	simm.s32 $0x10;
	v5 =	vld [tilespmem:s9+$0x0]  }
.LBB2_6:
0x51: {  	p2 =	sne.s32 s11, $0xFF0;
	_ =	sdelay $0x3  }
0x52: {  	vm0 =	vge.s32 v5, v0;
	vm1 =	vlt.s32 v5, v2;
	v5 =	vsub.s32 v5, v0  }
0x53: {  	vm0 =	vmand vm0, vm1  }
0x54: {  	v6 =	vmpcnt.ones.xlane vm0  }
0x55: {  	s3 =	spop (v2sf)  }
0x56: {  	(v2sf) =	vpush v6, $0x0;
	s1 =	sadd.s32 s1, s3  }
0x57: {  	[tilespmem:s1+$0x19C00] =	vst.msk vm0, v5;
	v5 =	vor.u32 s2, v1;
	s2 =	smov.u32 s11  }
0x58: {  	[tilespmem:s1+$0x1AC80] =	vst.msk vm0, v5  }
.Ltmp3:
0x59: {  	(pc) =	sbr.rel @p2 .LBB2_6-.Ltmp3, $3  }
0x5a: {  	_ =	sdelay $0x1  }
0x5b: {  	s9 =	sadd.s32 $0x10, s9  }
0x5c: {  	s11 =	sadd.s32 $0x10, s11;
	v5 =	vld [tilespmem:s9+$0x0]  }
0x5d: {  	_ =	sdelay $0x3  }
0x5e: {  	vm0 =	vge.s32 v5, v0;
	vm1 =	vlt.s32 v5, v2  }
0x5f: {  	vm0 =	vmand vm0, vm1  }
0x60: {  	v6 =	vmpcnt.ones.xlane vm0;
	_ =	sdelay $0x1  }
0x61: {  	(v2sf) =	vpush v6, $0x0;
	_ =	sdelay $0xb  }
.Ltmp4:
0x62: {  	_ = 	snop;
	(pc) =	sbr.rel .LBB2_8-.Ltmp4, $4  }
0x63: {  	s3 =	spop (v2sf)  }
0x64: {  	v5 =	vsub.s32 v5, v0;
	s1 =	sadd.s32 s1, s3  }
0x65: {  	[tilespmem:s1+$0x19C00] =	vst.msk vm0, v5;
	v5 =	vor.u32 s2, v1;
	s29 =	spop (v2sf)  }
0x66: {  	[tilespmem:s1+$0x1AC80] =	vst.msk vm0, v5;
	s14 =	sadd.s32 s1, s29  }
.LBB2_4:
.Ltmp5:
0x67: {  	(pc) =	sbr.rel @!p2 .LBB2_5-.Ltmp5, $1  }
0x68: {  	_ =	sdelay $0x3  }
.LBB2_8:
0x69: {  	s1 =	sadd.s32 $0xF, s14  }
0x6a: {  	s2 =	sand.u32 $0xF, s1;
	s3 =	sshra.s32 s1, $0x1F  }
.Ltmp6:
0x6b: {  	p2 =	slt.s32 s1, $0x1;
	p3 =	sne.s32 s2, $0x0;
	(pc) =	sbr.rel @p1 .LBB2_10-.Ltmp6, $4  }
0x6c: {  	s29 =	sshrl.u32 s3, $0x1C;
	p2 =	por !p2, !p3  }
0x6d: {  	s2 =	simm.s32 $0x1;
	s1 =	sadd.s32 s29, s1;
	p2 =	por !p2, !p2  }
0x6e: {  	s1 =	sshra.s32 s1, $0x4;
	s2 =	simm.s32 @!p2 $0x0  }
0x6f: {  	s15 =	sand.u32 $0x1, s21;
	p2 =	seq.s32 s21, $0x67;
	s18 =	ssub.s32 s1, s2  }
.Ltmp7:
0x70: {  	(pc) =	sbr.rel @p2 .LBB2_17-.Ltmp7, $4  }
.Ltmp8:
0x71: {  	(pc) =	sbr.rel @!p2 .LBB2_11-.Ltmp8, $4  }
0x72: {  	_ =	swait.ge [sflag:s30], $0xB800  }
0x73: {  	[sflag:s30] =	ssyncset.done $0x0  }
0x74: {  	[sflag:s30] =	ssyncadd.s32 $0xFFFF4800  }
0x75: {  	_ = 	snop  }
.LBB2_10:
.Ltmp9:
0x76: {  	(pc) =	sbr.rel @p2 .LBB2_13-.Ltmp9, $4  }
0x77: {  	_ = 	snop  }
0x78: {  	_ =	swait.ge [sflag:s30], $0xC400  }
0x79: {  	[sflag:s30] =	ssyncset.done $0x0  }
0x7a: {  	[sflag:s30] =	ssyncadd.s32 $0xFFFF3C00  }
.LBB2_11:
.Ltmp10:
0x7b: {  	s1 =	sadd.s32 $0x1, s21;
	(pc) =	sbr.rel @!p0 .LBB2_12-.Ltmp10, $4  }
0x7c: {  	s3 =	sxor.u32 $0x1, s15;
	s2 =	sshrl.u32 s1, $0x2  }
0x7d: {  	s9 =	smul.u32 $0x31000, s3;
	s1 =	sand.u32 $0x7, s1;
	s2 =	sand.u32 $0x3E, s2  }
0x7e: {  	s3 =	smul.u32 $0xC3800, s1;
	s2 =	sor.u32 s8, s2  }
0x7f: {  	s1 =	sshrl.u32 s9, $0x2;
	s2 =	smul.u32 $0x61C000, s2  }
0x80: {  	_ = 	snop  }
0x81: {  	s2 =	sadd.s32 s2, s3  }
0x82: {  	s29 =	rddreg [dreg:$0x0];
	s2 =	sshrl.u32 s2, $0x3  }
0x83: {  	s2 =	sadd.s32 s29, s2  }
0x84: {  	s2 =	sadd.s32 $0x16F80, s2  }
0x85: {  	[tilespmem:s1], [sflag:$0x1] =	stream.linear.gather [hbm4b:s2+s7], $0xB800, $0x38;
	[tilespmem:$0x1FF08] =	vst v63  }
.LBB2_17:
0x86: {  	s1 =	sshll.u32 s10, $0x7;
	s3 =	rddreg [dreg:$0x9]  }
0x87: {  	s2 =	sshll.u32 s13, $0xA;
	s1 =	sadd.s32 s3, s1  }
.Ltmp11:
0x88: {  	s1 =	sadd.s32 s2, s1;
	(pc) =	sbr.rel .LBB2_22-.Ltmp11, $4  }
0x89: {  	[tilespmem:s31], [sflag:$0x3] =	stream.linear.gather [hbm4b:s1+s7], $0x400, $0x38;
	[tilespmem:$0x1FF08] =	vst v63  }
0x8a: {  	_ =	swait.ge [sflag:s22], $0x400  }
0x8b: {  	[sflag:s22] =	ssyncset.done $0x0  }
0x8c: {  	[sflag:s22] =	ssyncadd.s32 $0xFFFFFC00  }
.LBB2_12:
0x8d: {  	s6 =	rddreg [dreg:$0x7]  }
0x8e: {  	s3 =	sadd.s32 s6, s3  }
0x8f: {  	s2 =	sadd.s32 s2, s3  }
0x90: {  	s29 =	rddreg [dreg:$0x0];
	s2 =	sshrl.u32 s2, $0x3  }
0x91: {  	s2 =	sadd.s32 s29, s2  }
0x92: {  	[tilespmem:s1], [sflag:$0x1] =	stream.linear.gather [hbm4b:s2+s7], $0xC400, $0x38;
	[tilespmem:$0x1FF08] =	vst v63  }
.LBB2_13:
0x93: {  	p2 =	slt.s32 s18, $0x1  }
.Ltmp12:
0x94: {  	_ = 	snop;
	(pc) =	sbr.rel @p2 .LBB2_30-.Ltmp12, $1  }
0x95: {  	_ =	sdelay $0x3  }
0x96: {  	p3 =	sne.s32 s18, $0x1  }
.Ltmp13:
0x97: {  	_ = 	snop;
	(pc) =	sbr.rel @!p3 .LBB2_15-.Ltmp13, $4  }
0x98: {  	v5 =	vmov s15  }
0x99: {  	s16 =	smov.u32 s4;
	s4 =	smov.u32 s17;
	s17 =	smov.u32 s19;
	v5 =	vmul.u32 $0xC400, v5  }
0x9a: {  	s1 =	sshll.u32 s15, $0xF;
	s20 =	simm.s32 $0x19C00;
	s9 =	simm.s32 $0x1AC80  }
0x9b: {  	v7 =	vmov s14;
	p4 =	por $0x1, $0x1;
	p2 =	por $0x0, $0x0;
	v6 =	vbroadcast v5, $0x0;
	v5 =	vmov s1;
	s1 =	simm.s32 $0x0  }
0x9c: {  	s2 =	simm.s32 @!p4 $0x2  }
0x9d: {  	_ =	swait.ge @!p4 [sflag:s2], $0x80  }
0x9e: {  	[sflag:s2] =	ssyncset.done @!p4 $0x0  }
0x9f: {  	[sflag:s2] =	ssyncadd.s32 @!p4 $0xFFFFFF80  }
0xa0: {  	v8 =	vld [tilespmem:s20+$0x0];
	_ =	sdelay $0x2  }
0xa1: {  	v9 =	vor.u32 s1, v1  }
0xa2: {  	vm0 =	vlt.s32 v9, v7  }
0xa3: {  	v8 =	vnsel vm0, $0x0, v8  }
0xa4: {  	v9 =	vshll.u32 v8, $0x3  }
0xa5: {  	v9 =	vand.u32 $0xFFFFFC00, v9  }
0xa6: {  	v8 =	vand.u32 $0x7F, v8;
	v9 =	vadd.s32 v6, v9  }
0xa7: {  	v8 =	vor.u32 v8, v9  }
0xa8: {  	v9 =	vld [tilespmem:s9+$0x0];
	_ =	sdelay $0x3  }
0xa9: {  	v10 =	vld.idx.msk [tilespmem:v8+s7+$0x0], $0xffff  }
0xaa: {  	v11 =	vor.u32 $0x80, v8;
	v9 =	vshll.u32 v9, $0x3  }
0xab: {  	v9 =	vadd.s32 v5, v9  }
0xac: {  	s29 =	sand.u32 $0x80, s1;
	v12 =	vsel vm0, v9, v3  }
0xad: {  	[tilespmem:s29+$0x1BE00] =	vst v12  }
0xae: {  	[tilespmem:s29+$0x1BD00] =	vst v10  }
0xaf: {  	v10 =	vld.idx.msk [tilespmem:v11+s7+$0x0], $0xffff  }
0xb0: {  	v11 =	vor.u32 $0x100, v8  }
0xb1: {  	v59 =	vor.u32 $0x1, v9  }
0xb2: {  	v12 =	vsel vm0, v59, v3  }
0xb3: {  	[tilespmem:s29+$0x1BE10] =	vst v12  }
0xb4: {  	[tilespmem:s29+$0x1BD10] =	vst v10  }
0xb5: {  	v10 =	vld.idx.msk [tilespmem:v11+s7+$0x0], $0xffff  }
0xb6: {  	v11 =	vor.u32 $0x180, v8  }
0xb7: {  	v60 =	vor.u32 $0x2, v9  }
0xb8: {  	v12 =	vsel vm0, v60, v3  }
0xb9: {  	[tilespmem:s29+$0x1BE20] =	vst v12  }
0xba: {  	[tilespmem:s29+$0x1BD20] =	vst v10  }
0xbb: {  	v10 =	vld.idx.msk [tilespmem:v11+s7+$0x0], $0xffff  }
0xbc: {  	v11 =	vor.u32 $0x200, v8  }
0xbd: {  	v61 =	vor.u32 $0x3, v9  }
0xbe: {  	v12 =	vsel vm0, v61, v3  }
0xbf: {  	[tilespmem:s29+$0x1BE30] =	vst v12  }
0xc0: {  	[tilespmem:s29+$0x1BD30] =	vst v10  }
0xc1: {  	v10 =	vld.idx.msk [tilespmem:v11+s7+$0x0], $0xffff  }
0xc2: {  	v11 =	vor.u32 $0x280, v8  }
0xc3: {  	v62 =	vor.u32 $0x4, v9  }
0xc4: {  	v12 =	vsel vm0, v62, v3  }
0xc5: {  	[tilespmem:s29+$0x1BE40] =	vst v12  }
0xc6: {  	[tilespmem:s29+$0x1BD40] =	vst v10  }
0xc7: {  	v10 =	vld.idx.msk [tilespmem:v11+s7+$0x0], $0xffff  }
0xc8: {  	v11 =	vor.u32 $0x300, v8  }
0xc9: {  	v63 =	vor.u32 $0x5, v9  }
0xca: {  	v12 =	vsel vm0, v63, v3  }
0xcb: {  	[tilespmem:s29+$0x1BE50] =	vst v12  }
0xcc: {  	[tilespmem:s29+$0x1BD50] =	vst v10  }
0xcd: {  	v10 =	vld.idx.msk [tilespmem:v11+s7+$0x0], $0xffff  }
0xce: {  	v8 =	vor.u32 $0x380, v8  }
0xcf: {  	v11 =	vor.u32 $0x6, v9  }
0xd0: {  	v11 =	vsel vm0, v11, v3  }
0xd1: {  	p3 =	sne.s32 s18, $0x2;
	[tilespmem:s29+$0x1BE60] =	vst v11  }
.Ltmp14:
0xd2: {  	[tilespmem:s29+$0x1BD60] =	vst v10;
	(pc) =	sbr.rel @!p3 .LBB2_19-.Ltmp14, $4  }
0xd3: {  	v8 =	vld.idx.msk [tilespmem:v8+s7+$0x0], $0xffff  }
0xd4: {  	s26 =	simm.s32 $0x10;
	p2 =	por $0x1, $0x1;
	s24 =	simm.s32 $0x0;
	v9 =	vor.u32 $0x7, v9  }
0xd5: {  	s3 =	sor.u32 $0x1BD00, s29;
	s19 =	sor.u32 $0x1BE00, s29;
	s2 =	simm.s32 $0x2;
	v9 =	vsel vm0, v9, v3  }
0xd6: {  	p4 =	por $0x1, $0x1;
	s20 =	simm.s32 $0x19C10;
	s9 =	simm.s32 $0x1AC90;
	[tilespmem:s29+$0x1BE70] =	vst v9  }
.LBB2_20:
0xd7: {  	s6 =	simm.s32 @!p4 $0x2  }
0xd8: {  	[tilespmem:s29+$0x1BD70] =	vst v8;
	s24 =	sadd.s32 $0x80, s24;
	s11 =	smov.u32 s2;
	s2 =	sadd.s32 $0x1, s2  }
0xd9: {  	[spmem:s5] =	stream.indirect.scatter [tilespmem:s3], [sflag:$0x2], $0x1, s19, s25, $0xb8;
	[tilespmem:$0x1FF08] =	vst v63  }
0xda: {  	p3 =	sne.s32 s18, s2;
	_ =	swait.ge @!p4 [sflag:s6], $0x80  }
0xdb: {  	[sflag:s6] =	ssyncset.done @!p4 $0x0  }
0xdc: {  	[sflag:s6] =	ssyncadd.s32 @!p4 $0xFFFFFF80  }
0xdd: {  	v8 =	vld [tilespmem:s20+$0x0];
	_ =	sdelay $0x2  }
0xde: {  	v9 =	vor.u32 s26, v1  }
0xdf: {  	vm0 =	vlt.s32 v9, v7  }
0xe0: {  	v8 =	vnsel vm0, $0x0, v8  }
0xe1: {  	v9 =	vshll.u32 v8, $0x3  }
0xe2: {  	v9 =	vand.u32 $0xFFFFFC00, v9  }
0xe3: {  	v8 =	vand.u32 $0x7F, v8;
	v9 =	vadd.s32 v6, v9  }
0xe4: {  	v8 =	vor.u32 v8, v9;
	_ =	sdelay $0x1  }
0xe5: {  	v9 =	vld [tilespmem:s9+$0x0];
	_ =	sdelay $0x2  }
0xe6: {  	v10 =	vld.idx.msk [tilespmem:v8+s7+$0x0], $0xffff;
	_ =	sdelay $0x1  }
0xe7: {  	v11 =	vor.u32 $0x80, v8;
	v9 =	vshll.u32 v9, $0x3  }
0xe8: {  	v9 =	vadd.s32 v5, v9  }
0xe9: {  	s29 =	sand.u32 $0x80, s24;
	v12 =	vsel vm0, v9, v3;
	v13 =	vor.u32 $0x1, v9;
	v14 =	vor.u32 $0x3, v9  }
0xea: {  	v15 =	vor.u32 $0x5, v9;
	v16 =	vor.u32 $0x6, v9;
	[tilespmem:s29+$0x1BE00] =	vst v12;
	v12 =	vor.u32 $0x4, v9  }
0xeb: {  	[tilespmem:s29+$0x1BD00] =	vst v10;
	v10 =	vor.u32 $0x7, v9  }
0xec: {  	v11 =	vld.idx.msk [tilespmem:v11+s7+$0x0], $0xffff;
	_ =	sdelay $0x1  }
0xed: {  	v17 =	vor.u32 $0x100, v8;
	_ =	sdelay $0x1  }
0xee: {  	v13 =	vsel vm0, v13, v3  }
0xef: {  	[tilespmem:s29+$0x1BE10] =	vst v13  }
0xf0: {  	v9 =	vor.u32 $0x2, v9;
	[tilespmem:s29+$0x1BD10] =	vst v11  }
0xf1: {  	v9 =	vsel vm0, v9, v3;
	v11 =	vld.idx.msk [tilespmem:v17+s7+$0x0], $0xffff  }
0xf2: {  	[tilespmem:s29+$0x1BE20] =	vst v9  }
0xf3: {  	v9 =	vor.u32 $0x180, v8;
	_ =	sdelay $0x3  }
0xf4: {  	[tilespmem:s29+$0x1BD20] =	vst v11  }
0xf5: {  	v11 =	vsel vm0, v14, v3;
	v9 =	vld.idx.msk [tilespmem:v9+s7+$0x0], $0xffff  }
0xf6: {  	[tilespmem:s29+$0x1BE30] =	vst v11  }
0xf7: {  	v11 =	vor.u32 $0x200, v8;
	_ =	sdelay $0x3  }
0xf8: {  	[tilespmem:s29+$0x1BD30] =	vst v9  }
0xf9: {  	v9 =	vld.idx.msk [tilespmem:v11+s7+$0x0], $0xffff;
	v11 =	vsel vm0, v12, v3  }
0xfa: {  	[tilespmem:s29+$0x1BE40] =	vst v11  }
0xfb: {  	v11 =	vor.u32 $0x280, v8;
	_ =	sdelay $0x3  }
0xfc: {  	[tilespmem:s29+$0x1BD40] =	vst v9  }
0xfd: {  	v9 =	vld.idx.msk [tilespmem:v11+s7+$0x0], $0xffff;
	v11 =	vsel vm0, v15, v3  }
0xfe: {  	[tilespmem:s29+$0x1BE50] =	vst v11  }
0xff: {  	v11 =	vor.u32 $0x300, v8;
	_ =	sdelay $0x3  }
0x100: {  	[tilespmem:s29+$0x1BD50] =	vst v9  }
0x101: {  	v9 =	vld.idx.msk [tilespmem:v11+s7+$0x0], $0xffff;
	v11 =	vsel vm0, v16, v3  }
0x102: {  	[tilespmem:s29+$0x1BE60] =	vst v11  }
0x103: {  	v8 =	vor.u32 $0x380, v8;
	_ =	sdelay $0x3  }
0x104: {  	[tilespmem:s29+$0x1BD60] =	vst v9  }
0x105: {  	v9 =	vsel vm0, v10, v3;
	v8 =	vld.idx.msk [tilespmem:v8+s7+$0x0], $0xffff  }
.Ltmp15:
0x106: {  	[tilespmem:s29+$0x1BE70] =	vst v9;
	(pc) =	sbr.rel @p3 .LBB2_20-.Ltmp15, $3  }
0x107: {  	_ =	sdelay $0x1  }
0x108: {  	s26 =	sadd.s32 $0x10, s26;
	s20 =	sadd.s32 $0x10, s20;
	s9 =	sadd.s32 $0x10, s9  }
0x109: {  	s3 =	sor.u32 $0x1BD00, s29;
	s19 =	sor.u32 $0x1BE00, s29;
	p4 =	slt.u32 s11, $0x2  }
.LBB2_21:
0x10a: {  	s2 =	simm.s32 @!p4 $0x2;
	[tilespmem:s29+$0x1BD70] =	vst @p2 v8  }
0x10b: {  	[spmem:s5] =	stream.indirect.scatter @p2 [tilespmem:s3], [sflag:$0x2], $0x1, s19, s25, $0xb8;
	[tilespmem:$0x1FF08] =	vst v63  }
0x10c: {  	_ =	swait.ge @!p4 [sflag:s2], $0x80  }
0x10d: {  	[sflag:s2] =	ssyncset.done @!p4 $0x0  }
0x10e: {  	[sflag:s2] =	ssyncadd.s32 @!p4 $0xFFFFFF80  }
0x10f: {  	v50 =	vld [tilespmem:s20+$0x0];
	_ =	sdelay $0x2  }
0x110: {  	v9 =	vor.u32 s26, v1  }
0x111: {  	vm0 =	vlt.s32 v9, v7  }
0x112: {  	v7 =	vnsel vm0, $0x0, v50  }
0x113: {  	v8 =	vshll.u32 v7, $0x3  }
0x114: {  	v8 =	vand.u32 $0xFFFFFC00, v8  }
0x115: {  	v7 =	vand.u32 $0x7F, v7;
	v6 =	vadd.s32 v6, v8  }
0x116: {  	v6 =	vor.u32 v7, v6  }
0x117: {  	v7 =	vld [tilespmem:s9+$0x0];
	_ =	sdelay $0x3  }
0x118: {  	v51 =	vld.idx.msk [tilespmem:v6+s7+$0x0], $0xffff  }
0x119: {  	s2 =	sadd.s32 @p2 $0x80, s24;
	v52 =	vor.u32 $0x80, v6;
	v7 =	vshll.u32 v7, $0x3  }
0x11a: {  	s1 =	smov.u32 @p2 s2;
	v5 =	vadd.s32 v5, v7  }
0x11b: {  	s1 =	sand.u32 $0x80, s1;
	v7 =	vsel vm0, v5, v3  }
0x11c: {  	[tilespmem:s1+$0x1BE00] =	vst v7  }
0x11d: {  	[tilespmem:s1+$0x1BD00] =	vst v51  }
0x11e: {  	v7 =	vld.idx.msk [tilespmem:v52+s7+$0x0], $0xffff  }
0x11f: {  	v53 =	vor.u32 $0x100, v6  }
0x120: {  	v54 =	vor.u32 $0x1, v5  }
0x121: {  	v9 =	vsel vm0, v54, v3  }
0x122: {  	[tilespmem:s1+$0x1BE10] =	vst v9  }
0x123: {  	[tilespmem:s1+$0x1BD10] =	vst v7  }
0x124: {  	v7 =	vld.idx.msk [tilespmem:v53+s7+$0x0], $0xffff  }
0x125: {  	v55 =	vor.u32 $0x180, v6  }
0x126: {  	v56 =	vor.u32 $0x2, v5  }
0x127: {  	v9 =	vsel vm0, v56, v3  }
0x128: {  	[tilespmem:s1+$0x1BE20] =	vst v9  }
0x129: {  	[tilespmem:s1+$0x1BD20] =	vst v7  }
0x12a: {  	v7 =	vld.idx.msk [tilespmem:v55+s7+$0x0], $0xffff  }
0x12b: {  	v57 =	vor.u32 $0x200, v6  }
0x12c: {  	v58 =	vor.u32 $0x3, v5  }
0x12d: {  	v9 =	vsel vm0, v58, v3  }
0x12e: {  	[tilespmem:s1+$0x1BE30] =	vst v9  }
0x12f: {  	[tilespmem:s1+$0x1BD30] =	vst v7  }
0x130: {  	v7 =	vld.idx.msk [tilespmem:v57+s7+$0x0], $0xffff  }
0x131: {  	v59 =	vor.u32 $0x280, v6  }
0x132: {  	v60 =	vor.u32 $0x4, v5  }
0x133: {  	v9 =	vsel vm0, v60, v3  }
0x134: {  	[tilespmem:s1+$0x1BE40] =	vst v9  }
0x135: {  	[tilespmem:s1+$0x1BD40] =	vst v7  }
0x136: {  	v7 =	vld.idx.msk [tilespmem:v59+s7+$0x0], $0xffff  }
0x137: {  	v61 =	vor.u32 $0x300, v6  }
0x138: {  	v62 =	vor.u32 $0x5, v5  }
0x139: {  	v9 =	vsel vm0, v62, v3  }
0x13a: {  	[tilespmem:s1+$0x1BE50] =	vst v9  }
0x13b: {  	[tilespmem:s1+$0x1BD50] =	vst v7  }
0x13c: {  	v7 =	vld.idx.msk [tilespmem:v61+s7+$0x0], $0xffff  }
0x13d: {  	v6 =	vor.u32 $0x380, v6  }
0x13e: {  	v63 =	vor.u32 $0x6, v5  }
0x13f: {  	v8 =	vsel vm0, v63, v3  }
0x140: {  	[tilespmem:s1+$0x1BE60] =	vst v8  }
0x141: {  	[tilespmem:s1+$0x1BD60] =	vst v7  }
0x142: {  	v6 =	vld.idx.msk [tilespmem:v6+s7+$0x0], $0xffff;
	_ =	sdelay $0x1  }
0x143: {  	v5 =	vor.u32 $0x7, v5  }
0x144: {  	v5 =	vsel vm0, v5, v3  }
0x145: {  	s19 =	smov.u32 s17;
	s17 =	smov.u32 s4;
	s4 =	smov.u32 s16;
	[tilespmem:s1+$0x1BE70] =	vst v5  }
0x146: {  	s16 =	stileid.u32;
	s26 =	sor.u32 $0x1BD00, s1;
	s29 =	sor.u32 $0x1BE00, s1;
	[tilespmem:s1+$0x1BD70] =	vst v6  }
0x147: {  	[spmem:s5] =	stream.indirect.scatter [tilespmem:s26], [sflag:$0x2], $0x1, s29, s25, $0xb8;
	[tilespmem:$0x1FF08] =	vst v63  }
.LBB2_22:
0x148: {  	p2 =	slt.s32 @!p1 s18, $0x1  }
0x149: {  	p2 =	por p1, p2  }
.Ltmp16:
0x14a: {  	_ = 	snop;
	(pc) =	sbr.rel @p2 .LBB2_26-.Ltmp16, $1  }
0x14b: {  	_ =	sdelay $0x3  }
0x14c: {  	p2 =	por $0x1, $0x1  }
0x14d: {  	s1 =	simm.s32 @!p2 $0x2  }
0x14e: {  	_ =	swait.ge @!p2 [sflag:s1], $0x80  }
0x14f: {  	[sflag:s1] =	ssyncset.done @!p2 $0x0  }
0x150: {  	s20 =	simm.s32 $0x19C00;
	[sflag:s1] =	ssyncadd.s32 @!p2 $0xFFFFFF80  }
0x151: {  	v6 =	vld [tilespmem:s20+$0x0];
	_ =	sdelay $0x1  }
0x152: {  	s1 =	simm.s32 $0x0  }
0x153: {  	v5 =	vmov s14;
	v7 =	vor.u32 s1, v1  }
0x154: {  	vm1 =	vlt.s32 v7, v5  }
0x155: {  	v6 =	vnsel vm1, $0x0, v6  }
0x156: {  	v7 =	vmov s15;
	v8 =	vadd.s32 v0, v6  }
0x157: {  	v7 =	vmul.u32 $0xC400, v7;
	vm0 =	vgt.s32 v8, $0x1867F  }
0x158: {  	v9 =	vsel vm0, $0x0, v6  }
0x159: {  	vm2 =	vgt.s32 v8, $0x18680;
	v6 =	vbroadcast v7, $0x0;
	v7 =	vshll.u32 v9, $0x3  }
0x15a: {  	v8 =	vnsel vm2, $0x18680, v8;
	v7 =	vand.u32 $0xFFFFFC00, v7  }
0x15b: {  	v10 =	vadd.s32 $0xFFFE7980, v8;
	v9 =	vand.u32 $0x7F, v9;
	v7 =	vadd.s32 v6, v7  }
0x15c: {  	v11 =	vor.u32 v9, v7  }
0x15d: {  	s2 =	simm.s32 $0x1AC80  }
0x15e: {  	v9 =	vld [tilespmem:s2+$0x0];
	_ =	sdelay $0x1  }
0x15f: {  	v10 =	vld.idx.msk [tilespmem:v10+s31+$0x0], $0xffff  }
0x160: {  	v12 =	vld.idx.msk [tilespmem:v11+s7+$0x0], $0xffff  }
0x161: {  	s26 =	sshll.u32 s15, $0xF  }
0x162: {  	v13 =	vadd.s32 $0xFFFE7A00, v8;
	v7 =	vmov s26;
	v9 =	vshll.u32 v9, $0x3  }
0x163: {  	v14 =	vor.u32 $0x80, v11;
	v9 =	vadd.s32 v7, v9  }
0x164: {  	s9 =	sand.u32 $0x80, s1;
	v15 =	vsel vm1, v9, v3  }
0x165: {  	[tilespmem:s9+$0x1BE00] =	vst v15;
	v10 =	vsel vm0, v10, v12  }
0x166: {  	[tilespmem:s9+$0x1BD00] =	vst v10  }
0x167: {  	v10 =	vld.idx.msk [tilespmem:v13+s31+$0x0], $0xffff  }
0x168: {  	v42 =	vld.idx.msk [tilespmem:v14+s7+$0x0], $0xffff;
	_ =	sdelay $0x1  }
0x169: {  	v43 =	vadd.s32 $0xFFFE7A80, v8  }
0x16a: {  	v45 =	vor.u32 $0x100, v11;
	v44 =	vor.u32 $0x1, v9  }
0x16b: {  	v14 =	vsel vm1, v44, v3  }
0x16c: {  	[tilespmem:s9+$0x1BE10] =	vst v14;
	v10 =	vsel vm0, v10, v42  }
0x16d: {  	[tilespmem:s9+$0x1BD10] =	vst v10  }
0x16e: {  	v10 =	vld.idx.msk [tilespmem:v43+s31+$0x0], $0xffff  }
0x16f: {  	v46 =	vld.idx.msk [tilespmem:v45+s7+$0x0], $0xffff;
	_ =	sdelay $0x1  }
0x170: {  	v47 =	vadd.s32 $0xFFFE7B00, v8  }
0x171: {  	v49 =	vor.u32 $0x180, v11;
	v48 =	vor.u32 $0x2, v9  }
0x172: {  	v14 =	vsel vm1, v48, v3  }
0x173: {  	[tilespmem:s9+$0x1BE20] =	vst v14;
	v10 =	vsel vm0, v10, v46  }
0x174: {  	[tilespmem:s9+$0x1BD20] =	vst v10  }
0x175: {  	v10 =	vld.idx.msk [tilespmem:v47+s31+$0x0], $0xffff  }
0x176: {  	v50 =	vld.idx.msk [tilespmem:v49+s7+$0x0], $0xffff;
	_ =	sdelay $0x1  }
0x177: {  	v51 =	vadd.s32 $0xFFFE7B80, v8  }
0x178: {  	v53 =	vor.u32 $0x200, v11;
	v52 =	vor.u32 $0x3, v9  }
0x179: {  	v14 =	vsel vm1, v52, v3  }
0x17a: {  	[tilespmem:s9+$0x1BE30] =	vst v14;
	v10 =	vsel vm0, v10, v50  }
0x17b: {  	[tilespmem:s9+$0x1BD30] =	vst v10  }
0x17c: {  	v10 =	vld.idx.msk [tilespmem:v51+s31+$0x0], $0xffff  }
0x17d: {  	v54 =	vld.idx.msk [tilespmem:v53+s7+$0x0], $0xffff;
	_ =	sdelay $0x1  }
0x17e: {  	v55 =	vadd.s32 $0xFFFE7C00, v8  }
0x17f: {  	v57 =	vor.u32 $0x280, v11;
	v56 =	vor.u32 $0x4, v9  }
0x180: {  	v14 =	vsel vm1, v56, v3  }
0x181: {  	[tilespmem:s9+$0x1BE40] =	vst v14;
	v10 =	vsel vm0, v10, v54  }
0x182: {  	[tilespmem:s9+$0x1BD40] =	vst v10  }
0x183: {  	v10 =	vld.idx.msk [tilespmem:v55+s31+$0x0], $0xffff  }
0x184: {  	v58 =	vld.idx.msk [tilespmem:v57+s7+$0x0], $0xffff;
	_ =	sdelay $0x1  }
0x185: {  	v59 =	vadd.s32 $0xFFFE7C80, v8  }
0x186: {  	v61 =	vor.u32 $0x300, v11;
	v60 =	vor.u32 $0x5, v9  }
0x187: {  	v14 =	vsel vm1, v60, v3  }
0x188: {  	[tilespmem:s9+$0x1BE50] =	vst v14;
	v10 =	vsel vm0, v10, v58  }
0x189: {  	[tilespmem:s9+$0x1BD50] =	vst v10  }
0x18a: {  	v10 =	vld.idx.msk [tilespmem:v59+s31+$0x0], $0xffff  }
0x18b: {  	v62 =	vld.idx.msk [tilespmem:v61+s7+$0x0], $0xffff;
	_ =	sdelay $0x3  }
0x18c: {  	p2 =	sne.s32 s18, $0x1;
	v8 =	vadd.s32 $0xFFFE7D00, v8  }
.Ltmp17:
0x18d: {  	v10 =	vsel vm0, v10, v62;
	(pc) =	sbr.rel @!p2 .LBB2_25-.Ltmp17, $4  }
0x18e: {  	v63 =	vor.u32 $0x6, v9;
	[tilespmem:s9+$0x1BD60] =	vst v10;
	v10 =	vor.u32 $0x380, v11  }
0x18f: {  	v13 =	vsel vm1, v63, v3  }
0x190: {  	v9 =	vor.u32 $0x7, v9;
	[tilespmem:s9+$0x1BE60] =	vst v13  }
0x191: {  	s24 =	simm.s32 $0x1;
	s29 =	simm.s32 $0x10;
	s26 =	simm.s32 $0x1AC90;
	v9 =	vsel vm1, v9, v3;
	v8 =	vld.idx.msk [tilespmem:v8+s31+$0x0], $0xffff  }
.LBB2_24:
0x192: {  	s1 =	sadd.s32 $0x80, s1  }
0x193: {  	v10 =	vld.idx.msk [tilespmem:v10+s7+$0x0], $0xffff;
	s20 =	sadd.s32 $0x10, s20;
	s2 =	smov.u32 s24;
	s24 =	sadd.s32 $0x1, s24  }
0x194: {  	p2 =	sne.s32 s18, s24;
	[tilespmem:s9+$0x1BE70] =	vst v9;
	_ =	sdelay $0x4  }
0x195: {  	p3 =	slt.u32 s2, $0x2;
	v8 =	vsel vm0, v8, v10  }
0x196: {  	s3 =	sor.u32 $0x1BD00, s9;
	s6 =	sor.u32 $0x1BE00, s9;
	s2 =	simm.s32 @!p3 $0x2;
	[tilespmem:s9+$0x1BD70] =	vst v8  }
0x197: {  	[spmem:s5] =	stream.indirect.scatter [tilespmem:s3], [sflag:$0x2], $0x1, s6, s25, $0xb8;
	[tilespmem:$0x1FF08] =	vst v63  }
0x198: {  	_ =	swait.ge @!p3 [sflag:s2], $0x80  }
0x199: {  	[sflag:s2] =	ssyncset.done @!p3 $0x0  }
0x19a: {  	[sflag:s2] =	ssyncadd.s32 @!p3 $0xFFFFFF80  }
0x19b: {  	v8 =	vld [tilespmem:s20+$0x0];
	_ =	sdelay $0x2  }
0x19c: {  	v9 =	vor.u32 s29, v1  }
0x19d: {  	vm1 =	vlt.s32 v9, v5  }
0x19e: {  	v8 =	vnsel vm1, $0x0, v8  }
0x19f: {  	v9 =	vadd.s32 v0, v8  }
0x1a0: {  	vm0 =	vgt.s32 v9, $0x1867F;
	vm2 =	vgt.s32 v9, $0x18680  }
0x1a1: {  	v10 =	vsel vm0, $0x0, v8;
	v8 =	vnsel vm2, $0x18680, v9  }
0x1a2: {  	v9 =	vadd.s32 $0xFFFE7980, v8;
	v11 =	vshll.u32 v10, $0x3  }
0x1a3: {  	v12 =	vld [tilespmem:s26+$0x0];
	v11 =	vand.u32 $0xFFFFFC00, v11  }
0x1a4: {  	v10 =	vand.u32 $0x7F, v10;
	v11 =	vadd.s32 v6, v11  }
0x1a5: {  	v10 =	vor.u32 v10, v11;
	_ =	sdelay $0x1  }
0x1a6: {  	v11 =	vld.idx.msk [tilespmem:v9+s31+$0x0], $0xffff  }
0x1a7: {  	v9 =	vshll.u32 v12, $0x3  }
0x1a8: {  	v9 =	vadd.s32 v7, v9  }
0x1a9: {  	s9 =	sand.u32 $0x80, s1;
	v12 =	vld.idx.msk [tilespmem:v10+s7+$0x0], $0xffff;
	v13 =	vsel vm1, v9, v3;
	v14 =	vor.u32 $0x1, v9;
	v15 =	vor.u32 $0x2, v9  }
0x1aa: {  	[tilespmem:s9+$0x1BE00] =	vst v13;
	v13 =	vsel vm1, v14, v3;
	v14 =	vsel vm1, v15, v3;
	v15 =	vor.u32 $0x3, v9  }
0x1ab: {  	v16 =	vor.u32 $0x4, v9;
	v17 =	vor.u32 $0x5, v9;
	v15 =	vsel vm1, v15, v3  }
0x1ac: {  	v18 =	vadd.s32 $0xFFFE7A00, v8;
	v16 =	vsel vm1, v16, v3;
	v17 =	vsel vm1, v17, v3  }
0x1ad: {  	v19 =	vor.u32 $0x80, v10;
	v20 =	vor.u32 $0x6, v9;
	v9 =	vor.u32 $0x7, v9  }
0x1ae: {  	v20 =	vsel vm1, v20, v3;
	v9 =	vsel vm1, v9, v3  }
0x1af: {  	v11 =	vsel vm0, v11, v12  }
0x1b0: {  	[tilespmem:s9+$0x1BD00] =	vst v11  }
0x1b1: {  	v11 =	vld.idx.msk [tilespmem:v18+s31+$0x0], $0xffff  }
0x1b2: {  	v12 =	vld.idx.msk [tilespmem:v19+s7+$0x0], $0xffff;
	_ =	sdelay $0x2  }
0x1b3: {  	v18 =	vadd.s32 $0xFFFE7A80, v8  }
0x1b4: {  	v19 =	vor.u32 $0x100, v10;
	_ =	sdelay $0x1  }
0x1b5: {  	v11 =	vsel vm0, v11, v12;
	[tilespmem:s9+$0x1BE10] =	vst v13  }
0x1b6: {  	[tilespmem:s9+$0x1BD10] =	vst v11  }
0x1b7: {  	v11 =	vld.idx.msk [tilespmem:v18+s31+$0x0], $0xffff  }
0x1b8: {  	v12 =	vld.idx.msk [tilespmem:v19+s7+$0x0], $0xffff;
	_ =	sdelay $0x2  }
0x1b9: {  	v13 =	vadd.s32 $0xFFFE7B00, v8  }
0x1ba: {  	v18 =	vor.u32 $0x180, v10;
	_ =	sdelay $0x1  }
0x1bb: {  	v11 =	vsel vm0, v11, v12;
	[tilespmem:s9+$0x1BE20] =	vst v14  }
0x1bc: {  	[tilespmem:s9+$0x1BD20] =	vst v11  }
0x1bd: {  	v11 =	vld.idx.msk [tilespmem:v13+s31+$0x0], $0xffff  }
0x1be: {  	v12 =	vld.idx.msk [tilespmem:v18+s7+$0x0], $0xffff  }
0x1bf: {  	[tilespmem:s9+$0x1BE30] =	vst v15;
	_ =	sdelay $0x1  }
0x1c0: {  	v13 =	vadd.s32 $0xFFFE7B80, v8  }
0x1c1: {  	v14 =	vor.u32 $0x200, v10;
	_ =	sdelay $0x1  }
0x1c2: {  	v11 =	vsel vm0, v11, v12  }
0x1c3: {  	[tilespmem:s9+$0x1BD30] =	vst v11  }
0x1c4: {  	v11 =	vld.idx.msk [tilespmem:v13+s31+$0x0], $0xffff  }
0x1c5: {  	v12 =	vld.idx.msk [tilespmem:v14+s7+$0x0], $0xffff  }
0x1c6: {  	[tilespmem:s9+$0x1BE40] =	vst v16;
	_ =	sdelay $0x1  }
0x1c7: {  	v13 =	vadd.s32 $0xFFFE7C00, v8  }
0x1c8: {  	v14 =	vor.u32 $0x280, v10;
	_ =	sdelay $0x1  }
0x1c9: {  	v11 =	vsel vm0, v11, v12  }
0x1ca: {  	[tilespmem:s9+$0x1BD40] =	vst v11  }
0x1cb: {  	v11 =	vld.idx.msk [tilespmem:v13+s31+$0x0], $0xffff  }
0x1cc: {  	v12 =	vld.idx.msk [tilespmem:v14+s7+$0x0], $0xffff  }
0x1cd: {  	[tilespmem:s9+$0x1BE50] =	vst v17;
	_ =	sdelay $0x1  }
0x1ce: {  	v13 =	vadd.s32 $0xFFFE7C80, v8  }
0x1cf: {  	v14 =	vor.u32 $0x300, v10;
	_ =	sdelay $0x1  }
0x1d0: {  	v11 =	vsel vm0, v11, v12  }
0x1d1: {  	[tilespmem:s9+$0x1BD50] =	vst v11  }
0x1d2: {  	v11 =	vld.idx.msk [tilespmem:v13+s31+$0x0], $0xffff  }
0x1d3: {  	v12 =	vld.idx.msk [tilespmem:v14+s7+$0x0], $0xffff  }
0x1d4: {  	[tilespmem:s9+$0x1BE60] =	vst v20;
	_ =	sdelay $0x1  }
0x1d5: {  	v8 =	vadd.s32 $0xFFFE7D00, v8  }
.Ltmp18:
0x1d6: {  	v10 =	vor.u32 $0x380, v10;
	(pc) =	sbr.rel @p2 .LBB2_24-.Ltmp18, $4  }
0x1d7: {  	_ = 	snop  }
0x1d8: {  	v11 =	vsel vm0, v11, v12  }
0x1d9: {  	[tilespmem:s9+$0x1BD60] =	vst v11  }
0x1da: {  	s29 =	sadd.s32 $0x10, s29;
	s26 =	sadd.s32 $0x10, s26;
	v8 =	vld.idx.msk [tilespmem:v8+s31+$0x0], $0xffff  }
.LBB2_25:
0x1db: {  	_ =	sdelay $0x3  }
0x1dc: {  	v5 =	vld.idx.msk [tilespmem:v10+s7+$0x0], $0xffff;
	_ =	sdelay $0x4  }
0x1dd: {  	[tilespmem:s9+$0x1BE70] =	vst v9;
	v5 =	vsel vm0, v8, v5  }
0x1de: {  	s1 =	sor.u32 $0x1BD00, s9;
	s2 =	sor.u32 $0x1BE00, s9;
	[tilespmem:s9+$0x1BD70] =	vst v5  }
0x1df: {  	[spmem:s5] =	stream.indirect.scatter [tilespmem:s1], [sflag:$0x2], $0x1, s2, s25, $0xb8;
	[tilespmem:$0x1FF08] =	vst v63  }
.LBB2_26:
0x1e0: {  	p2 =	slt.s32 s18, $0x1  }
.Ltmp19:
0x1e1: {  	_ = 	snop;
	(pc) =	sbr.rel @p2 .LBB2_30-.Ltmp19, $1  }
0x1e2: {  	_ =	sdelay $0x3  }
0x1e3: {  	s1 =	smin.u32 s18, $0x2  }
0x1e4: {  	p2 =	sne.s32 s1, $0x1  }
.Ltmp20:
0x1e5: {  	_ = 	snop;
	(pc) =	sbr.rel @!p2 .LBB2_29-.Ltmp20, $3  }
0x1e6: {  	_ =	sdelay $0x1  }
0x1e7: {  	_ =	swait.ge [sflag:s28], $0x80  }
0x1e8: {  	s1 =	sadd.s32 $0xFFFFFFFF, s1;
	[sflag:s28] =	ssyncset.done $0x0  }
.LBB2_28:
0x1e9: {  	p2 =	sne.s32 s1, $0x1;
	s1 =	sadd.s32 $0xFFFFFFFF, s1;
	[sflag:s28] =	ssyncadd.s32 $0xFFFFFF80  }
.Ltmp21:
0x1ea: {  	(pc) =	sbr.rel @p2 .LBB2_28-.Ltmp21, $3  }
0x1eb: {  	_ =	sdelay $0x1  }
0x1ec: {  	_ =	swait.ge [sflag:s28], $0x80  }
0x1ed: {  	[sflag:s28] =	ssyncset.done $0x0  }
.LBB2_29:
0x1ee: {  	[sflag:s28] =	ssyncadd.s32 $0xFFFFFF80  }
.LBB2_30:
0x1ef: {  	s1 =	simm.s32 $0x0  }
0x1f0: {  	[bflag:$0x0] =	sbarrier.arrive $0xFFFF;
	v5 =	vmov s1  }
0x1f1: {  	s2 =	sshll.u32 s15, $0xF;
	s3 =	rddreg [dreg:$0xe];
	v5 =	vshll.u32 v5, $0x3  }
0x1f2: {  	s2 =	sadd.s32 s2, s3;
	v5 =	vor.u32 v4, v5  }
0x1f3: {  	[tilespmem:s0], [sflag:$0x3] =	stream.linear.gather [spmem:s2], $0x800, $0x38;
	[tilespmem:$0x1FF08] =	vst v63  }
0x1f4: {  	_ =	swait.ge [sflag:s22], $0x800  }
0x1f5: {  	[sflag:s22] =	ssyncset.done $0x0  }
0x1f6: {  	[sflag:s22] =	ssyncadd.s32 $0xFFFFF800  }
0x1f7: {  	v6 =	vld.idx.msk [tilespmem:v5+s0+$0x0], $0xffff  }
0x1f8: {  	v7 =	vor.u32 $0x1, v5;
	_ =	sdelay $0x1  }
0x1f9: {  	s26 =	sand.u32 $0x70, s1;
	s29 =	sand.u32 $0x400, s1  }
0x1fa: {  	s2 =	sor.u32 s26, s29  }
0x1fb: {  	[tilespmem:s2+$0x1BF00] =	vst v6  }
0x1fc: {  	v6 =	vld.idx.msk [tilespmem:v7+s0+$0x0], $0xffff  }
0x1fd: {  	v7 =	vor.u32 $0x2, v5;
	_ =	sdelay $0x2  }
0x1fe: {  	s3 =	sadd.s32 $0x1BF00, s2  }
0x1ff: {  	[tilespmem:s3+$0x80] =	vst v6  }
0x200: {  	v6 =	vld.idx.msk [tilespmem:v7+s0+$0x0], $0xffff  }
0x201: {  	v7 =	vor.u32 $0x3, v5;
	_ =	sdelay $0x3  }
0x202: {  	[tilespmem:s3+$0x100] =	vst v6  }
0x203: {  	v6 =	vld.idx.msk [tilespmem:v7+s0+$0x0], $0xffff  }
0x204: {  	v7 =	vor.u32 $0x4, v5;
	_ =	sdelay $0x3  }
0x205: {  	[tilespmem:s3+$0x180] =	vst v6  }
0x206: {  	v6 =	vld.idx.msk [tilespmem:v7+s0+$0x0], $0xffff  }
0x207: {  	v7 =	vor.u32 $0x5, v5;
	_ =	sdelay $0x3  }
0x208: {  	[tilespmem:s3+$0x200] =	vst v6  }
0x209: {  	v6 =	vld.idx.msk [tilespmem:v7+s0+$0x0], $0xffff  }
0x20a: {  	v7 =	vor.u32 $0x6, v5;
	_ =	sdelay $0x3  }
0x20b: {  	[tilespmem:s3+$0x280] =	vst v6  }
0x20c: {  	v6 =	vld.idx.msk [tilespmem:v7+s0+$0x0], $0xffff  }
0x20d: {  	v5 =	vor.u32 $0x7, v5;
	_ =	sdelay $0x3  }
0x20e: {  	s2 =	simm.s32 $0x10;
	[tilespmem:s3+$0x300] =	vst v6  }
0x20f: {  	s11 =	simm.s32 $0x20;
	s9 =	simm.s32 $0x0;
	v6 =	vmov s2;
	v5 =	vld.idx.msk [tilespmem:v5+s0+$0x0], $0xffff  }
.LBB2_31:
0x210: {  	p2 =	sne.s32 s11, $0xF0;
	v6 =	vshll.u32 v6, $0x3  }
0x211: {  	v6 =	vor.u32 v4, v6;
	_ =	sdelay $0x1  }
0x212: {  	s3 =	sor.u32 s9, s1;
	s1 =	smov.u32 s2;
	s2 =	smov.u32 s11  }
0x213: {  	s3 =	sor.u32 $0x380, s3  }
0x214: {  	[tilespmem:s3+$0x1BF00] =	vst v5  }
0x215: {  	v5 =	vld.idx.msk [tilespmem:v6+s0+$0x0], $0xffff;
	_ =	sdelay $0x1  }
0x216: {  	v7 =	vor.u32 $0x1, v6  }
0x217: {  	s9 =	sadd.s32 $0x80, s9  }
0x218: {  	s6 =	sand.u32 $0x400, s9;
	s3 =	sand.u32 $0x70, s1  }
0x219: {  	s3 =	sor.u32 s3, s6  }
0x21a: {  	[tilespmem:s3+$0x1BF00] =	vst v5  }
0x21b: {  	v5 =	vld.idx.msk [tilespmem:v7+s0+$0x0], $0xffff;
	_ =	sdelay $0x1  }
0x21c: {  	v7 =	vor.u32 $0x2, v6;
	_ =	sdelay $0x2  }
0x21d: {  	s3 =	sadd.s32 $0x1BF00, s3  }
0x21e: {  	[tilespmem:s3+$0x80] =	vst v5  }
0x21f: {  	v5 =	vld.idx.msk [tilespmem:v7+s0+$0x0], $0xffff;
	_ =	sdelay $0x1  }
0x220: {  	v7 =	vor.u32 $0x3, v6;
	_ =	sdelay $0x3  }
0x221: {  	[tilespmem:s3+$0x100] =	vst v5  }
0x222: {  	v5 =	vld.idx.msk [tilespmem:v7+s0+$0x0], $0xffff;
	_ =	sdelay $0x1  }
0x223: {  	v7 =	vor.u32 $0x4, v6;
	_ =	sdelay $0x3  }
0x224: {  	[tilespmem:s3+$0x180] =	vst v5  }
0x225: {  	v5 =	vld.idx.msk [tilespmem:v7+s0+$0x0], $0xffff;
	_ =	sdelay $0x1  }
0x226: {  	v7 =	vor.u32 $0x5, v6;
	_ =	sdelay $0x3  }
0x227: {  	[tilespmem:s3+$0x200] =	vst v5  }
0x228: {  	v5 =	vld.idx.msk [tilespmem:v7+s0+$0x0], $0xffff;
	_ =	sdelay $0x1  }
0x229: {  	v7 =	vor.u32 $0x6, v6;
	_ =	sdelay $0x3  }
0x22a: {  	[tilespmem:s3+$0x280] =	vst v5  }
0x22b: {  	v5 =	vld.idx.msk [tilespmem:v7+s0+$0x0], $0xffff;
	_ =	sdelay $0x1  }
0x22c: {  	v7 =	vor.u32 $0x7, v6  }
.Ltmp22:
0x22d: {  	(pc) =	sbr.rel @p2 .LBB2_31-.Ltmp22, $3  }
0x22e: {  	_ =	sdelay $0x1  }
0x22f: {  	[tilespmem:s3+$0x300] =	vst v5  }
0x230: {  	s11 =	sadd.s32 $0x10, s11;
	v6 =	vmov s2;
	v5 =	vld.idx.msk [tilespmem:v7+s0+$0x0], $0xffff  }
0x231: {  	v6 =	vshll.u32 v6, $0x3  }
0x232: {  	v6 =	vor.u32 v4, v6;
	_ =	sdelay $0x1  }
0x233: {  	s1 =	sor.u32 s9, s1  }
0x234: {  	s1 =	sor.u32 $0x380, s1  }
0x235: {  	[tilespmem:s1+$0x1BF00] =	vst v5  }
0x236: {  	v5 =	vld.idx.msk [tilespmem:v6+s0+$0x0], $0xffff  }
0x237: {  	v7 =	vor.u32 $0x1, v6  }
0x238: {  	s15 =	sadd.s32 $0x80, s9  }
0x239: {  	s3 =	sand.u32 $0x70, s2;
	s6 =	sand.u32 $0x400, s15  }
0x23a: {  	s3 =	sor.u32 s3, s6  }
0x23b: {  	[tilespmem:s3+$0x1BF00] =	vst v5  }
0x23c: {  	v5 =	vld.idx.msk [tilespmem:v7+s0+$0x0], $0xffff  }
0x23d: {  	v7 =	vor.u32 $0x2, v6;
	_ =	sdelay $0x2  }
0x23e: {  	s3 =	sadd.s32 $0x1BF00, s3  }
0x23f: {  	[tilespmem:s3+$0x80] =	vst v5  }
0x240: {  	v5 =	vld.idx.msk [tilespmem:v7+s0+$0x0], $0xffff  }
0x241: {  	v7 =	vor.u32 $0x3, v6;
	_ =	sdelay $0x3  }
0x242: {  	[tilespmem:s3+$0x100] =	vst v5  }
0x243: {  	v5 =	vld.idx.msk [tilespmem:v7+s0+$0x0], $0xffff  }
0x244: {  	v7 =	vor.u32 $0x4, v6;
	_ =	sdelay $0x3  }
0x245: {  	[tilespmem:s3+$0x180] =	vst v5  }
0x246: {  	v5 =	vld.idx.msk [tilespmem:v7+s0+$0x0], $0xffff  }
0x247: {  	v7 =	vor.u32 $0x5, v6;
	_ =	sdelay $0x3  }
0x248: {  	[tilespmem:s3+$0x200] =	vst v5  }
0x249: {  	v5 =	vld.idx.msk [tilespmem:v7+s0+$0x0], $0xffff  }
0x24a: {  	v7 =	vor.u32 $0x6, v6;
	_ =	sdelay $0x3  }
0x24b: {  	[tilespmem:s3+$0x280] =	vst v5  }
0x24c: {  	v5 =	vld.idx.msk [tilespmem:v7+s0+$0x0], $0xffff  }
0x24d: {  	v6 =	vor.u32 $0x7, v6;
	_ =	sdelay $0x3  }
0x24e: {  	[tilespmem:s3+$0x300] =	vst v5  }
0x24f: {  	v5 =	vld.idx.msk [tilespmem:v6+s0+$0x0], $0xffff  }
0x250: {  	s18 =	sshll.u32 s13, $0x12;
	s20 =	sshll.u32 s10, $0xF  }
0x251: {  	s3 =	sor.u32 s20, s18  }
0x252: {  	s10 =	simm.s32 $0x0;
	s1 =	sor.u32 s15, s2;
	s24 =	sor.u32 s12, s3  }
0x253: {  	s21 =	sadd.s32 $0x1, s21;
	s1 =	sor.u32 $0x380, s1;
	s2 =	sshrl.u32 s24, $0x3  }
0x254: {  	s29 =	simm.s32 $0x1BF00;
	p2 =	sne.s32 s21, $0x68;
	s26 =	sadd.s32 s17, s2;
	[tilespmem:s1+$0x1BF00] =	vst v5  }
0x255: {  	[hbm4b:s26+s10] =	stream.linear.scatter [tilespmem:s29], [sflag:$0x3], $0x800, $0x38;
	[tilespmem:$0x1FF08] =	vst v63  }
.Ltmp23:
0x256: {  	_ = 	snop;
	(pc) =	sbr.rel @p2 .LBB2_2-.Ltmp23, $4  }
.Ltmp24:
0x257: {  	_ = 	snop;
	(pc) =	sbr.rel @!p2 .LBB2_33-.Ltmp24, $4  }
0x258: {  	_ =	swait.ge [sflag:s22], $0x800  }
0x259: {  	[sflag:s22] =	ssyncset.done $0x0  }
0x25a: {  	[sflag:s22] =	ssyncadd.s32 $0xFFFFF800  }
0x25b: {  	_ = 	snop  }
.LBB2_15:
.Ltmp25:
0x25c: {  	(pc) =	sbr.rel .LBB2_21-.Ltmp25, $2  }
0x25d: {  	_ =	sdelay $0x2  }
0x25e: {  	s24 =	simm.s32 $0x0;
	s26 =	simm.s32 $0x0  }
.LBB2_19:
.Ltmp26:
0x25f: {  	(pc) =	sbr.rel .LBB2_21-.Ltmp26, $2  }
0x260: {  	_ =	sdelay $0x2  }
0x261: {  	s24 =	simm.s32 $0x0  }
.LBB2_51:
0x262: {  	s10 =	sadd.s32 $0x1, s10  }
0x263: {  	p2 =	sne.s32 s10, $0x68  }
.Ltmp27:
0x264: {  	_ = 	snop;
	(pc) =	sbr.rel @!p2 .LBB2_52-.Ltmp27, $1  }
0x265: {  	_ =	sdelay $0x3  }
.LBB2_33:
0x266: {  	s13 =	sshrl.u32 s10, $0x3  }
0x267: {  	s1 =	sand.u32 $0x1, s13  }
0x268: {  	p2 =	sne.s32 s1, s8  }
.Ltmp28:
0x269: {  	_ = 	snop;
	(pc) =	sbr.rel @p2 .LBB2_51-.Ltmp28, $1  }
0x26a: {  	_ =	sdelay $0x3  }
0x26b: {  	s1 =	sshll.u32 s10, $0x3  }
0x26c: {  	s14 =	sand.u32 $0x38, s1;
	s1 =	sshll.u32 s13, $0x7  }
0x26d: {  	s2 =	sor.u32 s14, s1  }
0x26e: {  	s21 =	sshll.u32 s13, $0x8;
	v5 =	vmov s2  }
0x26f: {  	s3 =	sand.u32 $0x380, s1;
	s2 =	sand.u32 $0x800, s21  }
0x270: {  	s24 =	simm.s32 $0x0;
	s2 =	sor.u32 s3, s2  }
0x271: {  	s15 =	sadd.s32 $0x1CF00, s2;
	s2 =	sand.u32 $0x400, s24  }
0x272: {  	s9 =	sand.u32 $0x70, s24;
	s26 =	sadd.s32 s2, s15  }
0x273: {  	s3 =	sadd.s32 s9, s26;
	v5 =	vld.idx.msk [tilespmem:v5+s23+$0x0], $0xffff  }
0x274: {  	v6 =	vld [tilespmem:s3+$0x0];
	_ =	sdelay $0x3  }
0x275: {  	s29 =	simm.s32 $0x10;
	s18 =	simm.s32 $0x80  }
0x276: {  	s11 =	sand.u32 $0x70, s29;
	s20 =	sand.u32 $0x400, s18;
	s3 =	simm.s32 $0x20;
	v6 =	vmul.f32 v6, v5  }
.LBB2_35:
0x277: {  	p2 =	sne.s32 s3, $0xF0;
	s6 =	sadd.s32 s20, s15;
	s2 =	sor.u32 s9, s2  }
0x278: {  	s9 =	smov.u32 s11;
	s6 =	sadd.s32 s11, s6;
	[tilespmem:s2+$0x1BF00] =	vst v6;
	s2 =	smov.u32 s20  }
0x279: {  	v6 =	vld [tilespmem:s6+$0x0]  }
.Ltmp29:
0x27a: {  	(pc) =	sbr.rel @p2 .LBB2_35-.Ltmp29, $3  }
0x27b: {  	_ =	sdelay $0x1  }
0x27c: {  	s18 =	sadd.s32 $0x80, s18  }
0x27d: {  	s11 =	sand.u32 $0x70, s3;
	s20 =	sand.u32 $0x400, s18;
	s3 =	sadd.s32 $0x10, s3;
	v6 =	vmul.f32 v6, v5  }
0x27e: {  	s3 =	sadd.s32 s20, s15;
	s2 =	sor.u32 s9, s2  }
0x27f: {  	s3 =	sadd.s32 s11, s3;
	[tilespmem:s2+$0x1BF00] =	vst v6  }
0x280: {  	v6 =	vld [tilespmem:s3+$0x0]  }
0x281: {  	s1 =	sadd.s32 s14, s1  }
0x282: {  	s21 =	sadd.s32 $0x1, s1  }
0x283: {  	v7 =	vmov s21;
	_ =	sdelay $0x1  }
0x284: {  	s24 =	simm.s32 $0x0;
	v5 =	vmul.f32 v6, v5  }
0x285: {  	s6 =	sor.u32 s11, s20;
	s2 =	sand.u32 $0x400, s24  }
0x286: {  	s9 =	sand.u32 $0x70, s24;
	s26 =	sadd.s32 s2, s15;
	[tilespmem:s6+$0x1BF00] =	vst v5  }
0x287: {  	s3 =	sadd.s32 s9, s26;
	v5 =	vld.idx.msk [tilespmem:v7+s23+$0x0], $0xffff  }
0x288: {  	v6 =	vld [tilespmem:s3+$0x0];
	_ =	sdelay $0x3  }
0x289: {  	s29 =	simm.s32 $0x10;
	s11 =	simm.s32 $0x80  }
0x28a: {  	s20 =	simm.s32 $0x20;
	s18 =	sand.u32 $0x70, s29;
	s3 =	sand.u32 $0x400, s11;
	v6 =	vmul.f32 v6, v5  }
.LBB2_37:
0x28b: {  	p2 =	sne.s32 s20, $0xF0;
	s6 =	sadd.s32 s3, s15;
	s2 =	sor.u32 s9, s2  }
0x28c: {  	s9 =	smov.u32 s18;
	s6 =	sadd.s32 s18, s6;
	[tilespmem:s2+$0x1BF80] =	vst v6;
	s2 =	smov.u32 s3  }
0x28d: {  	v6 =	vld [tilespmem:s6+$0x0]  }
.Ltmp30:
0x28e: {  	(pc) =	sbr.rel @p2 .LBB2_37-.Ltmp30, $3  }
0x28f: {  	_ =	sdelay $0x1  }
0x290: {  	s11 =	sadd.s32 $0x80, s11  }
0x291: {  	s18 =	sand.u32 $0x70, s20;
	s3 =	sand.u32 $0x400, s11;
	s20 =	sadd.s32 $0x10, s20;
	v6 =	vmul.f32 v6, v5  }
0x292: {  	s6 =	sadd.s32 s3, s15;
	s2 =	sor.u32 s9, s2  }
0x293: {  	s6 =	sadd.s32 s18, s6;
	[tilespmem:s2+$0x1BF80] =	vst v6  }
0x294: {  	v6 =	vld [tilespmem:s6+$0x0];
	_ =	sdelay $0x1  }
0x295: {  	s20 =	sadd.s32 $0x2, s1  }
0x296: {  	v7 =	vmov s20;
	_ =	sdelay $0x1  }
0x297: {  	s21 =	simm.s32 $0x0;
	v5 =	vmul.f32 v6, v5  }
0x298: {  	s24 =	sor.u32 s18, s3;
	s2 =	sand.u32 $0x400, s21  }
0x299: {  	s9 =	sand.u32 $0x70, s21;
	s26 =	sadd.s32 s2, s15;
	[tilespmem:s24+$0x1BF80] =	vst v5  }
0x29a: {  	s3 =	sadd.s32 s9, s26;
	v5 =	vld.idx.msk [tilespmem:v7+s23+$0x0], $0xffff  }
0x29b: {  	v6 =	vld [tilespmem:s3+$0x0];
	_ =	sdelay $0x3  }
0x29c: {  	s29 =	simm.s32 $0x10;
	s11 =	simm.s32 $0x80  }
0x29d: {  	s18 =	sand.u32 $0x70, s29;
	s20 =	simm.s32 $0x20;
	s3 =	sand.u32 $0x400, s11;
	v6 =	vmul.f32 v6, v5  }
.LBB2_39:
0x29e: {  	p2 =	sne.s32 s20, $0xF0;
	s6 =	sadd.s32 s3, s15;
	s2 =	sor.u32 s9, s2  }
0x29f: {  	s9 =	smov.u32 s18;
	s6 =	sadd.s32 s18, s6;
	[tilespmem:s2+$0x1C000] =	vst v6;
	s2 =	smov.u32 s3  }
0x2a0: {  	v6 =	vld [tilespmem:s6+$0x0]  }
.Ltmp31:
0x2a1: {  	(pc) =	sbr.rel @p2 .LBB2_39-.Ltmp31, $3  }
0x2a2: {  	_ =	sdelay $0x1  }
0x2a3: {  	s11 =	sadd.s32 $0x80, s11  }
0x2a4: {  	s18 =	sand.u32 $0x70, s20;
	s3 =	sand.u32 $0x400, s11;
	s20 =	sadd.s32 $0x10, s20;
	v6 =	vmul.f32 v6, v5  }
0x2a5: {  	s6 =	sadd.s32 s3, s15;
	s2 =	sor.u32 s9, s2  }
0x2a6: {  	s6 =	sadd.s32 s18, s6;
	[tilespmem:s2+$0x1C000] =	vst v6  }
0x2a7: {  	v6 =	vld [tilespmem:s6+$0x0];
	_ =	sdelay $0x1  }
0x2a8: {  	s20 =	sadd.s32 $0x3, s1  }
0x2a9: {  	v7 =	vmov s20;
	_ =	sdelay $0x1  }
0x2aa: {  	s21 =	simm.s32 $0x0;
	v5 =	vmul.f32 v6, v5  }
0x2ab: {  	s24 =	sor.u32 s18, s3;
	s2 =	sand.u32 $0x400, s21  }
0x2ac: {  	s9 =	sand.u32 $0x70, s21;
	s26 =	sadd.s32 s2, s15;
	[tilespmem:s24+$0x1C000] =	vst v5  }
0x2ad: {  	s3 =	sadd.s32 s9, s26;
	v5 =	vld.idx.msk [tilespmem:v7+s23+$0x0], $0xffff  }
0x2ae: {  	v6 =	vld [tilespmem:s3+$0x0];
	_ =	sdelay $0x3  }
0x2af: {  	s29 =	simm.s32 $0x10;
	s11 =	simm.s32 $0x80  }
0x2b0: {  	s18 =	sand.u32 $0x70, s29;
	s20 =	simm.s32 $0x20;
	s3 =	sand.u32 $0x400, s11;
	v6 =	vmul.f32 v6, v5  }
.LBB2_41:
0x2b1: {  	p2 =	sne.s32 s20, $0xF0;
	s6 =	sadd.s32 s3, s15;
	s2 =	sor.u32 s9, s2  }
0x2b2: {  	s9 =	smov.u32 s18;
	s6 =	sadd.s32 s18, s6;
	[tilespmem:s2+$0x1C080] =	vst v6;
	s2 =	smov.u32 s3  }
0x2b3: {  	v6 =	vld [tilespmem:s6+$0x0]  }
.Ltmp32:
0x2b4: {  	(pc) =	sbr.rel @p2 .LBB2_41-.Ltmp32, $3  }
0x2b5: {  	_ =	sdelay $0x1  }
0x2b6: {  	s11 =	sadd.s32 $0x80, s11  }
0x2b7: {  	s18 =	sand.u32 $0x70, s20;
	s3 =	sand.u32 $0x400, s11;
	s20 =	sadd.s32 $0x10, s20;
	v6 =	vmul.f32 v6, v5  }
0x2b8: {  	s6 =	sadd.s32 s3, s15;
	s2 =	sor.u32 s9, s2  }
0x2b9: {  	s6 =	sadd.s32 s18, s6;
	[tilespmem:s2+$0x1C080] =	vst v6  }
0x2ba: {  	v6 =	vld [tilespmem:s6+$0x0];
	_ =	sdelay $0x1  }
0x2bb: {  	s20 =	sadd.s32 $0x4, s1  }
0x2bc: {  	v7 =	vmov s20;
	_ =	sdelay $0x1  }
0x2bd: {  	s21 =	simm.s32 $0x0;
	v5 =	vmul.f32 v6, v5  }
0x2be: {  	s24 =	sor.u32 s18, s3;
	s2 =	sand.u32 $0x400, s21  }
0x2bf: {  	s9 =	sand.u32 $0x70, s21;
	s26 =	sadd.s32 s2, s15;
	[tilespmem:s24+$0x1C080] =	vst v5  }
0x2c0: {  	s3 =	sadd.s32 s9, s26;
	v5 =	vld.idx.msk [tilespmem:v7+s23+$0x0], $0xffff  }
0x2c1: {  	v6 =	vld [tilespmem:s3+$0x0];
	_ =	sdelay $0x3  }
0x2c2: {  	s29 =	simm.s32 $0x10;
	s11 =	simm.s32 $0x80  }
0x2c3: {  	s18 =	sand.u32 $0x70, s29;
	s20 =	simm.s32 $0x20;
	s3 =	sand.u32 $0x400, s11;
	v6 =	vmul.f32 v6, v5  }
.LBB2_43:
0x2c4: {  	p2 =	sne.s32 s20, $0xF0;
	s6 =	sadd.s32 s3, s15;
	s2 =	sor.u32 s9, s2  }
0x2c5: {  	s9 =	smov.u32 s18;
	s6 =	sadd.s32 s18, s6;
	[tilespmem:s2+$0x1C100] =	vst v6;
	s2 =	smov.u32 s3  }
0x2c6: {  	v6 =	vld [tilespmem:s6+$0x0]  }
.Ltmp33:
0x2c7: {  	(pc) =	sbr.rel @p2 .LBB2_43-.Ltmp33, $3  }
0x2c8: {  	_ =	sdelay $0x1  }
0x2c9: {  	s11 =	sadd.s32 $0x80, s11  }
0x2ca: {  	s18 =	sand.u32 $0x70, s20;
	s3 =	sand.u32 $0x400, s11;
	s20 =	sadd.s32 $0x10, s20;
	v6 =	vmul.f32 v6, v5  }
0x2cb: {  	s6 =	sadd.s32 s3, s15;
	s2 =	sor.u32 s9, s2  }
0x2cc: {  	s6 =	sadd.s32 s18, s6;
	[tilespmem:s2+$0x1C100] =	vst v6  }
0x2cd: {  	v6 =	vld [tilespmem:s6+$0x0];
	_ =	sdelay $0x1  }
0x2ce: {  	s20 =	sadd.s32 $0x5, s1  }
0x2cf: {  	v7 =	vmov s20;
	_ =	sdelay $0x1  }
0x2d0: {  	s21 =	simm.s32 $0x0;
	v5 =	vmul.f32 v6, v5  }
0x2d1: {  	s24 =	sor.u32 s18, s3;
	s2 =	sand.u32 $0x400, s21  }
0x2d2: {  	s9 =	sand.u32 $0x70, s21;
	s26 =	sadd.s32 s2, s15;
	[tilespmem:s24+$0x1C100] =	vst v5  }
0x2d3: {  	s3 =	sadd.s32 s9, s26;
	v5 =	vld.idx.msk [tilespmem:v7+s23+$0x0], $0xffff  }
0x2d4: {  	v6 =	vld [tilespmem:s3+$0x0];
	_ =	sdelay $0x3  }
0x2d5: {  	s29 =	simm.s32 $0x10;
	s11 =	simm.s32 $0x80  }
0x2d6: {  	s18 =	sand.u32 $0x70, s29;
	s20 =	simm.s32 $0x20;
	s3 =	sand.u32 $0x400, s11;
	v6 =	vmul.f32 v6, v5  }
.LBB2_45:
0x2d7: {  	p2 =	sne.s32 s20, $0xF0;
	s6 =	sadd.s32 s3, s15;
	s2 =	sor.u32 s9, s2  }
0x2d8: {  	s9 =	smov.u32 s18;
	s6 =	sadd.s32 s18, s6;
	[tilespmem:s2+$0x1C180] =	vst v6;
	s2 =	smov.u32 s3  }
0x2d9: {  	v6 =	vld [tilespmem:s6+$0x0]  }
.Ltmp34:
0x2da: {  	(pc) =	sbr.rel @p2 .LBB2_45-.Ltmp34, $3  }
0x2db: {  	_ =	sdelay $0x1  }
0x2dc: {  	s11 =	sadd.s32 $0x80, s11  }
0x2dd: {  	s18 =	sand.u32 $0x70, s20;
	s3 =	sand.u32 $0x400, s11;
	s20 =	sadd.s32 $0x10, s20;
	v6 =	vmul.f32 v6, v5  }
0x2de: {  	s6 =	sadd.s32 s3, s15;
	s2 =	sor.u32 s9, s2  }
0x2df: {  	s6 =	sadd.s32 s18, s6;
	[tilespmem:s2+$0x1C180] =	vst v6  }
0x2e0: {  	v6 =	vld [tilespmem:s6+$0x0];
	_ =	sdelay $0x1  }
0x2e1: {  	s20 =	sadd.s32 $0x6, s1  }
0x2e2: {  	v7 =	vmov s20;
	_ =	sdelay $0x1  }
0x2e3: {  	s21 =	simm.s32 $0x0;
	v5 =	vmul.f32 v6, v5  }
0x2e4: {  	s24 =	sor.u32 s18, s3;
	s2 =	sand.u32 $0x400, s21  }
0x2e5: {  	s9 =	sand.u32 $0x70, s21;
	s26 =	sadd.s32 s2, s15;
	[tilespmem:s24+$0x1C180] =	vst v5  }
0x2e6: {  	s3 =	sadd.s32 s9, s26;
	v5 =	vld.idx.msk [tilespmem:v7+s23+$0x0], $0xffff  }
0x2e7: {  	v6 =	vld [tilespmem:s3+$0x0];
	_ =	sdelay $0x3  }
0x2e8: {  	s29 =	simm.s32 $0x10;
	s11 =	simm.s32 $0x80  }
0x2e9: {  	s18 =	sand.u32 $0x70, s29;
	s20 =	simm.s32 $0x20;
	s3 =	sand.u32 $0x400, s11;
	v6 =	vmul.f32 v6, v5  }
.LBB2_47:
0x2ea: {  	p2 =	sne.s32 s20, $0xF0;
	s6 =	sadd.s32 s3, s15;
	s2 =	sor.u32 s9, s2  }
0x2eb: {  	s9 =	smov.u32 s18;
	s6 =	sadd.s32 s18, s6;
	[tilespmem:s2+$0x1C200] =	vst v6;
	s2 =	smov.u32 s3  }
0x2ec: {  	v6 =	vld [tilespmem:s6+$0x0]  }
.Ltmp35:
0x2ed: {  	(pc) =	sbr.rel @p2 .LBB2_47-.Ltmp35, $3  }
0x2ee: {  	_ =	sdelay $0x1  }
0x2ef: {  	s11 =	sadd.s32 $0x80, s11  }
0x2f0: {  	s18 =	sand.u32 $0x70, s20;
	s3 =	sand.u32 $0x400, s11;
	s20 =	sadd.s32 $0x10, s20;
	v6 =	vmul.f32 v6, v5  }
0x2f1: {  	s6 =	sadd.s32 s3, s15;
	s2 =	sor.u32 s9, s2  }
0x2f2: {  	s6 =	sadd.s32 s18, s6;
	[tilespmem:s2+$0x1C200] =	vst v6  }
0x2f3: {  	v6 =	vld [tilespmem:s6+$0x0];
	_ =	sdelay $0x1  }
0x2f4: {  	s1 =	sadd.s32 $0x7, s1  }
0x2f5: {  	v7 =	vmov s1;
	_ =	sdelay $0x1  }
0x2f6: {  	s21 =	simm.s32 $0x0;
	v5 =	vmul.f32 v6, v5  }
0x2f7: {  	s24 =	sor.u32 s18, s3;
	s26 =	sand.u32 $0x400, s21  }
0x2f8: {  	s29 =	sand.u32 $0x70, s21;
	s2 =	sadd.s32 s26, s15;
	[tilespmem:s24+$0x1C200] =	vst v5  }
0x2f9: {  	s1 =	sadd.s32 s29, s2;
	v5 =	vld.idx.msk [tilespmem:v7+s23+$0x0], $0xffff  }
0x2fa: {  	v6 =	vld [tilespmem:s1+$0x0];
	_ =	sdelay $0x3  }
0x2fb: {  	s9 =	simm.s32 $0x20;
	s2 =	simm.s32 $0x10;
	s1 =	simm.s32 $0x80  }
0x2fc: {  	s18 =	sor.u32 s21, s21;
	s3 =	sand.u32 $0x70, s2;
	s11 =	sand.u32 $0x400, s1;
	v6 =	vmul.f32 v6, v5  }
.LBB2_49:
0x2fd: {  	p2 =	sne.s32 s9, $0xF0;
	s6 =	sadd.s32 s11, s15;
	s11 =	sor.u32 $0x380, s18  }
0x2fe: {  	s18 =	smov.u32 s2;
	s3 =	sadd.s32 s3, s6;
	[tilespmem:s11+$0x1BF00] =	vst v6;
	s6 =	smov.u32 s1  }
0x2ff: {  	s2 =	smov.u32 s9;
	v6 =	vld [tilespmem:s3+$0x0]  }
.Ltmp36:
0x300: {  	(pc) =	sbr.rel @p2 .LBB2_49-.Ltmp36, $3  }
0x301: {  	_ =	sdelay $0x1  }
0x302: {  	s1 =	sadd.s32 $0x80, s1;
	s3 =	sand.u32 $0x70, s9  }
0x303: {  	s11 =	sand.u32 $0x400, s1;
	s9 =	sadd.s32 $0x10, s9;
	s18 =	sor.u32 s6, s18;
	v6 =	vmul.f32 v6, v5  }
0x304: {  	s6 =	sadd.s32 s11, s15;
	s9 =	sor.u32 $0x380, s18  }
0x305: {  	s3 =	sadd.s32 s3, s6;
	[tilespmem:s9+$0x1BF00] =	vst v6  }
0x306: {  	v6 =	vld [tilespmem:s3+$0x0];
	_ =	sdelay $0x1  }
0x307: {  	s20 =	sshll.u32 s13, $0x12;
	s21 =	sshll.u32 s14, $0xC  }
0x308: {  	s3 =	sor.u32 s21, s20  }
0x309: {  	s3 =	sadd.s32 s12, s3  }
0x30a: {  	s1 =	sor.u32 s1, s2;
	s24 =	sadd.s32 $0x680000, s3;
	v5 =	vmul.f32 v6, v5  }
0x30b: {  	s1 =	sor.u32 $0x380, s1;
	s2 =	sshrl.u32 s24, $0x3  }
.Ltmp37:
0x30c: {  	s29 =	simm.s32 $0x1BF00;
	s26 =	sadd.s32 s17, s2;
	[tilespmem:s1+$0x1BF00] =	vst v5;
	(pc) =	sbr.rel .LBB2_51-.Ltmp37, $4  }
0x30d: {  	[hbm4b:s26+s7] =	stream.linear.scatter [tilespmem:s29], [sflag:$0x3], $0x800, $0x38;
	[tilespmem:$0x1FF08] =	vst v63  }
0x30e: {  	_ =	swait.ge [sflag:s22], $0x800  }
0x30f: {  	[sflag:s22] =	ssyncset.done $0x0  }
0x310: {  	[sflag:s22] =	ssyncadd.s32 $0xFFFFF800  }
.LBB2_53:
0x311: {  	_ =	sfence.sel $0x180000  }
0x312: {  	[bflag:$0x0] =	sbarrier.arrive $0xFFFF  }
0x313: {  	_ =	strace $0x90000047  }
0x314: {  	[bflag:$0x2] =	sbarrier.arrive $0xFFFF  }
0x315: {  	p0 =	sne.s32 s16, $0x0;
	s0 =	rddreg [dreg:$0x6]  }
0x316: {  	s0 =	sadd.s32 @!p0 $0x100000, s0  }
0x317: {  	[sflag:s0] =	ssyncadd.tile.s32 @!p0 $0x1;
	_ =	shalt  }
.Lfunc_end2:
_tile_overlayer_lowered:
.L_overlay_start_2:
0x318: {  	(tag) =	ssettag $0x2  }
0x319: {  	s0 =	rddreg [dreg:$0x0];
	s2 =	stileid.u32  }
0x31a: {  	s1 =	rddreg [dreg:$0x1];
	p0 =	sne.s32 s2, $0x0  }
0x31b: {  	s3 =	rddreg [dreg:$0x2];
	[bflag:$0x3] =	sbarrier.arrive $0xFFFF;
	s2 =	simm.s32 @!p0 $0x1C03  }
0x31c: {  	[timem:s3], [sflag:s2] =	dma.local @!p0 [hbm:s0], s1  }
0x31d: {  	s0 =	simm.s32 @!p0 $0x3  }
0x31e: {  	_ =	swait.ge @!p0 [sflag:s0], s1  }
0x31f: {  	s1 =	ssub.s32 @!p0 $0x0, s1;
	[sflag:s0] =	ssyncset.done @!p0 $0x0  }
0x320: {  	[sflag:s0] =	ssyncadd.s32 @!p0 s1  }
0x321: {  	[bflag:$0x3] =	sbarrier.arrive $0xFFFF  }
0x322: {  	_ =	shalt  }

</sc_bundles>
